<compile_context>
chip_gen: v7x
topology: tpu7x:2x2x1
jax: 0.10.2.dev20260603
libtpu: 0.0.44.dev20260713+nightly
codegen_flags: <defaults>
</compile_context>

<pallas_src>
import functools
import math

import jax
import jax.numpy as jnp
import numpy as np
from jax import lax
from jax.experimental import pallas as pl
from jax.experimental.pallas import tpu as pltpu
from jax.experimental.pallas import tpu_sc as plsc

_VOCAB = 1000000
_EMB = 64
_BATCH = 1024
_SEQ = 200

_NC, _NS = 2, 16
_NW = _NC * _NS
_N = _BATCH * _SEQ
_K = 128
_ROWS_PER_W = _N // _NW
_CHUNKS = _ROWS_PER_W // _K
_TOTC = _NW * _CHUNKS
_S = 10
_H = _S // 2
_GPC = _CHUNKS // _S
_V = 16


def _pe_table():
    position = np.arange(0, _SEQ, dtype=np.float64)[:, None]
    div_term = np.exp(
        np.arange(0, _EMB, 2, dtype=np.float64) * -(math.log(10000.0) / _EMB))
    pe = np.zeros((_SEQ, _EMB), dtype=np.float32)
    pe[:, 0::2] = np.sin(position * div_term).astype(np.float32)
    pe[:, 1::2] = np.cos(position * div_term).astype(np.float32)
    return pe


_PE_CHUNK = _pe_table()[
    (np.arange(_TOTC) // (_BATCH // _K)).reshape(_NW, _CHUNKS)]


def _sc_body(idx_hbm, table_hbm, pe_hbm, out_hbm, idx_v, pe_v, gbuf, *sems):
    gsem, osem = sems[:_S], sems[_S:]
    w = lax.axis_index("s") * _NC + lax.axis_index("c")
    pltpu.sync_copy(idx_hbm.at[w], idx_v)
    pltpu.sync_copy(pe_hbm.at[w], pe_v)

    def gather(c, k):
        return pltpu.make_async_copy(
            table_hbm.at[idx_v.at[c]], gbuf.at[k], gsem[k])

    def wback(c, k):
        return pltpu.make_async_copy(gbuf.at[k], out_hbm.at[w, c], osem[k])

    def pe_add(t, k):
        pev = [pe_v[t, _V * j:_V * (j + 1)] for j in range(_EMB // _V)]

        def row(r, carry):
            for j in range(_EMB // _V):
                sl = slice(_V * j, _V * (j + 1))
                gbuf[k, r, sl] = gbuf[k, r, sl] + pev[j]
            return carry

        lax.fori_loop(0, _K, row, 0)

    for k in range(_H):
        gather(k, k).start()

    def turn(i, carry):
        for k in range(_S):
            t = i * _S + k
            kp = (k + _H) % _S
            cp = t + _H

            @pl.when(cp < _CHUNKS)
            def _():
                @pl.when(cp - _S >= 0)
                def _():
                    wback(cp - _S, kp).wait()
                gather(cp, kp).start()

            gather(t, k).wait()
            pe_add(t, k)
            wback(t, k).start()
        return carry

    lax.fori_loop(0, _GPC, turn, 0)

    for c in range(_CHUNKS - _H, _CHUNKS):
        wback(c, c % _S).wait()


def kernel(input, table):
    idx = input.T.reshape(_NW, _CHUNKS, _K)

    sc_gather = functools.partial(
        pl.kernel,
        out_type=jax.ShapeDtypeStruct((_NW, _CHUNKS, _K, _EMB), jnp.float32),
        mesh=plsc.VectorSubcoreMesh(
            core_axis_name="c", subcore_axis_name="s",
            num_cores=_NC, num_subcores=_NS),
        scratch_types=[
            pltpu.VMEM((_CHUNKS, _K), jnp.int32),
            pltpu.VMEM((_CHUNKS, _EMB), jnp.float32),
            pltpu.VMEM((_S, _K, _EMB), jnp.float32),
        ] + [pltpu.SemaphoreType.DMA] * (2 * _S),
        compiler_params=pltpu.CompilerParams(use_tc_tiling_on_sc=False),
    )(_sc_body)

    rows = sc_gather(idx, table, jnp.asarray(_PE_CHUNK))
    return rows.reshape(_SEQ, _BATCH, _EMB)

# --- scband reference (transcript-rebuilt; emitter-appended) ---
"""Pipeline reference for scband-positional-embedding-87222195847364 (READ-ONLY COPY).

The authoritative reference and input builder live on the scoring server;
editing this copy changes nothing except your own understanding.
"""

import math
import jax, jax.numpy as jnp
import numpy as np

VOCAB = 1000000
EMB = 64
MAX_LEN = 512
BATCH = 1024
SEQ = 200

def _make_pe(max_len, emb):
    position = np.arange(0, max_len, dtype=np.float64)[:, None]
    div_term = np.exp(np.arange(0, emb, 2, dtype=np.float64) * -(math.log(10000.0) / emb))
    pe = np.zeros((max_len, emb), dtype=np.float32)
    pe[:, 0::2] = np.sin(position * div_term).astype(np.float32)
    pe[:, 1::2] = np.cos(position * div_term).astype(np.float32)
    return jnp.asarray(pe[:, None, :])  # [max_len, 1, emb]

_PE = _make_pe(MAX_LEN, EMB)

def setup_inputs(seed: int = 0) -> dict:
    key = jax.random.key(seed)
    k1, k2 = jax.random.split(key)
    inp = jax.random.randint(k1, (BATCH, SEQ), 0, VOCAB, dtype=jnp.int32)
    table = jax.random.normal(k2, (VOCAB, EMB), dtype=jnp.float32) * 0.02
    return {"input": inp, "table": table}

def reference(input, table):
    # input: int[batch, length] -> transpose -> [length, batch]
    idx = input.T
    emb = jnp.take(table, idx, axis=0)  # [length, batch, emb]
    # factorize=False -> no scaling; position=None -> pe[:length]
    pe = _PE[: emb.shape[0]]  # [length, 1, emb]
    out = emb + pe
    # dropout p=0.0 -> identity
    return out

if __name__ == "__main__":
    import jax
    _d = setup_inputs()
    print(jax.jit(kernel)(*tuple(_d.values())))

</pallas_src>

<mosaic_0001>
#map = affine_map<(d0, d1) -> (0, 0, 0)>
#map1 = affine_map<(d0, d1) -> (0, 0)>
#map2 = affine_map<(d0, d1) -> (0, 0, 0, 0)>
module attributes {stable_mosaic.version = 14 : i64} {
  func.func @_sc_body(%arg0: i32, %arg1: i32, %arg2: memref<32x50x128xi32, #tpu.memory_space<hbm>>, %arg3: memref<1000000x64xf32, #tpu.memory_space<hbm>>, %arg4: memref<32x50x64xf32, #tpu.memory_space<hbm>>, %arg5: memref<32x50x128x64xf32, #tpu.memory_space<hbm>>, %arg6: memref<50x128xi32, #tpu.memory_space<vmem>>, %arg7: memref<50x64xf32, #tpu.memory_space<vmem>>, %arg8: memref<10x128x64xf32, #tpu.memory_space<vmem>>, %arg9: memref<!tpu.dma_semaphore, #tpu.memory_space<semaphore_mem>>, %arg10: memref<!tpu.dma_semaphore, #tpu.memory_space<semaphore_mem>>, %arg11: memref<!tpu.dma_semaphore, #tpu.memory_space<semaphore_mem>>, %arg12: memref<!tpu.dma_semaphore, #tpu.memory_space<semaphore_mem>>, %arg13: memref<!tpu.dma_semaphore, #tpu.memory_space<semaphore_mem>>, %arg14: memref<!tpu.dma_semaphore, #tpu.memory_space<semaphore_mem>>, %arg15: memref<!tpu.dma_semaphore, #tpu.memory_space<semaphore_mem>>, %arg16: memref<!tpu.dma_semaphore, #tpu.memory_space<semaphore_mem>>, %arg17: memref<!tpu.dma_semaphore, #tpu.memory_space<semaphore_mem>>, %arg18: memref<!tpu.dma_semaphore, #tpu.memory_space<semaphore_mem>>, %arg19: memref<!tpu.dma_semaphore, #tpu.memory_space<semaphore_mem>>, %arg20: memref<!tpu.dma_semaphore, #tpu.memory_space<semaphore_mem>>, %arg21: memref<!tpu.dma_semaphore, #tpu.memory_space<semaphore_mem>>, %arg22: memref<!tpu.dma_semaphore, #tpu.memory_space<semaphore_mem>>, %arg23: memref<!tpu.dma_semaphore, #tpu.memory_space<semaphore_mem>>, %arg24: memref<!tpu.dma_semaphore, #tpu.memory_space<semaphore_mem>>, %arg25: memref<!tpu.dma_semaphore, #tpu.memory_space<semaphore_mem>>, %arg26: memref<!tpu.dma_semaphore, #tpu.memory_space<semaphore_mem>>, %arg27: memref<!tpu.dma_semaphore, #tpu.memory_space<semaphore_mem>>, %arg28: memref<!tpu.dma_semaphore, #tpu.memory_space<semaphore_mem>>) attributes {dimension_semantics = [#tpu.dimension_semantics<core_parallel>, #tpu.dimension_semantics<subcore_parallel>], iteration_bounds = array<i64: 2, 16>, scalar_prefetch = 0 : i64, scratch_operands = 23 : i64, tpu.core_type = #tpu.core_type<sc_vector_subcore>, window_params = [{transform_indices = #map}, {transform_indices = #map1}, {transform_indices = #map}, {transform_indices = #map2}]} {
    %mul3A = arith.constant 2 : i32
    %mul3A_0 = arith.muli %arg1, %mul3A : i32
    %add3A = arith.addi %mul3A_0, %arg0 : i32
    "tpu.region"() ({
      %run_scoped3A = tpu.sem_alloc : memref<!tpu.dma_semaphore, #tpu.memory_space<semaphore_mem>>
      %dma_start3A_154 = arith.constant 0 : i32
      %dma_start3A_155 = arith.constant 0 : i32
      %dma_start3A_156 = tpu.memref_slice %arg2[%add3A, %dma_start3A_154, %dma_start3A_155] : memref<32x50x128xi32, #tpu.memory_space<hbm>> -> memref<1x50x128xi32, #tpu.memory_space<hbm>>
      %dma_start3A_157 = tpu.memref_squeeze %dma_start3A_156 : memref<1x50x128xi32, #tpu.memory_space<hbm>> -> memref<50x128xi32, #tpu.memory_space<hbm>>
      %dma_start3A_158 = arith.constant 0 : i32
      %dma_start3A_159 = arith.constant 0 : i32
      %dma_start3A_160 = tpu.memref_slice %arg2[%add3A, %dma_start3A_158, %dma_start3A_159] : memref<32x50x128xi32, #tpu.memory_space<hbm>> -> memref<1x50x128xi32, #tpu.memory_space<hbm>>
      %dma_start3A_161 = tpu.memref_squeeze %dma_start3A_160 : memref<1x50x128xi32, #tpu.memory_space<hbm>> -> memref<50x128xi32, #tpu.memory_space<hbm>>
      tpu.enqueue_dma source(%dma_start3A_161 : memref<50x128xi32, #tpu.memory_space<hbm>>) target(%arg6 : memref<50x128xi32, #tpu.memory_space<vmem>>) target_semaphore(%run_scoped3A : memref<!tpu.dma_semaphore, #tpu.memory_space<semaphore_mem>>)
      %dma_wait3A_162 = arith.constant 0 : i32
      %dma_wait3A_163 = arith.constant 0 : i32
      %dma_wait3A_164 = tpu.memref_slice %arg2[%add3A, %dma_wait3A_162, %dma_wait3A_163] : memref<32x50x128xi32, #tpu.memory_space<hbm>> -> memref<1x50x128xi32, #tpu.memory_space<hbm>>
      %dma_wait3A_165 = tpu.memref_squeeze %dma_wait3A_164 : memref<1x50x128xi32, #tpu.memory_space<hbm>> -> memref<50x128xi32, #tpu.memory_space<hbm>>
      %dma_wait3A_166 = arith.constant 0 : i32
      %dma_wait3A_167 = arith.constant 0 : i32
      %dma_wait3A_168 = tpu.memref_slice %arg2[%add3A, %dma_wait3A_166, %dma_wait3A_167] : memref<32x50x128xi32, #tpu.memory_space<hbm>> -> memref<1x50x128xi32, #tpu.memory_space<hbm>>
      %dma_wait3A_169 = tpu.memref_squeeze %dma_wait3A_168 : memref<1x50x128xi32, #tpu.memory_space<hbm>> -> memref<50x128xi32, #tpu.memory_space<hbm>>
      tpu.wait_dma2 semaphore(%run_scoped3A : memref<!tpu.dma_semaphore, #tpu.memory_space<semaphore_mem>>) src(%dma_wait3A_169 : memref<50x128xi32, #tpu.memory_space<hbm>>) dst(%arg6 : memref<50x128xi32, #tpu.memory_space<vmem>>)
      tpu.yield
    }) : () -> ()
    "tpu.region"() ({
      %run_scoped3A = tpu.sem_alloc : memref<!tpu.dma_semaphore, #tpu.memory_space<semaphore_mem>>
      %dma_start3A_154 = arith.constant 0 : i32
      %dma_start3A_155 = arith.constant 0 : i32
      %dma_start3A_156 = tpu.memref_slice %arg4[%add3A, %dma_start3A_154, %dma_start3A_155] : memref<32x50x64xf32, #tpu.memory_space<hbm>> -> memref<1x50x64xf32, #tpu.memory_space<hbm>>
      %dma_start3A_157 = tpu.memref_squeeze %dma_start3A_156 : memref<1x50x64xf32, #tpu.memory_space<hbm>> -> memref<50x64xf32, #tpu.memory_space<hbm>>
      %dma_start3A_158 = arith.constant 0 : i32
      %dma_start3A_159 = arith.constant 0 : i32
      %dma_start3A_160 = tpu.memref_slice %arg4[%add3A, %dma_start3A_158, %dma_start3A_159] : memref<32x50x64xf32, #tpu.memory_space<hbm>> -> memref<1x50x64xf32, #tpu.memory_space<hbm>>
      %dma_start3A_161 = tpu.memref_squeeze %dma_start3A_160 : memref<1x50x64xf32, #tpu.memory_space<hbm>> -> memref<50x64xf32, #tpu.memory_space<hbm>>
      tpu.enqueue_dma source(%dma_start3A_161 : memref<50x64xf32, #tpu.memory_space<hbm>>) target(%arg7 : memref<50x64xf32, #tpu.memory_space<vmem>>) target_semaphore(%run_scoped3A : memref<!tpu.dma_semaphore, #tpu.memory_space<semaphore_mem>>)
      %dma_wait3A_162 = arith.constant 0 : i32
      %dma_wait3A_163 = arith.constant 0 : i32
      %dma_wait3A_164 = tpu.memref_slice %arg4[%add3A, %dma_wait3A_162, %dma_wait3A_163] : memref<32x50x64xf32, #tpu.memory_space<hbm>> -> memref<1x50x64xf32, #tpu.memory_space<hbm>>
      %dma_wait3A_165 = tpu.memref_squeeze %dma_wait3A_164 : memref<1x50x64xf32, #tpu.memory_space<hbm>> -> memref<50x64xf32, #tpu.memory_space<hbm>>
      %dma_wait3A_166 = arith.constant 0 : i32
      %dma_wait3A_167 = arith.constant 0 : i32
      %dma_wait3A_168 = tpu.memref_slice %arg4[%add3A, %dma_wait3A_166, %dma_wait3A_167] : memref<32x50x64xf32, #tpu.memory_space<hbm>> -> memref<1x50x64xf32, #tpu.memory_space<hbm>>
      %dma_wait3A_169 = tpu.memref_squeeze %dma_wait3A_168 : memref<1x50x64xf32, #tpu.memory_space<hbm>> -> memref<50x64xf32, #tpu.memory_space<hbm>>
      tpu.wait_dma2 semaphore(%run_scoped3A : memref<!tpu.dma_semaphore, #tpu.memory_space<semaphore_mem>>) src(%dma_wait3A_169 : memref<50x64xf32, #tpu.memory_space<hbm>>) dst(%arg7 : memref<50x64xf32, #tpu.memory_space<vmem>>)
      tpu.yield
    }) : () -> ()
    %dma_start3A = arith.constant 0 : i32
    %dma_start3A_1 = arith.constant 0 : i32
    %dma_start3A_2 = arith.constant 0 : i32
    %dma_start3A_3 = arith.constant 0 : i32
    %dma_start3A_4 = tpu.memref_slice %arg8[%dma_start3A_1, %dma_start3A_2, %dma_start3A_3] : memref<10x128x64xf32, #tpu.memory_space<vmem>> -> memref<1x128x64xf32, #tpu.memory_space<vmem>>
    %dma_start3A_5 = tpu.memref_squeeze %dma_start3A_4 : memref<1x128x64xf32, #tpu.memory_space<vmem>> -> memref<128x64xf32, #tpu.memory_space<vmem>>
    %dma_start3A_6 = arith.constant 0 : i32
    %dma_start3A_7 = tpu.memref_slice %arg6[%dma_start3A, %dma_start3A_6] : memref<50x128xi32, #tpu.memory_space<vmem>> -> memref<1x128xi32, #tpu.memory_space<vmem>>
    %dma_start3A_8 = tpu.memref_squeeze %dma_start3A_7 : memref<1x128xi32, #tpu.memory_space<vmem>> -> memref<128xi32, #tpu.memory_space<vmem>>
    %dma_start3A_9 = arith.constant 0 : i32
    %dma_start3A_10 = arith.constant 0 : i32
    %dma_start3A_11 = tpu.memref_slice %arg3[%dma_start3A_9, %dma_start3A_10] : memref<1000000x64xf32, #tpu.memory_space<hbm>> -> memref<1000000x64xf32, #tpu.memory_space<hbm>>
    tpu.enqueue_indirect_dma source(%dma_start3A_11 : memref<1000000x64xf32, #tpu.memory_space<hbm>>) target(%dma_start3A_5 : memref<128x64xf32, #tpu.memory_space<vmem>>) offsets(%dma_start3A_8 : memref<128xi32, #tpu.memory_space<vmem>>) semaphore(%arg9 : memref<!tpu.dma_semaphore, #tpu.memory_space<semaphore_mem>>)
    %dma_start3A_12 = arith.constant 1 : i32
    %dma_start3A_13 = arith.constant 1 : i32
    %dma_start3A_14 = arith.constant 0 : i32
    %dma_start3A_15 = arith.constant 0 : i32
    %dma_start3A_16 = tpu.memref_slice %arg8[%dma_start3A_13, %dma_start3A_14, %dma_start3A_15] : memref<10x128x64xf32, #tpu.memory_space<vmem>> -> memref<1x128x64xf32, #tpu.memory_space<vmem>>
    %dma_start3A_17 = tpu.memref_squeeze %dma_start3A_16 : memref<1x128x64xf32, #tpu.memory_space<vmem>> -> memref<128x64xf32, #tpu.memory_space<vmem>>
    %dma_start3A_18 = arith.constant 0 : i32
    %dma_start3A_19 = tpu.memref_slice %arg6[%dma_start3A_12, %dma_start3A_18] : memref<50x128xi32, #tpu.memory_space<vmem>> -> memref<1x128xi32, #tpu.memory_space<vmem>>
    %dma_start3A_20 = tpu.memref_squeeze %dma_start3A_19 : memref<1x128xi32, #tpu.memory_space<vmem>> -> memref<128xi32, #tpu.memory_space<vmem>>
    %dma_start3A_21 = arith.constant 0 : i32
    %dma_start3A_22 = arith.constant 0 : i32
    %dma_start3A_23 = tpu.memref_slice %arg3[%dma_start3A_21, %dma_start3A_22] : memref<1000000x64xf32, #tpu.memory_space<hbm>> -> memref<1000000x64xf32, #tpu.memory_space<hbm>>
    tpu.enqueue_indirect_dma source(%dma_start3A_23 : memref<1000000x64xf32, #tpu.memory_space<hbm>>) target(%dma_start3A_17 : memref<128x64xf32, #tpu.memory_space<vmem>>) offsets(%dma_start3A_20 : memref<128xi32, #tpu.memory_space<vmem>>) semaphore(%arg10 : memref<!tpu.dma_semaphore, #tpu.memory_space<semaphore_mem>>)
    %dma_start3A_24 = arith.constant 2 : i32
    %dma_start3A_25 = arith.constant 2 : i32
    %dma_start3A_26 = arith.constant 0 : i32
    %dma_start3A_27 = arith.constant 0 : i32
    %dma_start3A_28 = tpu.memref_slice %arg8[%dma_start3A_25, %dma_start3A_26, %dma_start3A_27] : memref<10x128x64xf32, #tpu.memory_space<vmem>> -> memref<1x128x64xf32, #tpu.memory_space<vmem>>
    %dma_start3A_29 = tpu.memref_squeeze %dma_start3A_28 : memref<1x128x64xf32, #tpu.memory_space<vmem>> -> memref<128x64xf32, #tpu.memory_space<vmem>>
    %dma_start3A_30 = arith.constant 0 : i32
    %dma_start3A_31 = tpu.memref_slice %arg6[%dma_start3A_24, %dma_start3A_30] : memref<50x128xi32, #tpu.memory_space<vmem>> -> memref<1x128xi32, #tpu.memory_space<vmem>>
    %dma_start3A_32 = tpu.memref_squeeze %dma_start3A_31 : memref<1x128xi32, #tpu.memory_space<vmem>> -> memref<128xi32, #tpu.memory_space<vmem>>
    %dma_start3A_33 = arith.constant 0 : i32
    %dma_start3A_34 = arith.constant 0 : i32
    %dma_start3A_35 = tpu.memref_slice %arg3[%dma_start3A_33, %dma_start3A_34] : memref<1000000x64xf32, #tpu.memory_space<hbm>> -> memref<1000000x64xf32, #tpu.memory_space<hbm>>
    tpu.enqueue_indirect_dma source(%dma_start3A_35 : memref<1000000x64xf32, #tpu.memory_space<hbm>>) target(%dma_start3A_29 : memref<128x64xf32, #tpu.memory_space<vmem>>) offsets(%dma_start3A_32 : memref<128xi32, #tpu.memory_space<vmem>>) semaphore(%arg11 : memref<!tpu.dma_semaphore, #tpu.memory_space<semaphore_mem>>)
    %dma_start3A_36 = arith.constant 3 : i32
    %dma_start3A_37 = arith.constant 3 : i32
    %dma_start3A_38 = arith.constant 0 : i32
    %dma_start3A_39 = arith.constant 0 : i32
    %dma_start3A_40 = tpu.memref_slice %arg8[%dma_start3A_37, %dma_start3A_38, %dma_start3A_39] : memref<10x128x64xf32, #tpu.memory_space<vmem>> -> memref<1x128x64xf32, #tpu.memory_space<vmem>>
    %dma_start3A_41 = tpu.memref_squeeze %dma_start3A_40 : memref<1x128x64xf32, #tpu.memory_space<vmem>> -> memref<128x64xf32, #tpu.memory_space<vmem>>
    %dma_start3A_42 = arith.constant 0 : i32
    %dma_start3A_43 = tpu.memref_slice %arg6[%dma_start3A_36, %dma_start3A_42] : memref<50x128xi32, #tpu.memory_space<vmem>> -> memref<1x128xi32, #tpu.memory_space<vmem>>
    %dma_start3A_44 = tpu.memref_squeeze %dma_start3A_43 : memref<1x128xi32, #tpu.memory_space<vmem>> -> memref<128xi32, #tpu.memory_space<vmem>>
    %dma_start3A_45 = arith.constant 0 : i32
    %dma_start3A_46 = arith.constant 0 : i32
    %dma_start3A_47 = tpu.memref_slice %arg3[%dma_start3A_45, %dma_start3A_46] : memref<1000000x64xf32, #tpu.memory_space<hbm>> -> memref<1000000x64xf32, #tpu.memory_space<hbm>>
    tpu.enqueue_indirect_dma source(%dma_start3A_47 : memref<1000000x64xf32, #tpu.memory_space<hbm>>) target(%dma_start3A_41 : memref<128x64xf32, #tpu.memory_space<vmem>>) offsets(%dma_start3A_44 : memref<128xi32, #tpu.memory_space<vmem>>) semaphore(%arg12 : memref<!tpu.dma_semaphore, #tpu.memory_space<semaphore_mem>>)
    %dma_start3A_48 = arith.constant 4 : i32
    %dma_start3A_49 = arith.constant 4 : i32
    %dma_start3A_50 = arith.constant 0 : i32
    %dma_start3A_51 = arith.constant 0 : i32
    %dma_start3A_52 = tpu.memref_slice %arg8[%dma_start3A_49, %dma_start3A_50, %dma_start3A_51] : memref<10x128x64xf32, #tpu.memory_space<vmem>> -> memref<1x128x64xf32, #tpu.memory_space<vmem>>
    %dma_start3A_53 = tpu.memref_squeeze %dma_start3A_52 : memref<1x128x64xf32, #tpu.memory_space<vmem>> -> memref<128x64xf32, #tpu.memory_space<vmem>>
    %dma_start3A_54 = arith.constant 0 : i32
    %dma_start3A_55 = tpu.memref_slice %arg6[%dma_start3A_48, %dma_start3A_54] : memref<50x128xi32, #tpu.memory_space<vmem>> -> memref<1x128xi32, #tpu.memory_space<vmem>>
    %dma_start3A_56 = tpu.memref_squeeze %dma_start3A_55 : memref<1x128xi32, #tpu.memory_space<vmem>> -> memref<128xi32, #tpu.memory_space<vmem>>
    %dma_start3A_57 = arith.constant 0 : i32
    %dma_start3A_58 = arith.constant 0 : i32
    %dma_start3A_59 = tpu.memref_slice %arg3[%dma_start3A_57, %dma_start3A_58] : memref<1000000x64xf32, #tpu.memory_space<hbm>> -> memref<1000000x64xf32, #tpu.memory_space<hbm>>
    tpu.enqueue_indirect_dma source(%dma_start3A_59 : memref<1000000x64xf32, #tpu.memory_space<hbm>>) target(%dma_start3A_53 : memref<128x64xf32, #tpu.memory_space<vmem>>) offsets(%dma_start3A_56 : memref<128xi32, #tpu.memory_space<vmem>>) semaphore(%arg13 : memref<!tpu.dma_semaphore, #tpu.memory_space<semaphore_mem>>)
    %scan3A = arith.constant 0 : i32
    %scan3A_60 = arith.constant 0 : i32
    %scan3A_61 = arith.constant 5 : i32
    %scan3A_62 = arith.addi %scan3A_60, %scan3A_61 : i32
    %scan3A_63 = arith.constant 1 : i32
    scf.for %scan3A_154 = %scan3A_60 to %scan3A_62 step %scan3A_63  : i32 {
      %mul3A_155 = arith.constant 10 : i32
      %mul3A_156 = arith.muli %scan3A_154, %mul3A_155 : i32
      %add3A_157 = arith.constant 0 : i32
      %add3A_158 = arith.addi %mul3A_156, %add3A_157 : i32
      %add3A_159 = arith.constant 5 : i32
      %add3A_160 = arith.addi %add3A_158, %add3A_159 : i32
      %lt3A = arith.constant 50 : i32
      %lt3A_161 = arith.cmpi slt, %add3A_160, %lt3A : i32
      %convert_element_type3A = arith.extui %lt3A_161 : i1 to i32
      %cond3A = arith.constant 0 : i32
      %cond3A_162 = arith.cmpi ne, %convert_element_type3A, %cond3A : i32
      scf.if %cond3A_162 {
        %sub3A = arith.constant 10 : i32
        %sub3A_761 = arith.subi %add3A_160, %sub3A : i32
        %ge3A = arith.constant 0 : i32
        %ge3A_762 = arith.cmpi sge, %sub3A_761, %ge3A : i32
        %convert_element_type3A_763 = arith.extui %ge3A_762 : i1 to i32
        %cond3A_764 = arith.constant 0 : i32
        %cond3A_765 = arith.cmpi ne, %convert_element_type3A_763, %cond3A_764 : i32
        scf.if %cond3A_765 {
          %sub3A_777 = arith.constant 10 : i32
          %sub3A_778 = arith.subi %add3A_160, %sub3A_777 : i32
          %dma_wait3A_779 = arith.constant 5 : i32
          %dma_wait3A_780 = arith.constant 0 : i32
          %dma_wait3A_781 = arith.constant 0 : i32
          %dma_wait3A_782 = tpu.memref_slice %arg8[%dma_wait3A_779, %dma_wait3A_780, %dma_wait3A_781] : memref<10x128x64xf32, #tpu.memory_space<vmem>> -> memref<1x128x64xf32, #tpu.memory_space<vmem>>
          %dma_wait3A_783 = tpu.memref_squeeze %dma_wait3A_782 : memref<1x128x64xf32, #tpu.memory_space<vmem>> -> memref<128x64xf32, #tpu.memory_space<vmem>>
          %dma_wait3A_784 = arith.constant 0 : i32
          %dma_wait3A_785 = arith.constant 0 : i32
          %dma_wait3A_786 = tpu.memref_slice %arg5[%add3A, %sub3A_778, %dma_wait3A_784, %dma_wait3A_785] : memref<32x50x128x64xf32, #tpu.memory_space<hbm>> -> memref<1x1x128x64xf32, #tpu.memory_space<hbm>>
          %dma_wait3A_787 = tpu.memref_squeeze %dma_wait3A_786 : memref<1x1x128x64xf32, #tpu.memory_space<hbm>> -> memref<128x64xf32, #tpu.memory_space<hbm>>
          %dma_wait3A_788 = arith.constant 0 : i32
          %dma_wait3A_789 = arith.constant 0 : i32
          %dma_wait3A_790 = tpu.memref_slice %arg5[%add3A, %sub3A_778, %dma_wait3A_788, %dma_wait3A_789] : memref<32x50x128x64xf32, #tpu.memory_space<hbm>> -> memref<1x1x128x64xf32, #tpu.memory_space<hbm>>
          %dma_wait3A_791 = tpu.memref_squeeze %dma_wait3A_790 : memref<1x1x128x64xf32, #tpu.memory_space<hbm>> -> memref<128x64xf32, #tpu.memory_space<hbm>>
          %dma_wait3A_792 = arith.constant 0 : i32
          %dma_wait3A_793 = arith.constant 0 : i32
          %dma_wait3A_794 = tpu.memref_slice %arg8[%dma_wait3A_779, %dma_wait3A_792, %dma_wait3A_793] : memref<10x128x64xf32, #tpu.memory_space<vmem>> -> memref<1x128x64xf32, #tpu.memory_space<vmem>>
          %dma_wait3A_795 = tpu.memref_squeeze %dma_wait3A_794 : memref<1x128x64xf32, #tpu.memory_space<vmem>> -> memref<128x64xf32, #tpu.memory_space<vmem>>
          tpu.wait_dma2 semaphore(%arg24 : memref<!tpu.dma_semaphore, #tpu.memory_space<semaphore_mem>>) src(%dma_wait3A_795 : memref<128x64xf32, #tpu.memory_space<vmem>>) dst(%dma_wait3A_791 : memref<128x64xf32, #tpu.memory_space<hbm>>)
        } else {
        }
        %dma_start3A_766 = arith.constant 5 : i32
        %dma_start3A_767 = arith.constant 0 : i32
        %dma_start3A_768 = arith.constant 0 : i32
        %dma_start3A_769 = tpu.memref_slice %arg8[%dma_start3A_766, %dma_start3A_767, %dma_start3A_768] : memref<10x128x64xf32, #tpu.memory_space<vmem>> -> memref<1x128x64xf32, #tpu.memory_space<vmem>>
        %dma_start3A_770 = tpu.memref_squeeze %dma_start3A_769 : memref<1x128x64xf32, #tpu.memory_space<vmem>> -> memref<128x64xf32, #tpu.memory_space<vmem>>
        %dma_start3A_771 = arith.constant 0 : i32
        %dma_start3A_772 = tpu.memref_slice %arg6[%add3A_160, %dma_start3A_771] : memref<50x128xi32, #tpu.memory_space<vmem>> -> memref<1x128xi32, #tpu.memory_space<vmem>>
        %dma_start3A_773 = tpu.memref_squeeze %dma_start3A_772 : memref<1x128xi32, #tpu.memory_space<vmem>> -> memref<128xi32, #tpu.memory_space<vmem>>
        %dma_start3A_774 = arith.constant 0 : i32
        %dma_start3A_775 = arith.constant 0 : i32
        %dma_start3A_776 = tpu.memref_slice %arg3[%dma_start3A_774, %dma_start3A_775] : memref<1000000x64xf32, #tpu.memory_space<hbm>> -> memref<1000000x64xf32, #tpu.memory_space<hbm>>
        tpu.enqueue_indirect_dma source(%dma_start3A_776 : memref<1000000x64xf32, #tpu.memory_space<hbm>>) target(%dma_start3A_770 : memref<128x64xf32, #tpu.memory_space<vmem>>) offsets(%dma_start3A_773 : memref<128xi32, #tpu.memory_space<vmem>>) semaphore(%arg14 : memref<!tpu.dma_semaphore, #tpu.memory_space<semaphore_mem>>)
      } else {
      }
      %dma_wait3A_163 = arith.constant 0 : i32
      %dma_wait3A_164 = arith.constant 0 : i32
      %dma_wait3A_165 = arith.constant 0 : i32
      %dma_wait3A_166 = tpu.memref_slice %arg8[%dma_wait3A_163, %dma_wait3A_164, %dma_wait3A_165] : memref<10x128x64xf32, #tpu.memory_space<vmem>> -> memref<1x128x64xf32, #tpu.memory_space<vmem>>
      %dma_wait3A_167 = tpu.memref_squeeze %dma_wait3A_166 : memref<1x128x64xf32, #tpu.memory_space<vmem>> -> memref<128x64xf32, #tpu.memory_space<vmem>>
      %dma_wait3A_168 = arith.constant 0 : i32
      %dma_wait3A_169 = tpu.memref_slice %arg6[%add3A_158, %dma_wait3A_168] : memref<50x128xi32, #tpu.memory_space<vmem>> -> memref<1x128xi32, #tpu.memory_space<vmem>>
      %dma_wait3A_170 = tpu.memref_squeeze %dma_wait3A_169 : memref<1x128xi32, #tpu.memory_space<vmem>> -> memref<128xi32, #tpu.memory_space<vmem>>
      %dma_wait3A_171 = arith.constant 0 : i32
      %dma_wait3A_172 = arith.constant 0 : i32
      %dma_wait3A_173 = tpu.memref_slice %arg3[%dma_wait3A_171, %dma_wait3A_172] : memref<1000000x64xf32, #tpu.memory_space<hbm>> -> memref<1000000x64xf32, #tpu.memory_space<hbm>>
      tpu.wait_indirect_dma semaphore(%arg9 : memref<!tpu.dma_semaphore, #tpu.memory_space<semaphore_mem>>) src(%dma_wait3A_173 : memref<1000000x64xf32, #tpu.memory_space<hbm>>) dst(%dma_wait3A_167 : memref<128x64xf32, #tpu.memory_space<vmem>>)
      %get3A = arith.index_cast %add3A_158 : i32 to index
      %get3A_174 = arith.constant 0 : index
      %get3A_175 = tpu.vector_load %arg7[%get3A, %get3A_174] {strides = array<i32>} : memref<50x64xf32, #tpu.memory_space<vmem>>, vector<1x16xf32>,
      %get3A_176 = vector.shape_cast %get3A_175 : vector<1x16xf32> to vector<16xf32>
      %get3A_177 = arith.index_cast %add3A_158 : i32 to index
      %get3A_178 = arith.constant 16 : index
      %get3A_179 = tpu.vector_load %arg7[%get3A_177, %get3A_178] {strides = array<i32>} : memref<50x64xf32, #tpu.memory_space<vmem>>, vector<1x16xf32>,
      %get3A_180 = vector.shape_cast %get3A_179 : vector<1x16xf32> to vector<16xf32>
      %get3A_181 = arith.index_cast %add3A_158 : i32 to index
      %get3A_182 = arith.constant 32 : index
      %get3A_183 = tpu.vector_load %arg7[%get3A_181, %get3A_182] {strides = array<i32>} : memref<50x64xf32, #tpu.memory_space<vmem>>, vector<1x16xf32>,
      %get3A_184 = vector.shape_cast %get3A_183 : vector<1x16xf32> to vector<16xf32>
      %get3A_185 = arith.index_cast %add3A_158 : i32 to index
      %get3A_186 = arith.constant 48 : index
      %get3A_187 = tpu.vector_load %arg7[%get3A_185, %get3A_186] {strides = array<i32>} : memref<50x64xf32, #tpu.memory_space<vmem>>, vector<1x16xf32>,
      %get3A_188 = vector.shape_cast %get3A_187 : vector<1x16xf32> to vector<16xf32>
      %scan3A_189 = arith.constant 0 : i32
      %scan3A_190 = arith.constant 0 : i32
      %scan3A_191 = arith.constant 128 : i32
      %scan3A_192 = arith.addi %scan3A_190, %scan3A_191 : i32
      %scan3A_193 = arith.constant 1 : i32
      scf.for %scan3A_761 = %scan3A_190 to %scan3A_192 step %scan3A_193  : i32 {
        %get3A_762 = arith.constant 0 : i32
        %get3A_763 = arith.index_cast %get3A_762 : i32 to index
        %get3A_764 = arith.index_cast %scan3A_761 : i32 to index
        %get3A_765 = arith.constant 0 : index
        %get3A_766 = tpu.vector_load %arg8[%get3A_763, %get3A_764, %get3A_765] {strides = array<i32>} : memref<10x128x64xf32, #tpu.memory_space<vmem>>, vector<1x1x16xf32>,
        %get3A_767 = vector.shape_cast %get3A_766 : vector<1x1x16xf32> to vector<16xf32>
        %add3A_768 = arith.addf %get3A_767, %get3A_176 : vector<16xf32>
        %swap3A = arith.constant 0 : i32
        %swap3A_769 = arith.index_cast %swap3A : i32 to index
        %swap3A_770 = arith.index_cast %scan3A_761 : i32 to index
        %swap3A_771 = arith.constant 0 : index
        %swap3A_772 = tpu.vector_load %arg8[%swap3A_769, %swap3A_770, %swap3A_771] {strides = array<i32>} : memref<10x128x64xf32, #tpu.memory_space<vmem>>, vector<1x1x16xf32>,
        %swap3A_773 = vector.shape_cast %swap3A_772 : vector<1x1x16xf32> to vector<16xf32>
        %swap3A_774 = vector.shape_cast %add3A_768 : vector<16xf32> to vector<1x1x16xf32>
        tpu.vector_store %arg8[%swap3A_769, %swap3A_770, %swap3A_771], %swap3A_774 {strides = array<i32>} : memref<10x128x64xf32, #tpu.memory_space<vmem>>, vector<1x1x16xf32>,
        %get3A_775 = arith.constant 0 : i32
        %get3A_776 = arith.index_cast %get3A_775 : i32 to index
        %get3A_777 = arith.index_cast %scan3A_761 : i32 to index
        %get3A_778 = arith.constant 16 : index
        %get3A_779 = tpu.vector_load %arg8[%get3A_776, %get3A_777, %get3A_778] {strides = array<i32>} : memref<10x128x64xf32, #tpu.memory_space<vmem>>, vector<1x1x16xf32>,
        %get3A_780 = vector.shape_cast %get3A_779 : vector<1x1x16xf32> to vector<16xf32>
        %add3A_781 = arith.addf %get3A_780, %get3A_180 : vector<16xf32>
        %swap3A_782 = arith.constant 0 : i32
        %swap3A_783 = arith.index_cast %swap3A_782 : i32 to index
        %swap3A_784 = arith.index_cast %scan3A_761 : i32 to index
        %swap3A_785 = arith.constant 16 : index
        %swap3A_786 = tpu.vector_load %arg8[%swap3A_783, %swap3A_784, %swap3A_785] {strides = array<i32>} : memref<10x128x64xf32, #tpu.memory_space<vmem>>, vector<1x1x16xf32>,
        %swap3A_787 = vector.shape_cast %swap3A_786 : vector<1x1x16xf32> to vector<16xf32>
        %swap3A_788 = vector.shape_cast %add3A_781 : vector<16xf32> to vector<1x1x16xf32>
        tpu.vector_store %arg8[%swap3A_783, %swap3A_784, %swap3A_785], %swap3A_788 {strides = array<i32>} : memref<10x128x64xf32, #tpu.memory_space<vmem>>, vector<1x1x16xf32>,
        %get3A_789 = arith.constant 0 : i32
        %get3A_790 = arith.index_cast %get3A_789 : i32 to index
        %get3A_791 = arith.index_cast %scan3A_761 : i32 to index
        %get3A_792 = arith.constant 32 : index
        %get3A_793 = tpu.vector_load %arg8[%get3A_790, %get3A_791, %get3A_792] {strides = array<i32>} : memref<10x128x64xf32, #tpu.memory_space<vmem>>, vector<1x1x16xf32>,
        %get3A_794 = vector.shape_cast %get3A_793 : vector<1x1x16xf32> to vector<16xf32>
        %add3A_795 = arith.addf %get3A_794, %get3A_184 : vector<16xf32>
        %swap3A_796 = arith.constant 0 : i32
        %swap3A_797 = arith.index_cast %swap3A_796 : i32 to index
        %swap3A_798 = arith.index_cast %scan3A_761 : i32 to index
        %swap3A_799 = arith.constant 32 : index
        %swap3A_800 = tpu.vector_load %arg8[%swap3A_797, %swap3A_798, %swap3A_799] {strides = array<i32>} : memref<10x128x64xf32, #tpu.memory_space<vmem>>, vector<1x1x16xf32>,
        %swap3A_801 = vector.shape_cast %swap3A_800 : vector<1x1x16xf32> to vector<16xf32>
        %swap3A_802 = vector.shape_cast %add3A_795 : vector<16xf32> to vector<1x1x16xf32>
        tpu.vector_store %arg8[%swap3A_797, %swap3A_798, %swap3A_799], %swap3A_802 {strides = array<i32>} : memref<10x128x64xf32, #tpu.memory_space<vmem>>, vector<1x1x16xf32>,
        %get3A_803 = arith.constant 0 : i32
        %get3A_804 = arith.index_cast %get3A_803 : i32 to index
        %get3A_805 = arith.index_cast %scan3A_761 : i32 to index
        %get3A_806 = arith.constant 48 : index
        %get3A_807 = tpu.vector_load %arg8[%get3A_804, %get3A_805, %get3A_806] {strides = array<i32>} : memref<10x128x64xf32, #tpu.memory_space<vmem>>, vector<1x1x16xf32>,
        %get3A_808 = vector.shape_cast %get3A_807 : vector<1x1x16xf32> to vector<16xf32>
        %add3A_809 = arith.addf %get3A_808, %get3A_188 : vector<16xf32>
        %swap3A_810 = arith.constant 0 : i32
        %swap3A_811 = arith.index_cast %swap3A_810 : i32 to index
        %swap3A_812 = arith.index_cast %scan3A_761 : i32 to index
        %swap3A_813 = arith.constant 48 : index
        %swap3A_814 = tpu.vector_load %arg8[%swap3A_811, %swap3A_812, %swap3A_813] {strides = array<i32>} : memref<10x128x64xf32, #tpu.memory_space<vmem>>, vector<1x1x16xf32>,
        %swap3A_815 = vector.shape_cast %swap3A_814 : vector<1x1x16xf32> to vector<16xf32>
        %swap3A_816 = vector.shape_cast %add3A_809 : vector<16xf32> to vector<1x1x16xf32>
        tpu.vector_store %arg8[%swap3A_811, %swap3A_812, %swap3A_813], %swap3A_816 {strides = array<i32>} : memref<10x128x64xf32, #tpu.memory_space<vmem>>, vector<1x1x16xf32>,
      }
      %scan3A_194 = arith.constant 128 : i32
      %dma_start3A_195 = arith.constant 0 : i32
      %dma_start3A_196 = arith.constant 0 : i32
      %dma_start3A_197 = arith.constant 0 : i32
      %dma_start3A_198 = tpu.memref_slice %arg8[%dma_start3A_195, %dma_start3A_196, %dma_start3A_197] : memref<10x128x64xf32, #tpu.memory_space<vmem>> -> memref<1x128x64xf32, #tpu.memory_space<vmem>>
      %dma_start3A_199 = tpu.memref_squeeze %dma_start3A_198 : memref<1x128x64xf32, #tpu.memory_space<vmem>> -> memref<128x64xf32, #tpu.memory_space<vmem>>
      %dma_start3A_200 = arith.constant 0 : i32
      %dma_start3A_201 = arith.constant 0 : i32
      %dma_start3A_202 = tpu.memref_slice %arg5[%add3A, %add3A_158, %dma_start3A_200, %dma_start3A_201] : memref<32x50x128x64xf32, #tpu.memory_space<hbm>> -> memref<1x1x128x64xf32, #tpu.memory_space<hbm>>
      %dma_start3A_203 = tpu.memref_squeeze %dma_start3A_202 : memref<1x1x128x64xf32, #tpu.memory_space<hbm>> -> memref<128x64xf32, #tpu.memory_space<hbm>>
      %dma_start3A_204 = arith.constant 0 : i32
      %dma_start3A_205 = arith.constant 0 : i32
      %dma_start3A_206 = tpu.memref_slice %arg5[%add3A, %add3A_158, %dma_start3A_204, %dma_start3A_205] : memref<32x50x128x64xf32, #tpu.memory_space<hbm>> -> memref<1x1x128x64xf32, #tpu.memory_space<hbm>>
      %dma_start3A_207 = tpu.memref_squeeze %dma_start3A_206 : memref<1x1x128x64xf32, #tpu.memory_space<hbm>> -> memref<128x64xf32, #tpu.memory_space<hbm>>
      %dma_start3A_208 = arith.constant 0 : i32
      %dma_start3A_209 = arith.constant 0 : i32
      %dma_start3A_210 = tpu.memref_slice %arg8[%dma_start3A_195, %dma_start3A_208, %dma_start3A_209] : memref<10x128x64xf32, #tpu.memory_space<vmem>> -> memref<1x128x64xf32, #tpu.memory_space<vmem>>
      %dma_start3A_211 = tpu.memref_squeeze %dma_start3A_210 : memref<1x128x64xf32, #tpu.memory_space<vmem>> -> memref<128x64xf32, #tpu.memory_space<vmem>>
      tpu.enqueue_dma source(%dma_start3A_211 : memref<128x64xf32, #tpu.memory_space<vmem>>) target(%dma_start3A_207 : memref<128x64xf32, #tpu.memory_space<hbm>>) target_semaphore(%arg19 : memref<!tpu.dma_semaphore, #tpu.memory_space<semaphore_mem>>)
      %mul3A_212 = arith.constant 10 : i32
      %mul3A_213 = arith.muli %scan3A_154, %mul3A_212 : i32
      %add3A_214 = arith.constant 1 : i32
      %add3A_215 = arith.addi %mul3A_213, %add3A_214 : i32
      %add3A_216 = arith.constant 5 : i32
      %add3A_217 = arith.addi %add3A_215, %add3A_216 : i32
      %lt3A_218 = arith.constant 50 : i32
      %lt3A_219 = arith.cmpi slt, %add3A_217, %lt3A_218 : i32
      %convert_element_type3A_220 = arith.extui %lt3A_219 : i1 to i32
      %cond3A_221 = arith.constant 0 : i32
      %cond3A_222 = arith.cmpi ne, %convert_element_type3A_220, %cond3A_221 : i32
      scf.if %cond3A_222 {
        %sub3A = arith.constant 10 : i32
        %sub3A_761 = arith.subi %add3A_217, %sub3A : i32
        %ge3A = arith.constant 0 : i32
        %ge3A_762 = arith.cmpi sge, %sub3A_761, %ge3A : i32
        %convert_element_type3A_763 = arith.extui %ge3A_762 : i1 to i32
        %cond3A_764 = arith.constant 0 : i32
        %cond3A_765 = arith.cmpi ne, %convert_element_type3A_763, %cond3A_764 : i32
        scf.if %cond3A_765 {
          %sub3A_777 = arith.constant 10 : i32
          %sub3A_778 = arith.subi %add3A_217, %sub3A_777 : i32
          %dma_wait3A_779 = arith.constant 6 : i32
          %dma_wait3A_780 = arith.constant 0 : i32
          %dma_wait3A_781 = arith.constant 0 : i32
          %dma_wait3A_782 = tpu.memref_slice %arg8[%dma_wait3A_779, %dma_wait3A_780, %dma_wait3A_781] : memref<10x128x64xf32, #tpu.memory_space<vmem>> -> memref<1x128x64xf32, #tpu.memory_space<vmem>>
          %dma_wait3A_783 = tpu.memref_squeeze %dma_wait3A_782 : memref<1x128x64xf32, #tpu.memory_space<vmem>> -> memref<128x64xf32, #tpu.memory_space<vmem>>
          %dma_wait3A_784 = arith.constant 0 : i32
          %dma_wait3A_785 = arith.constant 0 : i32
          %dma_wait3A_786 = tpu.memref_slice %arg5[%add3A, %sub3A_778, %dma_wait3A_784, %dma_wait3A_785] : memref<32x50x128x64xf32, #tpu.memory_space<hbm>> -> memref<1x1x128x64xf32, #tpu.memory_space<hbm>>
          %dma_wait3A_787 = tpu.memref_squeeze %dma_wait3A_786 : memref<1x1x128x64xf32, #tpu.memory_space<hbm>> -> memref<128x64xf32, #tpu.memory_space<hbm>>
          %dma_wait3A_788 = arith.constant 0 : i32
          %dma_wait3A_789 = arith.constant 0 : i32
          %dma_wait3A_790 = tpu.memref_slice %arg5[%add3A, %sub3A_778, %dma_wait3A_788, %dma_wait3A_789] : memref<32x50x128x64xf32, #tpu.memory_space<hbm>> -> memref<1x1x128x64xf32, #tpu.memory_space<hbm>>
          %dma_wait3A_791 = tpu.memref_squeeze %dma_wait3A_790 : memref<1x1x128x64xf32, #tpu.memory_space<hbm>> -> memref<128x64xf32, #tpu.memory_space<hbm>>
          %dma_wait3A_792 = arith.constant 0 : i32
          %dma_wait3A_793 = arith.constant 0 : i32
          %dma_wait3A_794 = tpu.memref_slice %arg8[%dma_wait3A_779, %dma_wait3A_792, %dma_wait3A_793] : memref<10x128x64xf32, #tpu.memory_space<vmem>> -> memref<1x128x64xf32, #tpu.memory_space<vmem>>
          %dma_wait3A_795 = tpu.memref_squeeze %dma_wait3A_794 : memref<1x128x64xf32, #tpu.memory_space<vmem>> -> memref<128x64xf32, #tpu.memory_space<vmem>>
          tpu.wait_dma2 semaphore(%arg25 : memref<!tpu.dma_semaphore, #tpu.memory_space<semaphore_mem>>) src(%dma_wait3A_795 : memref<128x64xf32, #tpu.memory_space<vmem>>) dst(%dma_wait3A_791 : memref<128x64xf32, #tpu.memory_space<hbm>>)
        } else {
        }
        %dma_start3A_766 = arith.constant 6 : i32
        %dma_start3A_767 = arith.constant 0 : i32
        %dma_start3A_768 = arith.constant 0 : i32
        %dma_start3A_769 = tpu.memref_slice %arg8[%dma_start3A_766, %dma_start3A_767, %dma_start3A_768] : memref<10x128x64xf32, #tpu.memory_space<vmem>> -> memref<1x128x64xf32, #tpu.memory_space<vmem>>
        %dma_start3A_770 = tpu.memref_squeeze %dma_start3A_769 : memref<1x128x64xf32, #tpu.memory_space<vmem>> -> memref<128x64xf32, #tpu.memory_space<vmem>>
        %dma_start3A_771 = arith.constant 0 : i32
        %dma_start3A_772 = tpu.memref_slice %arg6[%add3A_217, %dma_start3A_771] : memref<50x128xi32, #tpu.memory_space<vmem>> -> memref<1x128xi32, #tpu.memory_space<vmem>>
        %dma_start3A_773 = tpu.memref_squeeze %dma_start3A_772 : memref<1x128xi32, #tpu.memory_space<vmem>> -> memref<128xi32, #tpu.memory_space<vmem>>
        %dma_start3A_774 = arith.constant 0 : i32
        %dma_start3A_775 = arith.constant 0 : i32
        %dma_start3A_776 = tpu.memref_slice %arg3[%dma_start3A_774, %dma_start3A_775] : memref<1000000x64xf32, #tpu.memory_space<hbm>> -> memref<1000000x64xf32, #tpu.memory_space<hbm>>
        tpu.enqueue_indirect_dma source(%dma_start3A_776 : memref<1000000x64xf32, #tpu.memory_space<hbm>>) target(%dma_start3A_770 : memref<128x64xf32, #tpu.memory_space<vmem>>) offsets(%dma_start3A_773 : memref<128xi32, #tpu.memory_space<vmem>>) semaphore(%arg15 : memref<!tpu.dma_semaphore, #tpu.memory_space<semaphore_mem>>)
      } else {
      }
      %dma_wait3A_223 = arith.constant 1 : i32
      %dma_wait3A_224 = arith.constant 0 : i32
      %dma_wait3A_225 = arith.constant 0 : i32
      %dma_wait3A_226 = tpu.memref_slice %arg8[%dma_wait3A_223, %dma_wait3A_224, %dma_wait3A_225] : memref<10x128x64xf32, #tpu.memory_space<vmem>> -> memref<1x128x64xf32, #tpu.memory_space<vmem>>
      %dma_wait3A_227 = tpu.memref_squeeze %dma_wait3A_226 : memref<1x128x64xf32, #tpu.memory_space<vmem>> -> memref<128x64xf32, #tpu.memory_space<vmem>>
      %dma_wait3A_228 = arith.constant 0 : i32
      %dma_wait3A_229 = tpu.memref_slice %arg6[%add3A_215, %dma_wait3A_228] : memref<50x128xi32, #tpu.memory_space<vmem>> -> memref<1x128xi32, #tpu.memory_space<vmem>>
      %dma_wait3A_230 = tpu.memref_squeeze %dma_wait3A_229 : memref<1x128xi32, #tpu.memory_space<vmem>> -> memref<128xi32, #tpu.memory_space<vmem>>
      %dma_wait3A_231 = arith.constant 0 : i32
      %dma_wait3A_232 = arith.constant 0 : i32
      %dma_wait3A_233 = tpu.memref_slice %arg3[%dma_wait3A_231, %dma_wait3A_232] : memref<1000000x64xf32, #tpu.memory_space<hbm>> -> memref<1000000x64xf32, #tpu.memory_space<hbm>>
      tpu.wait_indirect_dma semaphore(%arg10 : memref<!tpu.dma_semaphore, #tpu.memory_space<semaphore_mem>>) src(%dma_wait3A_233 : memref<1000000x64xf32, #tpu.memory_space<hbm>>) dst(%dma_wait3A_227 : memref<128x64xf32, #tpu.memory_space<vmem>>)
      %get3A_234 = arith.index_cast %add3A_215 : i32 to index
      %get3A_235 = arith.constant 0 : index
      %get3A_236 = tpu.vector_load %arg7[%get3A_234, %get3A_235] {strides = array<i32>} : memref<50x64xf32, #tpu.memory_space<vmem>>, vector<1x16xf32>,
      %get3A_237 = vector.shape_cast %get3A_236 : vector<1x16xf32> to vector<16xf32>
      %get3A_238 = arith.index_cast %add3A_215 : i32 to index
      %get3A_239 = arith.constant 16 : index
      %get3A_240 = tpu.vector_load %arg7[%get3A_238, %get3A_239] {strides = array<i32>} : memref<50x64xf32, #tpu.memory_space<vmem>>, vector<1x16xf32>,
      %get3A_241 = vector.shape_cast %get3A_240 : vector<1x16xf32> to vector<16xf32>
      %get3A_242 = arith.index_cast %add3A_215 : i32 to index
      %get3A_243 = arith.constant 32 : index
      %get3A_244 = tpu.vector_load %arg7[%get3A_242, %get3A_243] {strides = array<i32>} : memref<50x64xf32, #tpu.memory_space<vmem>>, vector<1x16xf32>,
      %get3A_245 = vector.shape_cast %get3A_244 : vector<1x16xf32> to vector<16xf32>
      %get3A_246 = arith.index_cast %add3A_215 : i32 to index
      %get3A_247 = arith.constant 48 : index
      %get3A_248 = tpu.vector_load %arg7[%get3A_246, %get3A_247] {strides = array<i32>} : memref<50x64xf32, #tpu.memory_space<vmem>>, vector<1x16xf32>,
      %get3A_249 = vector.shape_cast %get3A_248 : vector<1x16xf32> to vector<16xf32>
      %scan3A_250 = arith.constant 0 : i32
      %scan3A_251 = arith.constant 0 : i32
      %scan3A_252 = arith.constant 128 : i32
      %scan3A_253 = arith.addi %scan3A_251, %scan3A_252 : i32
      %scan3A_254 = arith.constant 1 : i32
      scf.for %scan3A_761 = %scan3A_251 to %scan3A_253 step %scan3A_254  : i32 {
        %get3A_762 = arith.constant 1 : i32
        %get3A_763 = arith.index_cast %get3A_762 : i32 to index
        %get3A_764 = arith.index_cast %scan3A_761 : i32 to index
        %get3A_765 = arith.constant 0 : index
        %get3A_766 = tpu.vector_load %arg8[%get3A_763, %get3A_764, %get3A_765] {strides = array<i32>} : memref<10x128x64xf32, #tpu.memory_space<vmem>>, vector<1x1x16xf32>,
        %get3A_767 = vector.shape_cast %get3A_766 : vector<1x1x16xf32> to vector<16xf32>
        %add3A_768 = arith.addf %get3A_767, %get3A_237 : vector<16xf32>
        %swap3A = arith.constant 1 : i32
        %swap3A_769 = arith.index_cast %swap3A : i32 to index
        %swap3A_770 = arith.index_cast %scan3A_761 : i32 to index
        %swap3A_771 = arith.constant 0 : index
        %swap3A_772 = tpu.vector_load %arg8[%swap3A_769, %swap3A_770, %swap3A_771] {strides = array<i32>} : memref<10x128x64xf32, #tpu.memory_space<vmem>>, vector<1x1x16xf32>,
        %swap3A_773 = vector.shape_cast %swap3A_772 : vector<1x1x16xf32> to vector<16xf32>
        %swap3A_774 = vector.shape_cast %add3A_768 : vector<16xf32> to vector<1x1x16xf32>
        tpu.vector_store %arg8[%swap3A_769, %swap3A_770, %swap3A_771], %swap3A_774 {strides = array<i32>} : memref<10x128x64xf32, #tpu.memory_space<vmem>>, vector<1x1x16xf32>,
        %get3A_775 = arith.constant 1 : i32
        %get3A_776 = arith.index_cast %get3A_775 : i32 to index
        %get3A_777 = arith.index_cast %scan3A_761 : i32 to index
        %get3A_778 = arith.constant 16 : index
        %get3A_779 = tpu.vector_load %arg8[%get3A_776, %get3A_777, %get3A_778] {strides = array<i32>} : memref<10x128x64xf32, #tpu.memory_space<vmem>>, vector<1x1x16xf32>,
        %get3A_780 = vector.shape_cast %get3A_779 : vector<1x1x16xf32> to vector<16xf32>
        %add3A_781 = arith.addf %get3A_780, %get3A_241 : vector<16xf32>
        %swap3A_782 = arith.constant 1 : i32
        %swap3A_783 = arith.index_cast %swap3A_782 : i32 to index
        %swap3A_784 = arith.index_cast %scan3A_761 : i32 to index
        %swap3A_785 = arith.constant 16 : index
        %swap3A_786 = tpu.vector_load %arg8[%swap3A_783, %swap3A_784, %swap3A_785] {strides = array<i32>} : memref<10x128x64xf32, #tpu.memory_space<vmem>>, vector<1x1x16xf32>,
        %swap3A_787 = vector.shape_cast %swap3A_786 : vector<1x1x16xf32> to vector<16xf32>
        %swap3A_788 = vector.shape_cast %add3A_781 : vector<16xf32> to vector<1x1x16xf32>
        tpu.vector_store %arg8[%swap3A_783, %swap3A_784, %swap3A_785], %swap3A_788 {strides = array<i32>} : memref<10x128x64xf32, #tpu.memory_space<vmem>>, vector<1x1x16xf32>,
        %get3A_789 = arith.constant 1 : i32
        %get3A_790 = arith.index_cast %get3A_789 : i32 to index
        %get3A_791 = arith.index_cast %scan3A_761 : i32 to index
        %get3A_792 = arith.constant 32 : index
        %get3A_793 = tpu.vector_load %arg8[%get3A_790, %get3A_791, %get3A_792] {strides = array<i32>} : memref<10x128x64xf32, #tpu.memory_space<vmem>>, vector<1x1x16xf32>,
        %get3A_794 = vector.shape_cast %get3A_793 : vector<1x1x16xf32> to vector<16xf32>
        %add3A_795 = arith.addf %get3A_794, %get3A_245 : vector<16xf32>
        %swap3A_796 = arith.constant 1 : i32
        %swap3A_797 = arith.index_cast %swap3A_796 : i32 to index
        %swap3A_798 = arith.index_cast %scan3A_761 : i32 to index
        %swap3A_799 = arith.constant 32 : index
        %swap3A_800 = tpu.vector_load %arg8[%swap3A_797, %swap3A_798, %swap3A_799] {strides = array<i32>} : memref<10x128x64xf32, #tpu.memory_space<vmem>>, vector<1x1x16xf32>,
        %swap3A_801 = vector.shape_cast %swap3A_800 : vector<1x1x16xf32> to vector<16xf32>
        %swap3A_802 = vector.shape_cast %add3A_795 : vector<16xf32> to vector<1x1x16xf32>
        tpu.vector_store %arg8[%swap3A_797, %swap3A_798, %swap3A_799], %swap3A_802 {strides = array<i32>} : memref<10x128x64xf32, #tpu.memory_space<vmem>>, vector<1x1x16xf32>,
        %get3A_803 = arith.constant 1 : i32
        %get3A_804 = arith.index_cast %get3A_803 : i32 to index
        %get3A_805 = arith.index_cast %scan3A_761 : i32 to index
        %get3A_806 = arith.constant 48 : index
        %get3A_807 = tpu.vector_load %arg8[%get3A_804, %get3A_805, %get3A_806] {strides = array<i32>} : memref<10x128x64xf32, #tpu.memory_space<vmem>>, vector<1x1x16xf32>,
        %get3A_808 = vector.shape_cast %get3A_807 : vector<1x1x16xf32> to vector<16xf32>
        %add3A_809 = arith.addf %get3A_808, %get3A_249 : vector<16xf32>
        %swap3A_810 = arith.constant 1 : i32
        %swap3A_811 = arith.index_cast %swap3A_810 : i32 to index
        %swap3A_812 = arith.index_cast %scan3A_761 : i32 to index
        %swap3A_813 = arith.constant 48 : index
        %swap3A_814 = tpu.vector_load %arg8[%swap3A_811, %swap3A_812, %swap3A_813] {strides = array<i32>} : memref<10x128x64xf32, #tpu.memory_space<vmem>>, vector<1x1x16xf32>,
        %swap3A_815 = vector.shape_cast %swap3A_814 : vector<1x1x16xf32> to vector<16xf32>
        %swap3A_816 = vector.shape_cast %add3A_809 : vector<16xf32> to vector<1x1x16xf32>
        tpu.vector_store %arg8[%swap3A_811, %swap3A_812, %swap3A_813], %swap3A_816 {strides = array<i32>} : memref<10x128x64xf32, #tpu.memory_space<vmem>>, vector<1x1x16xf32>,
      }
      %scan3A_255 = arith.constant 128 : i32
      %dma_start3A_256 = arith.constant 1 : i32
      %dma_start3A_257 = arith.constant 0 : i32
      %dma_start3A_258 = arith.constant 0 : i32
      %dma_start3A_259 = tpu.memref_slice %arg8[%dma_start3A_256, %dma_start3A_257, %dma_start3A_258] : memref<10x128x64xf32, #tpu.memory_space<vmem>> -> memref<1x128x64xf32, #tpu.memory_space<vmem>>
      %dma_start3A_260 = tpu.memref_squeeze %dma_start3A_259 : memref<1x128x64xf32, #tpu.memory_space<vmem>> -> memref<128x64xf32, #tpu.memory_space<vmem>>
      %dma_start3A_261 = arith.constant 0 : i32
      %dma_start3A_262 = arith.constant 0 : i32
      %dma_start3A_263 = tpu.memref_slice %arg5[%add3A, %add3A_215, %dma_start3A_261, %dma_start3A_262] : memref<32x50x128x64xf32, #tpu.memory_space<hbm>> -> memref<1x1x128x64xf32, #tpu.memory_space<hbm>>
      %dma_start3A_264 = tpu.memref_squeeze %dma_start3A_263 : memref<1x1x128x64xf32, #tpu.memory_space<hbm>> -> memref<128x64xf32, #tpu.memory_space<hbm>>
      %dma_start3A_265 = arith.constant 0 : i32
      %dma_start3A_266 = arith.constant 0 : i32
      %dma_start3A_267 = tpu.memref_slice %arg5[%add3A, %add3A_215, %dma_start3A_265, %dma_start3A_266] : memref<32x50x128x64xf32, #tpu.memory_space<hbm>> -> memref<1x1x128x64xf32, #tpu.memory_space<hbm>>
      %dma_start3A_268 = tpu.memref_squeeze %dma_start3A_267 : memref<1x1x128x64xf32, #tpu.memory_space<hbm>> -> memref<128x64xf32, #tpu.memory_space<hbm>>
      %dma_start3A_269 = arith.constant 0 : i32
      %dma_start3A_270 = arith.constant 0 : i32
      %dma_start3A_271 = tpu.memref_slice %arg8[%dma_start3A_256, %dma_start3A_269, %dma_start3A_270] : memref<10x128x64xf32, #tpu.memory_space<vmem>> -> memref<1x128x64xf32, #tpu.memory_space<vmem>>
      %dma_start3A_272 = tpu.memref_squeeze %dma_start3A_271 : memref<1x128x64xf32, #tpu.memory_space<vmem>> -> memref<128x64xf32, #tpu.memory_space<vmem>>
      tpu.enqueue_dma source(%dma_start3A_272 : memref<128x64xf32, #tpu.memory_space<vmem>>) target(%dma_start3A_268 : memref<128x64xf32, #tpu.memory_space<hbm>>) target_semaphore(%arg20 : memref<!tpu.dma_semaphore, #tpu.memory_space<semaphore_mem>>)
      %mul3A_273 = arith.constant 10 : i32
      %mul3A_274 = arith.muli %scan3A_154, %mul3A_273 : i32
      %add3A_275 = arith.constant 2 : i32
      %add3A_276 = arith.addi %mul3A_274, %add3A_275 : i32
      %add3A_277 = arith.constant 5 : i32
      %add3A_278 = arith.addi %add3A_276, %add3A_277 : i32
      %lt3A_279 = arith.constant 50 : i32
      %lt3A_280 = arith.cmpi slt, %add3A_278, %lt3A_279 : i32
      %convert_element_type3A_281 = arith.extui %lt3A_280 : i1 to i32
      %cond3A_282 = arith.constant 0 : i32
      %cond3A_283 = arith.cmpi ne, %convert_element_type3A_281, %cond3A_282 : i32
      scf.if %cond3A_283 {
        %sub3A = arith.constant 10 : i32
        %sub3A_761 = arith.subi %add3A_278, %sub3A : i32
        %ge3A = arith.constant 0 : i32
        %ge3A_762 = arith.cmpi sge, %sub3A_761, %ge3A : i32
        %convert_element_type3A_763 = arith.extui %ge3A_762 : i1 to i32
        %cond3A_764 = arith.constant 0 : i32
        %cond3A_765 = arith.cmpi ne, %convert_element_type3A_763, %cond3A_764 : i32
        scf.if %cond3A_765 {
          %sub3A_777 = arith.constant 10 : i32
          %sub3A_778 = arith.subi %add3A_278, %sub3A_777 : i32
          %dma_wait3A_779 = arith.constant 7 : i32
          %dma_wait3A_780 = arith.constant 0 : i32
          %dma_wait3A_781 = arith.constant 0 : i32
          %dma_wait3A_782 = tpu.memref_slice %arg8[%dma_wait3A_779, %dma_wait3A_780, %dma_wait3A_781] : memref<10x128x64xf32, #tpu.memory_space<vmem>> -> memref<1x128x64xf32, #tpu.memory_space<vmem>>
          %dma_wait3A_783 = tpu.memref_squeeze %dma_wait3A_782 : memref<1x128x64xf32, #tpu.memory_space<vmem>> -> memref<128x64xf32, #tpu.memory_space<vmem>>
          %dma_wait3A_784 = arith.constant 0 : i32
          %dma_wait3A_785 = arith.constant 0 : i32
          %dma_wait3A_786 = tpu.memref_slice %arg5[%add3A, %sub3A_778, %dma_wait3A_784, %dma_wait3A_785] : memref<32x50x128x64xf32, #tpu.memory_space<hbm>> -> memref<1x1x128x64xf32, #tpu.memory_space<hbm>>
          %dma_wait3A_787 = tpu.memref_squeeze %dma_wait3A_786 : memref<1x1x128x64xf32, #tpu.memory_space<hbm>> -> memref<128x64xf32, #tpu.memory_space<hbm>>
          %dma_wait3A_788 = arith.constant 0 : i32
          %dma_wait3A_789 = arith.constant 0 : i32
          %dma_wait3A_790 = tpu.memref_slice %arg5[%add3A, %sub3A_778, %dma_wait3A_788, %dma_wait3A_789] : memref<32x50x128x64xf32, #tpu.memory_space<hbm>> -> memref<1x1x128x64xf32, #tpu.memory_space<hbm>>
          %dma_wait3A_791 = tpu.memref_squeeze %dma_wait3A_790 : memref<1x1x128x64xf32, #tpu.memory_space<hbm>> -> memref<128x64xf32, #tpu.memory_space<hbm>>
          %dma_wait3A_792 = arith.constant 0 : i32
          %dma_wait3A_793 = arith.constant 0 : i32
          %dma_wait3A_794 = tpu.memref_slice %arg8[%dma_wait3A_779, %dma_wait3A_792, %dma_wait3A_793] : memref<10x128x64xf32, #tpu.memory_space<vmem>> -> memref<1x128x64xf32, #tpu.memory_space<vmem>>
          %dma_wait3A_795 = tpu.memref_squeeze %dma_wait3A_794 : memref<1x128x64xf32, #tpu.memory_space<vmem>> -> memref<128x64xf32, #tpu.memory_space<vmem>>
          tpu.wait_dma2 semaphore(%arg26 : memref<!tpu.dma_semaphore, #tpu.memory_space<semaphore_mem>>) src(%dma_wait3A_795 : memref<128x64xf32, #tpu.memory_space<vmem>>) dst(%dma_wait3A_791 : memref<128x64xf32, #tpu.memory_space<hbm>>)
        } else {
        }
        %dma_start3A_766 = arith.constant 7 : i32
        %dma_start3A_767 = arith.constant 0 : i32
        %dma_start3A_768 = arith.constant 0 : i32
        %dma_start3A_769 = tpu.memref_slice %arg8[%dma_start3A_766, %dma_start3A_767, %dma_start3A_768] : memref<10x128x64xf32, #tpu.memory_space<vmem>> -> memref<1x128x64xf32, #tpu.memory_space<vmem>>
        %dma_start3A_770 = tpu.memref_squeeze %dma_start3A_769 : memref<1x128x64xf32, #tpu.memory_space<vmem>> -> memref<128x64xf32, #tpu.memory_space<vmem>>
        %dma_start3A_771 = arith.constant 0 : i32
        %dma_start3A_772 = tpu.memref_slice %arg6[%add3A_278, %dma_start3A_771] : memref<50x128xi32, #tpu.memory_space<vmem>> -> memref<1x128xi32, #tpu.memory_space<vmem>>
        %dma_start3A_773 = tpu.memref_squeeze %dma_start3A_772 : memref<1x128xi32, #tpu.memory_space<vmem>> -> memref<128xi32, #tpu.memory_space<vmem>>
        %dma_start3A_774 = arith.constant 0 : i32
        %dma_start3A_775 = arith.constant 0 : i32
        %dma_start3A_776 = tpu.memref_slice %arg3[%dma_start3A_774, %dma_start3A_775] : memref<1000000x64xf32, #tpu.memory_space<hbm>> -> memref<1000000x64xf32, #tpu.memory_space<hbm>>
        tpu.enqueue_indirect_dma source(%dma_start3A_776 : memref<1000000x64xf32, #tpu.memory_space<hbm>>) target(%dma_start3A_770 : memref<128x64xf32, #tpu.memory_space<vmem>>) offsets(%dma_start3A_773 : memref<128xi32, #tpu.memory_space<vmem>>) semaphore(%arg16 : memref<!tpu.dma_semaphore, #tpu.memory_space<semaphore_mem>>)
      } else {
      }
      %dma_wait3A_284 = arith.constant 2 : i32
      %dma_wait3A_285 = arith.constant 0 : i32
      %dma_wait3A_286 = arith.constant 0 : i32
      %dma_wait3A_287 = tpu.memref_slice %arg8[%dma_wait3A_284, %dma_wait3A_285, %dma_wait3A_286] : memref<10x128x64xf32, #tpu.memory_space<vmem>> -> memref<1x128x64xf32, #tpu.memory_space<vmem>>
      %dma_wait3A_288 = tpu.memref_squeeze %dma_wait3A_287 : memref<1x128x64xf32, #tpu.memory_space<vmem>> -> memref<128x64xf32, #tpu.memory_space<vmem>>
      %dma_wait3A_289 = arith.constant 0 : i32
      %dma_wait3A_290 = tpu.memref_slice %arg6[%add3A_276, %dma_wait3A_289] : memref<50x128xi32, #tpu.memory_space<vmem>> -> memref<1x128xi32, #tpu.memory_space<vmem>>
      %dma_wait3A_291 = tpu.memref_squeeze %dma_wait3A_290 : memref<1x128xi32, #tpu.memory_space<vmem>> -> memref<128xi32, #tpu.memory_space<vmem>>
      %dma_wait3A_292 = arith.constant 0 : i32
      %dma_wait3A_293 = arith.constant 0 : i32
      %dma_wait3A_294 = tpu.memref_slice %arg3[%dma_wait3A_292, %dma_wait3A_293] : memref<1000000x64xf32, #tpu.memory_space<hbm>> -> memref<1000000x64xf32, #tpu.memory_space<hbm>>
      tpu.wait_indirect_dma semaphore(%arg11 : memref<!tpu.dma_semaphore, #tpu.memory_space<semaphore_mem>>) src(%dma_wait3A_294 : memref<1000000x64xf32, #tpu.memory_space<hbm>>) dst(%dma_wait3A_288 : memref<128x64xf32, #tpu.memory_space<vmem>>)
      %get3A_295 = arith.index_cast %add3A_276 : i32 to index
      %get3A_296 = arith.constant 0 : index
      %get3A_297 = tpu.vector_load %arg7[%get3A_295, %get3A_296] {strides = array<i32>} : memref<50x64xf32, #tpu.memory_space<vmem>>, vector<1x16xf32>,
      %get3A_298 = vector.shape_cast %get3A_297 : vector<1x16xf32> to vector<16xf32>
      %get3A_299 = arith.index_cast %add3A_276 : i32 to index
      %get3A_300 = arith.constant 16 : index
      %get3A_301 = tpu.vector_load %arg7[%get3A_299, %get3A_300] {strides = array<i32>} : memref<50x64xf32, #tpu.memory_space<vmem>>, vector<1x16xf32>,
      %get3A_302 = vector.shape_cast %get3A_301 : vector<1x16xf32> to vector<16xf32>
      %get3A_303 = arith.index_cast %add3A_276 : i32 to index
      %get3A_304 = arith.constant 32 : index
      %get3A_305 = tpu.vector_load %arg7[%get3A_303, %get3A_304] {strides = array<i32>} : memref<50x64xf32, #tpu.memory_space<vmem>>, vector<1x16xf32>,
      %get3A_306 = vector.shape_cast %get3A_305 : vector<1x16xf32> to vector<16xf32>
      %get3A_307 = arith.index_cast %add3A_276 : i32 to index
      %get3A_308 = arith.constant 48 : index
      %get3A_309 = tpu.vector_load %arg7[%get3A_307, %get3A_308] {strides = array<i32>} : memref<50x64xf32, #tpu.memory_space<vmem>>, vector<1x16xf32>,
      %get3A_310 = vector.shape_cast %get3A_309 : vector<1x16xf32> to vector<16xf32>
      %scan3A_311 = arith.constant 0 : i32
      %scan3A_312 = arith.constant 0 : i32
      %scan3A_313 = arith.constant 128 : i32
      %scan3A_314 = arith.addi %scan3A_312, %scan3A_313 : i32
      %scan3A_315 = arith.constant 1 : i32
      scf.for %scan3A_761 = %scan3A_312 to %scan3A_314 step %scan3A_315  : i32 {
        %get3A_762 = arith.constant 2 : i32
        %get3A_763 = arith.index_cast %get3A_762 : i32 to index
        %get3A_764 = arith.index_cast %scan3A_761 : i32 to index
        %get3A_765 = arith.constant 0 : index
        %get3A_766 = tpu.vector_load %arg8[%get3A_763, %get3A_764, %get3A_765] {strides = array<i32>} : memref<10x128x64xf32, #tpu.memory_space<vmem>>, vector<1x1x16xf32>,
        %get3A_767 = vector.shape_cast %get3A_766 : vector<1x1x16xf32> to vector<16xf32>
        %add3A_768 = arith.addf %get3A_767, %get3A_298 : vector<16xf32>
        %swap3A = arith.constant 2 : i32
        %swap3A_769 = arith.index_cast %swap3A : i32 to index
        %swap3A_770 = arith.index_cast %scan3A_761 : i32 to index
        %swap3A_771 = arith.constant 0 : index
        %swap3A_772 = tpu.vector_load %arg8[%swap3A_769, %swap3A_770, %swap3A_771] {strides = array<i32>} : memref<10x128x64xf32, #tpu.memory_space<vmem>>, vector<1x1x16xf32>,
        %swap3A_773 = vector.shape_cast %swap3A_772 : vector<1x1x16xf32> to vector<16xf32>
        %swap3A_774 = vector.shape_cast %add3A_768 : vector<16xf32> to vector<1x1x16xf32>
        tpu.vector_store %arg8[%swap3A_769, %swap3A_770, %swap3A_771], %swap3A_774 {strides = array<i32>} : memref<10x128x64xf32, #tpu.memory_space<vmem>>, vector<1x1x16xf32>,
        %get3A_775 = arith.constant 2 : i32
        %get3A_776 = arith.index_cast %get3A_775 : i32 to index
        %get3A_777 = arith.index_cast %scan3A_761 : i32 to index
        %get3A_778 = arith.constant 16 : index
        %get3A_779 = tpu.vector_load %arg8[%get3A_776, %get3A_777, %get3A_778] {strides = array<i32>} : memref<10x128x64xf32, #tpu.memory_space<vmem>>, vector<1x1x16xf32>,
        %get3A_780 = vector.shape_cast %get3A_779 : vector<1x1x16xf32> to vector<16xf32>
        %add3A_781 = arith.addf %get3A_780, %get3A_302 : vector<16xf32>
        %swap3A_782 = arith.constant 2 : i32
        %swap3A_783 = arith.index_cast %swap3A_782 : i32 to index
        %swap3A_784 = arith.index_cast %scan3A_761 : i32 to index
        %swap3A_785 = arith.constant 16 : index
        %swap3A_786 = tpu.vector_load %arg8[%swap3A_783, %swap3A_784, %swap3A_785] {strides = array<i32>} : memref<10x128x64xf32, #tpu.memory_space<vmem>>, vector<1x1x16xf32>,
        %swap3A_787 = vector.shape_cast %swap3A_786 : vector<1x1x16xf32> to vector<16xf32>
        %swap3A_788 = vector.shape_cast %add3A_781 : vector<16xf32> to vector<1x1x16xf32>
        tpu.vector_store %arg8[%swap3A_783, %swap3A_784, %swap3A_785], %swap3A_788 {strides = array<i32>} : memref<10x128x64xf32, #tpu.memory_space<vmem>>, vector<1x1x16xf32>,
        %get3A_789 = arith.constant 2 : i32
        %get3A_790 = arith.index_cast %get3A_789 : i32 to index
        %get3A_791 = arith.index_cast %scan3A_761 : i32 to index
        %get3A_792 = arith.constant 32 : index
        %get3A_793 = tpu.vector_load %arg8[%get3A_790, %get3A_791, %get3A_792] {strides = array<i32>} : memref<10x128x64xf32, #tpu.memory_space<vmem>>, vector<1x1x16xf32>,
        %get3A_794 = vector.shape_cast %get3A_793 : vector<1x1x16xf32> to vector<16xf32>
        %add3A_795 = arith.addf %get3A_794, %get3A_306 : vector<16xf32>
        %swap3A_796 = arith.constant 2 : i32
        %swap3A_797 = arith.index_cast %swap3A_796 : i32 to index
        %swap3A_798 = arith.index_cast %scan3A_761 : i32 to index
        %swap3A_799 = arith.constant 32 : index
        %swap3A_800 = tpu.vector_load %arg8[%swap3A_797, %swap3A_798, %swap3A_799] {strides = array<i32>} : memref<10x128x64xf32, #tpu.memory_space<vmem>>, vector<1x1x16xf32>,
        %swap3A_801 = vector.shape_cast %swap3A_800 : vector<1x1x16xf32> to vector<16xf32>
        %swap3A_802 = vector.shape_cast %add3A_795 : vector<16xf32> to vector<1x1x16xf32>
        tpu.vector_store %arg8[%swap3A_797, %swap3A_798, %swap3A_799], %swap3A_802 {strides = array<i32>} : memref<10x128x64xf32, #tpu.memory_space<vmem>>, vector<1x1x16xf32>,
        %get3A_803 = arith.constant 2 : i32
        %get3A_804 = arith.index_cast %get3A_803 : i32 to index
        %get3A_805 = arith.index_cast %scan3A_761 : i32 to index
        %get3A_806 = arith.constant 48 : index
        %get3A_807 = tpu.vector_load %arg8[%get3A_804, %get3A_805, %get3A_806] {strides = array<i32>} : memref<10x128x64xf32, #tpu.memory_space<vmem>>, vector<1x1x16xf32>,
        %get3A_808 = vector.shape_cast %get3A_807 : vector<1x1x16xf32> to vector<16xf32>
        %add3A_809 = arith.addf %get3A_808, %get3A_310 : vector<16xf32>
        %swap3A_810 = arith.constant 2 : i32
        %swap3A_811 = arith.index_cast %swap3A_810 : i32 to index
        %swap3A_812 = arith.index_cast %scan3A_761 : i32 to index
        %swap3A_813 = arith.constant 48 : index
        %swap3A_814 = tpu.vector_load %arg8[%swap3A_811, %swap3A_812, %swap3A_813] {strides = array<i32>} : memref<10x128x64xf32, #tpu.memory_space<vmem>>, vector<1x1x16xf32>,
        %swap3A_815 = vector.shape_cast %swap3A_814 : vector<1x1x16xf32> to vector<16xf32>
        %swap3A_816 = vector.shape_cast %add3A_809 : vector<16xf32> to vector<1x1x16xf32>
        tpu.vector_store %arg8[%swap3A_811, %swap3A_812, %swap3A_813], %swap3A_816 {strides = array<i32>} : memref<10x128x64xf32, #tpu.memory_space<vmem>>, vector<1x1x16xf32>,
      }
      %scan3A_316 = arith.constant 128 : i32
      %dma_start3A_317 = arith.constant 2 : i32
      %dma_start3A_318 = arith.constant 0 : i32
      %dma_start3A_319 = arith.constant 0 : i32
      %dma_start3A_320 = tpu.memref_slice %arg8[%dma_start3A_317, %dma_start3A_318, %dma_start3A_319] : memref<10x128x64xf32, #tpu.memory_space<vmem>> -> memref<1x128x64xf32, #tpu.memory_space<vmem>>
      %dma_start3A_321 = tpu.memref_squeeze %dma_start3A_320 : memref<1x128x64xf32, #tpu.memory_space<vmem>> -> memref<128x64xf32, #tpu.memory_space<vmem>>
      %dma_start3A_322 = arith.constant 0 : i32
      %dma_start3A_323 = arith.constant 0 : i32
      %dma_start3A_324 = tpu.memref_slice %arg5[%add3A, %add3A_276, %dma_start3A_322, %dma_start3A_323] : memref<32x50x128x64xf32, #tpu.memory_space<hbm>> -> memref<1x1x128x64xf32, #tpu.memory_space<hbm>>
      %dma_start3A_325 = tpu.memref_squeeze %dma_start3A_324 : memref<1x1x128x64xf32, #tpu.memory_space<hbm>> -> memref<128x64xf32, #tpu.memory_space<hbm>>
      %dma_start3A_326 = arith.constant 0 : i32
      %dma_start3A_327 = arith.constant 0 : i32
      %dma_start3A_328 = tpu.memref_slice %arg5[%add3A, %add3A_276, %dma_start3A_326, %dma_start3A_327] : memref<32x50x128x64xf32, #tpu.memory_space<hbm>> -> memref<1x1x128x64xf32, #tpu.memory_space<hbm>>
      %dma_start3A_329 = tpu.memref_squeeze %dma_start3A_328 : memref<1x1x128x64xf32, #tpu.memory_space<hbm>> -> memref<128x64xf32, #tpu.memory_space<hbm>>
      %dma_start3A_330 = arith.constant 0 : i32
      %dma_start3A_331 = arith.constant 0 : i32
      %dma_start3A_332 = tpu.memref_slice %arg8[%dma_start3A_317, %dma_start3A_330, %dma_start3A_331] : memref<10x128x64xf32, #tpu.memory_space<vmem>> -> memref<1x128x64xf32, #tpu.memory_space<vmem>>
      %dma_start3A_333 = tpu.memref_squeeze %dma_start3A_332 : memref<1x128x64xf32, #tpu.memory_space<vmem>> -> memref<128x64xf32, #tpu.memory_space<vmem>>
      tpu.enqueue_dma source(%dma_start3A_333 : memref<128x64xf32, #tpu.memory_space<vmem>>) target(%dma_start3A_329 : memref<128x64xf32, #tpu.memory_space<hbm>>) target_semaphore(%arg21 : memref<!tpu.dma_semaphore, #tpu.memory_space<semaphore_mem>>)
      %mul3A_334 = arith.constant 10 : i32
      %mul3A_335 = arith.muli %scan3A_154, %mul3A_334 : i32
      %add3A_336 = arith.constant 3 : i32
      %add3A_337 = arith.addi %mul3A_335, %add3A_336 : i32
      %add3A_338 = arith.constant 5 : i32
      %add3A_339 = arith.addi %add3A_337, %add3A_338 : i32
      %lt3A_340 = arith.constant 50 : i32
      %lt3A_341 = arith.cmpi slt, %add3A_339, %lt3A_340 : i32
      %convert_element_type3A_342 = arith.extui %lt3A_341 : i1 to i32
      %cond3A_343 = arith.constant 0 : i32
      %cond3A_344 = arith.cmpi ne, %convert_element_type3A_342, %cond3A_343 : i32
      scf.if %cond3A_344 {
        %sub3A = arith.constant 10 : i32
        %sub3A_761 = arith.subi %add3A_339, %sub3A : i32
        %ge3A = arith.constant 0 : i32
        %ge3A_762 = arith.cmpi sge, %sub3A_761, %ge3A : i32
        %convert_element_type3A_763 = arith.extui %ge3A_762 : i1 to i32
        %cond3A_764 = arith.constant 0 : i32
        %cond3A_765 = arith.cmpi ne, %convert_element_type3A_763, %cond3A_764 : i32
        scf.if %cond3A_765 {
          %sub3A_777 = arith.constant 10 : i32
          %sub3A_778 = arith.subi %add3A_339, %sub3A_777 : i32
          %dma_wait3A_779 = arith.constant 8 : i32
          %dma_wait3A_780 = arith.constant 0 : i32
          %dma_wait3A_781 = arith.constant 0 : i32
          %dma_wait3A_782 = tpu.memref_slice %arg8[%dma_wait3A_779, %dma_wait3A_780, %dma_wait3A_781] : memref<10x128x64xf32, #tpu.memory_space<vmem>> -> memref<1x128x64xf32, #tpu.memory_space<vmem>>
          %dma_wait3A_783 = tpu.memref_squeeze %dma_wait3A_782 : memref<1x128x64xf32, #tpu.memory_space<vmem>> -> memref<128x64xf32, #tpu.memory_space<vmem>>
          %dma_wait3A_784 = arith.constant 0 : i32
          %dma_wait3A_785 = arith.constant 0 : i32
          %dma_wait3A_786 = tpu.memref_slice %arg5[%add3A, %sub3A_778, %dma_wait3A_784, %dma_wait3A_785] : memref<32x50x128x64xf32, #tpu.memory_space<hbm>> -> memref<1x1x128x64xf32, #tpu.memory_space<hbm>>
          %dma_wait3A_787 = tpu.memref_squeeze %dma_wait3A_786 : memref<1x1x128x64xf32, #tpu.memory_space<hbm>> -> memref<128x64xf32, #tpu.memory_space<hbm>>
          %dma_wait3A_788 = arith.constant 0 : i32
          %dma_wait3A_789 = arith.constant 0 : i32
          %dma_wait3A_790 = tpu.memref_slice %arg5[%add3A, %sub3A_778, %dma_wait3A_788, %dma_wait3A_789] : memref<32x50x128x64xf32, #tpu.memory_space<hbm>> -> memref<1x1x128x64xf32, #tpu.memory_space<hbm>>
          %dma_wait3A_791 = tpu.memref_squeeze %dma_wait3A_790 : memref<1x1x128x64xf32, #tpu.memory_space<hbm>> -> memref<128x64xf32, #tpu.memory_space<hbm>>
          %dma_wait3A_792 = arith.constant 0 : i32
          %dma_wait3A_793 = arith.constant 0 : i32
          %dma_wait3A_794 = tpu.memref_slice %arg8[%dma_wait3A_779, %dma_wait3A_792, %dma_wait3A_793] : memref<10x128x64xf32, #tpu.memory_space<vmem>> -> memref<1x128x64xf32, #tpu.memory_space<vmem>>
          %dma_wait3A_795 = tpu.memref_squeeze %dma_wait3A_794 : memref<1x128x64xf32, #tpu.memory_space<vmem>> -> memref<128x64xf32, #tpu.memory_space<vmem>>
          tpu.wait_dma2 semaphore(%arg27 : memref<!tpu.dma_semaphore, #tpu.memory_space<semaphore_mem>>) src(%dma_wait3A_795 : memref<128x64xf32, #tpu.memory_space<vmem>>) dst(%dma_wait3A_791 : memref<128x64xf32, #tpu.memory_space<hbm>>)
        } else {
        }
        %dma_start3A_766 = arith.constant 8 : i32
        %dma_start3A_767 = arith.constant 0 : i32
        %dma_start3A_768 = arith.constant 0 : i32
        %dma_start3A_769 = tpu.memref_slice %arg8[%dma_start3A_766, %dma_start3A_767, %dma_start3A_768] : memref<10x128x64xf32, #tpu.memory_space<vmem>> -> memref<1x128x64xf32, #tpu.memory_space<vmem>>
        %dma_start3A_770 = tpu.memref_squeeze %dma_start3A_769 : memref<1x128x64xf32, #tpu.memory_space<vmem>> -> memref<128x64xf32, #tpu.memory_space<vmem>>
        %dma_start3A_771 = arith.constant 0 : i32
        %dma_start3A_772 = tpu.memref_slice %arg6[%add3A_339, %dma_start3A_771] : memref<50x128xi32, #tpu.memory_space<vmem>> -> memref<1x128xi32, #tpu.memory_space<vmem>>
        %dma_start3A_773 = tpu.memref_squeeze %dma_start3A_772 : memref<1x128xi32, #tpu.memory_space<vmem>> -> memref<128xi32, #tpu.memory_space<vmem>>
        %dma_start3A_774 = arith.constant 0 : i32
        %dma_start3A_775 = arith.constant 0 : i32
        %dma_start3A_776 = tpu.memref_slice %arg3[%dma_start3A_774, %dma_start3A_775] : memref<1000000x64xf32, #tpu.memory_space<hbm>> -> memref<1000000x64xf32, #tpu.memory_space<hbm>>
        tpu.enqueue_indirect_dma source(%dma_start3A_776 : memref<1000000x64xf32, #tpu.memory_space<hbm>>) target(%dma_start3A_770 : memref<128x64xf32, #tpu.memory_space<vmem>>) offsets(%dma_start3A_773 : memref<128xi32, #tpu.memory_space<vmem>>) semaphore(%arg17 : memref<!tpu.dma_semaphore, #tpu.memory_space<semaphore_mem>>)
      } else {
      }
      %dma_wait3A_345 = arith.constant 3 : i32
      %dma_wait3A_346 = arith.constant 0 : i32
      %dma_wait3A_347 = arith.constant 0 : i32
      %dma_wait3A_348 = tpu.memref_slice %arg8[%dma_wait3A_345, %dma_wait3A_346, %dma_wait3A_347] : memref<10x128x64xf32, #tpu.memory_space<vmem>> -> memref<1x128x64xf32, #tpu.memory_space<vmem>>
      %dma_wait3A_349 = tpu.memref_squeeze %dma_wait3A_348 : memref<1x128x64xf32, #tpu.memory_space<vmem>> -> memref<128x64xf32, #tpu.memory_space<vmem>>
      %dma_wait3A_350 = arith.constant 0 : i32
      %dma_wait3A_351 = tpu.memref_slice %arg6[%add3A_337, %dma_wait3A_350] : memref<50x128xi32, #tpu.memory_space<vmem>> -> memref<1x128xi32, #tpu.memory_space<vmem>>
      %dma_wait3A_352 = tpu.memref_squeeze %dma_wait3A_351 : memref<1x128xi32, #tpu.memory_space<vmem>> -> memref<128xi32, #tpu.memory_space<vmem>>
      %dma_wait3A_353 = arith.constant 0 : i32
      %dma_wait3A_354 = arith.constant 0 : i32
      %dma_wait3A_355 = tpu.memref_slice %arg3[%dma_wait3A_353, %dma_wait3A_354] : memref<1000000x64xf32, #tpu.memory_space<hbm>> -> memref<1000000x64xf32, #tpu.memory_space<hbm>>
      tpu.wait_indirect_dma semaphore(%arg12 : memref<!tpu.dma_semaphore, #tpu.memory_space<semaphore_mem>>) src(%dma_wait3A_355 : memref<1000000x64xf32, #tpu.memory_space<hbm>>) dst(%dma_wait3A_349 : memref<128x64xf32, #tpu.memory_space<vmem>>)
      %get3A_356 = arith.index_cast %add3A_337 : i32 to index
      %get3A_357 = arith.constant 0 : index
      %get3A_358 = tpu.vector_load %arg7[%get3A_356, %get3A_357] {strides = array<i32>} : memref<50x64xf32, #tpu.memory_space<vmem>>, vector<1x16xf32>,
      %get3A_359 = vector.shape_cast %get3A_358 : vector<1x16xf32> to vector<16xf32>
      %get3A_360 = arith.index_cast %add3A_337 : i32 to index
      %get3A_361 = arith.constant 16 : index
      %get3A_362 = tpu.vector_load %arg7[%get3A_360, %get3A_361] {strides = array<i32>} : memref<50x64xf32, #tpu.memory_space<vmem>>, vector<1x16xf32>,
      %get3A_363 = vector.shape_cast %get3A_362 : vector<1x16xf32> to vector<16xf32>
      %get3A_364 = arith.index_cast %add3A_337 : i32 to index
      %get3A_365 = arith.constant 32 : index
      %get3A_366 = tpu.vector_load %arg7[%get3A_364, %get3A_365] {strides = array<i32>} : memref<50x64xf32, #tpu.memory_space<vmem>>, vector<1x16xf32>,
      %get3A_367 = vector.shape_cast %get3A_366 : vector<1x16xf32> to vector<16xf32>
      %get3A_368 = arith.index_cast %add3A_337 : i32 to index
      %get3A_369 = arith.constant 48 : index
      %get3A_370 = tpu.vector_load %arg7[%get3A_368, %get3A_369] {strides = array<i32>} : memref<50x64xf32, #tpu.memory_space<vmem>>, vector<1x16xf32>,
      %get3A_371 = vector.shape_cast %get3A_370 : vector<1x16xf32> to vector<16xf32>
      %scan3A_372 = arith.constant 0 : i32
      %scan3A_373 = arith.constant 0 : i32
      %scan3A_374 = arith.constant 128 : i32
      %scan3A_375 = arith.addi %scan3A_373, %scan3A_374 : i32
      %scan3A_376 = arith.constant 1 : i32
      scf.for %scan3A_761 = %scan3A_373 to %scan3A_375 step %scan3A_376  : i32 {
        %get3A_762 = arith.constant 3 : i32
        %get3A_763 = arith.index_cast %get3A_762 : i32 to index
        %get3A_764 = arith.index_cast %scan3A_761 : i32 to index
        %get3A_765 = arith.constant 0 : index
        %get3A_766 = tpu.vector_load %arg8[%get3A_763, %get3A_764, %get3A_765] {strides = array<i32>} : memref<10x128x64xf32, #tpu.memory_space<vmem>>, vector<1x1x16xf32>,
        %get3A_767 = vector.shape_cast %get3A_766 : vector<1x1x16xf32> to vector<16xf32>
        %add3A_768 = arith.addf %get3A_767, %get3A_359 : vector<16xf32>
        %swap3A = arith.constant 3 : i32
        %swap3A_769 = arith.index_cast %swap3A : i32 to index
        %swap3A_770 = arith.index_cast %scan3A_761 : i32 to index
        %swap3A_771 = arith.constant 0 : index
        %swap3A_772 = tpu.vector_load %arg8[%swap3A_769, %swap3A_770, %swap3A_771] {strides = array<i32>} : memref<10x128x64xf32, #tpu.memory_space<vmem>>, vector<1x1x16xf32>,
        %swap3A_773 = vector.shape_cast %swap3A_772 : vector<1x1x16xf32> to vector<16xf32>
        %swap3A_774 = vector.shape_cast %add3A_768 : vector<16xf32> to vector<1x1x16xf32>
        tpu.vector_store %arg8[%swap3A_769, %swap3A_770, %swap3A_771], %swap3A_774 {strides = array<i32>} : memref<10x128x64xf32, #tpu.memory_space<vmem>>, vector<1x1x16xf32>,
        %get3A_775 = arith.constant 3 : i32
        %get3A_776 = arith.index_cast %get3A_775 : i32 to index
        %get3A_777 = arith.index_cast %scan3A_761 : i32 to index
        %get3A_778 = arith.constant 16 : index
        %get3A_779 = tpu.vector_load %arg8[%get3A_776, %get3A_777, %get3A_778] {strides = array<i32>} : memref<10x128x64xf32, #tpu.memory_space<vmem>>, vector<1x1x16xf32>,
        %get3A_780 = vector.shape_cast %get3A_779 : vector<1x1x16xf32> to vector<16xf32>
        %add3A_781 = arith.addf %get3A_780, %get3A_363 : vector<16xf32>
        %swap3A_782 = arith.constant 3 : i32
        %swap3A_783 = arith.index_cast %swap3A_782 : i32 to index
        %swap3A_784 = arith.index_cast %scan3A_761 : i32 to index
        %swap3A_785 = arith.constant 16 : index
        %swap3A_786 = tpu.vector_load %arg8[%swap3A_783, %swap3A_784, %swap3A_785] {strides = array<i32>} : memref<10x128x64xf32, #tpu.memory_space<vmem>>, vector<1x1x16xf32>,
        %swap3A_787 = vector.shape_cast %swap3A_786 : vector<1x1x16xf32> to vector<16xf32>
        %swap3A_788 = vector.shape_cast %add3A_781 : vector<16xf32> to vector<1x1x16xf32>
        tpu.vector_store %arg8[%swap3A_783, %swap3A_784, %swap3A_785], %swap3A_788 {strides = array<i32>} : memref<10x128x64xf32, #tpu.memory_space<vmem>>, vector<1x1x16xf32>,
        %get3A_789 = arith.constant 3 : i32
        %get3A_790 = arith.index_cast %get3A_789 : i32 to index
        %get3A_791 = arith.index_cast %scan3A_761 : i32 to index
        %get3A_792 = arith.constant 32 : index
        %get3A_793 = tpu.vector_load %arg8[%get3A_790, %get3A_791, %get3A_792] {strides = array<i32>} : memref<10x128x64xf32, #tpu.memory_space<vmem>>, vector<1x1x16xf32>,
        %get3A_794 = vector.shape_cast %get3A_793 : vector<1x1x16xf32> to vector<16xf32>
        %add3A_795 = arith.addf %get3A_794, %get3A_367 : vector<16xf32>
        %swap3A_796 = arith.constant 3 : i32
        %swap3A_797 = arith.index_cast %swap3A_796 : i32 to index
        %swap3A_798 = arith.index_cast %scan3A_761 : i32 to index
        %swap3A_799 = arith.constant 32 : index
        %swap3A_800 = tpu.vector_load %arg8[%swap3A_797, %swap3A_798, %swap3A_799] {strides = array<i32>} : memref<10x128x64xf32, #tpu.memory_space<vmem>>, vector<1x1x16xf32>,
        %swap3A_801 = vector.shape_cast %swap3A_800 : vector<1x1x16xf32> to vector<16xf32>
        %swap3A_802 = vector.shape_cast %add3A_795 : vector<16xf32> to vector<1x1x16xf32>
        tpu.vector_store %arg8[%swap3A_797, %swap3A_798, %swap3A_799], %swap3A_802 {strides = array<i32>} : memref<10x128x64xf32, #tpu.memory_space<vmem>>, vector<1x1x16xf32>,
        %get3A_803 = arith.constant 3 : i32
        %get3A_804 = arith.index_cast %get3A_803 : i32 to index
        %get3A_805 = arith.index_cast %scan3A_761 : i32 to index
        %get3A_806 = arith.constant 48 : index
        %get3A_807 = tpu.vector_load %arg8[%get3A_804, %get3A_805, %get3A_806] {strides = array<i32>} : memref<10x128x64xf32, #tpu.memory_space<vmem>>, vector<1x1x16xf32>,
        %get3A_808 = vector.shape_cast %get3A_807 : vector<1x1x16xf32> to vector<16xf32>
        %add3A_809 = arith.addf %get3A_808, %get3A_371 : vector<16xf32>
        %swap3A_810 = arith.constant 3 : i32
        %swap3A_811 = arith.index_cast %swap3A_810 : i32 to index
        %swap3A_812 = arith.index_cast %scan3A_761 : i32 to index
        %swap3A_813 = arith.constant 48 : index
        %swap3A_814 = tpu.vector_load %arg8[%swap3A_811, %swap3A_812, %swap3A_813] {strides = array<i32>} : memref<10x128x64xf32, #tpu.memory_space<vmem>>, vector<1x1x16xf32>,
        %swap3A_815 = vector.shape_cast %swap3A_814 : vector<1x1x16xf32> to vector<16xf32>
        %swap3A_816 = vector.shape_cast %add3A_809 : vector<16xf32> to vector<1x1x16xf32>
        tpu.vector_store %arg8[%swap3A_811, %swap3A_812, %swap3A_813], %swap3A_816 {strides = array<i32>} : memref<10x128x64xf32, #tpu.memory_space<vmem>>, vector<1x1x16xf32>,
      }
      %scan3A_377 = arith.constant 128 : i32
      %dma_start3A_378 = arith.constant 3 : i32
      %dma_start3A_379 = arith.constant 0 : i32
      %dma_start3A_380 = arith.constant 0 : i32
      %dma_start3A_381 = tpu.memref_slice %arg8[%dma_start3A_378, %dma_start3A_379, %dma_start3A_380] : memref<10x128x64xf32, #tpu.memory_space<vmem>> -> memref<1x128x64xf32, #tpu.memory_space<vmem>>
      %dma_start3A_382 = tpu.memref_squeeze %dma_start3A_381 : memref<1x128x64xf32, #tpu.memory_space<vmem>> -> memref<128x64xf32, #tpu.memory_space<vmem>>
      %dma_start3A_383 = arith.constant 0 : i32
      %dma_start3A_384 = arith.constant 0 : i32
      %dma_start3A_385 = tpu.memref_slice %arg5[%add3A, %add3A_337, %dma_start3A_383, %dma_start3A_384] : memref<32x50x128x64xf32, #tpu.memory_space<hbm>> -> memref<1x1x128x64xf32, #tpu.memory_space<hbm>>
      %dma_start3A_386 = tpu.memref_squeeze %dma_start3A_385 : memref<1x1x128x64xf32, #tpu.memory_space<hbm>> -> memref<128x64xf32, #tpu.memory_space<hbm>>
      %dma_start3A_387 = arith.constant 0 : i32
      %dma_start3A_388 = arith.constant 0 : i32
      %dma_start3A_389 = tpu.memref_slice %arg5[%add3A, %add3A_337, %dma_start3A_387, %dma_start3A_388] : memref<32x50x128x64xf32, #tpu.memory_space<hbm>> -> memref<1x1x128x64xf32, #tpu.memory_space<hbm>>
      %dma_start3A_390 = tpu.memref_squeeze %dma_start3A_389 : memref<1x1x128x64xf32, #tpu.memory_space<hbm>> -> memref<128x64xf32, #tpu.memory_space<hbm>>
      %dma_start3A_391 = arith.constant 0 : i32
      %dma_start3A_392 = arith.constant 0 : i32
      %dma_start3A_393 = tpu.memref_slice %arg8[%dma_start3A_378, %dma_start3A_391, %dma_start3A_392] : memref<10x128x64xf32, #tpu.memory_space<vmem>> -> memref<1x128x64xf32, #tpu.memory_space<vmem>>
      %dma_start3A_394 = tpu.memref_squeeze %dma_start3A_393 : memref<1x128x64xf32, #tpu.memory_space<vmem>> -> memref<128x64xf32, #tpu.memory_space<vmem>>
      tpu.enqueue_dma source(%dma_start3A_394 : memref<128x64xf32, #tpu.memory_space<vmem>>) target(%dma_start3A_390 : memref<128x64xf32, #tpu.memory_space<hbm>>) target_semaphore(%arg22 : memref<!tpu.dma_semaphore, #tpu.memory_space<semaphore_mem>>)
      %mul3A_395 = arith.constant 10 : i32
      %mul3A_396 = arith.muli %scan3A_154, %mul3A_395 : i32
      %add3A_397 = arith.constant 4 : i32
      %add3A_398 = arith.addi %mul3A_396, %add3A_397 : i32
      %add3A_399 = arith.constant 5 : i32
      %add3A_400 = arith.addi %add3A_398, %add3A_399 : i32
      %lt3A_401 = arith.constant 50 : i32
      %lt3A_402 = arith.cmpi slt, %add3A_400, %lt3A_401 : i32
      %convert_element_type3A_403 = arith.extui %lt3A_402 : i1 to i32
      %cond3A_404 = arith.constant 0 : i32
      %cond3A_405 = arith.cmpi ne, %convert_element_type3A_403, %cond3A_404 : i32
      scf.if %cond3A_405 {
        %sub3A = arith.constant 10 : i32
        %sub3A_761 = arith.subi %add3A_400, %sub3A : i32
        %ge3A = arith.constant 0 : i32
        %ge3A_762 = arith.cmpi sge, %sub3A_761, %ge3A : i32
        %convert_element_type3A_763 = arith.extui %ge3A_762 : i1 to i32
        %cond3A_764 = arith.constant 0 : i32
        %cond3A_765 = arith.cmpi ne, %convert_element_type3A_763, %cond3A_764 : i32
        scf.if %cond3A_765 {
          %sub3A_777 = arith.constant 10 : i32
          %sub3A_778 = arith.subi %add3A_400, %sub3A_777 : i32
          %dma_wait3A_779 = arith.constant 9 : i32
          %dma_wait3A_780 = arith.constant 0 : i32
          %dma_wait3A_781 = arith.constant 0 : i32
          %dma_wait3A_782 = tpu.memref_slice %arg8[%dma_wait3A_779, %dma_wait3A_780, %dma_wait3A_781] : memref<10x128x64xf32, #tpu.memory_space<vmem>> -> memref<1x128x64xf32, #tpu.memory_space<vmem>>
          %dma_wait3A_783 = tpu.memref_squeeze %dma_wait3A_782 : memref<1x128x64xf32, #tpu.memory_space<vmem>> -> memref<128x64xf32, #tpu.memory_space<vmem>>
          %dma_wait3A_784 = arith.constant 0 : i32
          %dma_wait3A_785 = arith.constant 0 : i32
          %dma_wait3A_786 = tpu.memref_slice %arg5[%add3A, %sub3A_778, %dma_wait3A_784, %dma_wait3A_785] : memref<32x50x128x64xf32, #tpu.memory_space<hbm>> -> memref<1x1x128x64xf32, #tpu.memory_space<hbm>>
          %dma_wait3A_787 = tpu.memref_squeeze %dma_wait3A_786 : memref<1x1x128x64xf32, #tpu.memory_space<hbm>> -> memref<128x64xf32, #tpu.memory_space<hbm>>
          %dma_wait3A_788 = arith.constant 0 : i32
          %dma_wait3A_789 = arith.constant 0 : i32
          %dma_wait3A_790 = tpu.memref_slice %arg5[%add3A, %sub3A_778, %dma_wait3A_788, %dma_wait3A_789] : memref<32x50x128x64xf32, #tpu.memory_space<hbm>> -> memref<1x1x128x64xf32, #tpu.memory_space<hbm>>
          %dma_wait3A_791 = tpu.memref_squeeze %dma_wait3A_790 : memref<1x1x128x64xf32, #tpu.memory_space<hbm>> -> memref<128x64xf32, #tpu.memory_space<hbm>>
          %dma_wait3A_792 = arith.constant 0 : i32
          %dma_wait3A_793 = arith.constant 0 : i32
          %dma_wait3A_794 = tpu.memref_slice %arg8[%dma_wait3A_779, %dma_wait3A_792, %dma_wait3A_793] : memref<10x128x64xf32, #tpu.memory_space<vmem>> -> memref<1x128x64xf32, #tpu.memory_space<vmem>>
          %dma_wait3A_795 = tpu.memref_squeeze %dma_wait3A_794 : memref<1x128x64xf32, #tpu.memory_space<vmem>> -> memref<128x64xf32, #tpu.memory_space<vmem>>
          tpu.wait_dma2 semaphore(%arg28 : memref<!tpu.dma_semaphore, #tpu.memory_space<semaphore_mem>>) src(%dma_wait3A_795 : memref<128x64xf32, #tpu.memory_space<vmem>>) dst(%dma_wait3A_791 : memref<128x64xf32, #tpu.memory_space<hbm>>)
        } else {
        }
        %dma_start3A_766 = arith.constant 9 : i32
        %dma_start3A_767 = arith.constant 0 : i32
        %dma_start3A_768 = arith.constant 0 : i32
        %dma_start3A_769 = tpu.memref_slice %arg8[%dma_start3A_766, %dma_start3A_767, %dma_start3A_768] : memref<10x128x64xf32, #tpu.memory_space<vmem>> -> memref<1x128x64xf32, #tpu.memory_space<vmem>>
        %dma_start3A_770 = tpu.memref_squeeze %dma_start3A_769 : memref<1x128x64xf32, #tpu.memory_space<vmem>> -> memref<128x64xf32, #tpu.memory_space<vmem>>
        %dma_start3A_771 = arith.constant 0 : i32
        %dma_start3A_772 = tpu.memref_slice %arg6[%add3A_400, %dma_start3A_771] : memref<50x128xi32, #tpu.memory_space<vmem>> -> memref<1x128xi32, #tpu.memory_space<vmem>>
        %dma_start3A_773 = tpu.memref_squeeze %dma_start3A_772 : memref<1x128xi32, #tpu.memory_space<vmem>> -> memref<128xi32, #tpu.memory_space<vmem>>
        %dma_start3A_774 = arith.constant 0 : i32
        %dma_start3A_775 = arith.constant 0 : i32
        %dma_start3A_776 = tpu.memref_slice %arg3[%dma_start3A_774, %dma_start3A_775] : memref<1000000x64xf32, #tpu.memory_space<hbm>> -> memref<1000000x64xf32, #tpu.memory_space<hbm>>
        tpu.enqueue_indirect_dma source(%dma_start3A_776 : memref<1000000x64xf32, #tpu.memory_space<hbm>>) target(%dma_start3A_770 : memref<128x64xf32, #tpu.memory_space<vmem>>) offsets(%dma_start3A_773 : memref<128xi32, #tpu.memory_space<vmem>>) semaphore(%arg18 : memref<!tpu.dma_semaphore, #tpu.memory_space<semaphore_mem>>)
      } else {
      }
      %dma_wait3A_406 = arith.constant 4 : i32
      %dma_wait3A_407 = arith.constant 0 : i32
      %dma_wait3A_408 = arith.constant 0 : i32
      %dma_wait3A_409 = tpu.memref_slice %arg8[%dma_wait3A_406, %dma_wait3A_407, %dma_wait3A_408] : memref<10x128x64xf32, #tpu.memory_space<vmem>> -> memref<1x128x64xf32, #tpu.memory_space<vmem>>
      %dma_wait3A_410 = tpu.memref_squeeze %dma_wait3A_409 : memref<1x128x64xf32, #tpu.memory_space<vmem>> -> memref<128x64xf32, #tpu.memory_space<vmem>>
      %dma_wait3A_411 = arith.constant 0 : i32
      %dma_wait3A_412 = tpu.memref_slice %arg6[%add3A_398, %dma_wait3A_411] : memref<50x128xi32, #tpu.memory_space<vmem>> -> memref<1x128xi32, #tpu.memory_space<vmem>>
      %dma_wait3A_413 = tpu.memref_squeeze %dma_wait3A_412 : memref<1x128xi32, #tpu.memory_space<vmem>> -> memref<128xi32, #tpu.memory_space<vmem>>
      %dma_wait3A_414 = arith.constant 0 : i32
      %dma_wait3A_415 = arith.constant 0 : i32
      %dma_wait3A_416 = tpu.memref_slice %arg3[%dma_wait3A_414, %dma_wait3A_415] : memref<1000000x64xf32, #tpu.memory_space<hbm>> -> memref<1000000x64xf32, #tpu.memory_space<hbm>>
      tpu.wait_indirect_dma semaphore(%arg13 : memref<!tpu.dma_semaphore, #tpu.memory_space<semaphore_mem>>) src(%dma_wait3A_416 : memref<1000000x64xf32, #tpu.memory_space<hbm>>) dst(%dma_wait3A_410 : memref<128x64xf32, #tpu.memory_space<vmem>>)
      %get3A_417 = arith.index_cast %add3A_398 : i32 to index
      %get3A_418 = arith.constant 0 : index
      %get3A_419 = tpu.vector_load %arg7[%get3A_417, %get3A_418] {strides = array<i32>} : memref<50x64xf32, #tpu.memory_space<vmem>>, vector<1x16xf32>,
      %get3A_420 = vector.shape_cast %get3A_419 : vector<1x16xf32> to vector<16xf32>
      %get3A_421 = arith.index_cast %add3A_398 : i32 to index
      %get3A_422 = arith.constant 16 : index
      %get3A_423 = tpu.vector_load %arg7[%get3A_421, %get3A_422] {strides = array<i32>} : memref<50x64xf32, #tpu.memory_space<vmem>>, vector<1x16xf32>,
      %get3A_424 = vector.shape_cast %get3A_423 : vector<1x16xf32> to vector<16xf32>
      %get3A_425 = arith.index_cast %add3A_398 : i32 to index
      %get3A_426 = arith.constant 32 : index
      %get3A_427 = tpu.vector_load %arg7[%get3A_425, %get3A_426] {strides = array<i32>} : memref<50x64xf32, #tpu.memory_space<vmem>>, vector<1x16xf32>,
      %get3A_428 = vector.shape_cast %get3A_427 : vector<1x16xf32> to vector<16xf32>
      %get3A_429 = arith.index_cast %add3A_398 : i32 to index
      %get3A_430 = arith.constant 48 : index
      %get3A_431 = tpu.vector_load %arg7[%get3A_429, %get3A_430] {strides = array<i32>} : memref<50x64xf32, #tpu.memory_space<vmem>>, vector<1x16xf32>,
      %get3A_432 = vector.shape_cast %get3A_431 : vector<1x16xf32> to vector<16xf32>
      %scan3A_433 = arith.constant 0 : i32
      %scan3A_434 = arith.constant 0 : i32
      %scan3A_435 = arith.constant 128 : i32
      %scan3A_436 = arith.addi %scan3A_434, %scan3A_435 : i32
      %scan3A_437 = arith.constant 1 : i32
      scf.for %scan3A_761 = %scan3A_434 to %scan3A_436 step %scan3A_437  : i32 {
        %get3A_762 = arith.constant 4 : i32
        %get3A_763 = arith.index_cast %get3A_762 : i32 to index
        %get3A_764 = arith.index_cast %scan3A_761 : i32 to index
        %get3A_765 = arith.constant 0 : index
        %get3A_766 = tpu.vector_load %arg8[%get3A_763, %get3A_764, %get3A_765] {strides = array<i32>} : memref<10x128x64xf32, #tpu.memory_space<vmem>>, vector<1x1x16xf32>,
        %get3A_767 = vector.shape_cast %get3A_766 : vector<1x1x16xf32> to vector<16xf32>
        %add3A_768 = arith.addf %get3A_767, %get3A_420 : vector<16xf32>
        %swap3A = arith.constant 4 : i32
        %swap3A_769 = arith.index_cast %swap3A : i32 to index
        %swap3A_770 = arith.index_cast %scan3A_761 : i32 to index
        %swap3A_771 = arith.constant 0 : index
        %swap3A_772 = tpu.vector_load %arg8[%swap3A_769, %swap3A_770, %swap3A_771] {strides = array<i32>} : memref<10x128x64xf32, #tpu.memory_space<vmem>>, vector<1x1x16xf32>,
        %swap3A_773 = vector.shape_cast %swap3A_772 : vector<1x1x16xf32> to vector<16xf32>
        %swap3A_774 = vector.shape_cast %add3A_768 : vector<16xf32> to vector<1x1x16xf32>
        tpu.vector_store %arg8[%swap3A_769, %swap3A_770, %swap3A_771], %swap3A_774 {strides = array<i32>} : memref<10x128x64xf32, #tpu.memory_space<vmem>>, vector<1x1x16xf32>,
        %get3A_775 = arith.constant 4 : i32
        %get3A_776 = arith.index_cast %get3A_775 : i32 to index
        %get3A_777 = arith.index_cast %scan3A_761 : i32 to index
        %get3A_778 = arith.constant 16 : index
        %get3A_779 = tpu.vector_load %arg8[%get3A_776, %get3A_777, %get3A_778] {strides = array<i32>} : memref<10x128x64xf32, #tpu.memory_space<vmem>>, vector<1x1x16xf32>,
        %get3A_780 = vector.shape_cast %get3A_779 : vector<1x1x16xf32> to vector<16xf32>
        %add3A_781 = arith.addf %get3A_780, %get3A_424 : vector<16xf32>
        %swap3A_782 = arith.constant 4 : i32
        %swap3A_783 = arith.index_cast %swap3A_782 : i32 to index
        %swap3A_784 = arith.index_cast %scan3A_761 : i32 to index
        %swap3A_785 = arith.constant 16 : index
        %swap3A_786 = tpu.vector_load %arg8[%swap3A_783, %swap3A_784, %swap3A_785] {strides = array<i32>} : memref<10x128x64xf32, #tpu.memory_space<vmem>>, vector<1x1x16xf32>,
        %swap3A_787 = vector.shape_cast %swap3A_786 : vector<1x1x16xf32> to vector<16xf32>
        %swap3A_788 = vector.shape_cast %add3A_781 : vector<16xf32> to vector<1x1x16xf32>
        tpu.vector_store %arg8[%swap3A_783, %swap3A_784, %swap3A_785], %swap3A_788 {strides = array<i32>} : memref<10x128x64xf32, #tpu.memory_space<vmem>>, vector<1x1x16xf32>,
        %get3A_789 = arith.constant 4 : i32
        %get3A_790 = arith.index_cast %get3A_789 : i32 to index
        %get3A_791 = arith.index_cast %scan3A_761 : i32 to index
        %get3A_792 = arith.constant 32 : index
        %get3A_793 = tpu.vector_load %arg8[%get3A_790, %get3A_791, %get3A_792] {strides = array<i32>} : memref<10x128x64xf32, #tpu.memory_space<vmem>>, vector<1x1x16xf32>,
        %get3A_794 = vector.shape_cast %get3A_793 : vector<1x1x16xf32> to vector<16xf32>
        %add3A_795 = arith.addf %get3A_794, %get3A_428 : vector<16xf32>
        %swap3A_796 = arith.constant 4 : i32
        %swap3A_797 = arith.index_cast %swap3A_796 : i32 to index
        %swap3A_798 = arith.index_cast %scan3A_761 : i32 to index
        %swap3A_799 = arith.constant 32 : index
        %swap3A_800 = tpu.vector_load %arg8[%swap3A_797, %swap3A_798, %swap3A_799] {strides = array<i32>} : memref<10x128x64xf32, #tpu.memory_space<vmem>>, vector<1x1x16xf32>,
        %swap3A_801 = vector.shape_cast %swap3A_800 : vector<1x1x16xf32> to vector<16xf32>
        %swap3A_802 = vector.shape_cast %add3A_795 : vector<16xf32> to vector<1x1x16xf32>
        tpu.vector_store %arg8[%swap3A_797, %swap3A_798, %swap3A_799], %swap3A_802 {strides = array<i32>} : memref<10x128x64xf32, #tpu.memory_space<vmem>>, vector<1x1x16xf32>,
        %get3A_803 = arith.constant 4 : i32
        %get3A_804 = arith.index_cast %get3A_803 : i32 to index
        %get3A_805 = arith.index_cast %scan3A_761 : i32 to index
        %get3A_806 = arith.constant 48 : index
        %get3A_807 = tpu.vector_load %arg8[%get3A_804, %get3A_805, %get3A_806] {strides = array<i32>} : memref<10x128x64xf32, #tpu.memory_space<vmem>>, vector<1x1x16xf32>,
        %get3A_808 = vector.shape_cast %get3A_807 : vector<1x1x16xf32> to vector<16xf32>
        %add3A_809 = arith.addf %get3A_808, %get3A_432 : vector<16xf32>
        %swap3A_810 = arith.constant 4 : i32
        %swap3A_811 = arith.index_cast %swap3A_810 : i32 to index
        %swap3A_812 = arith.index_cast %scan3A_761 : i32 to index
        %swap3A_813 = arith.constant 48 : index
        %swap3A_814 = tpu.vector_load %arg8[%swap3A_811, %swap3A_812, %swap3A_813] {strides = array<i32>} : memref<10x128x64xf32, #tpu.memory_space<vmem>>, vector<1x1x16xf32>,
        %swap3A_815 = vector.shape_cast %swap3A_814 : vector<1x1x16xf32> to vector<16xf32>
        %swap3A_816 = vector.shape_cast %add3A_809 : vector<16xf32> to vector<1x1x16xf32>
        tpu.vector_store %arg8[%swap3A_811, %swap3A_812, %swap3A_813], %swap3A_816 {strides = array<i32>} : memref<10x128x64xf32, #tpu.memory_space<vmem>>, vector<1x1x16xf32>,
      }
      %scan3A_438 = arith.constant 128 : i32
      %dma_start3A_439 = arith.constant 4 : i32
      %dma_start3A_440 = arith.constant 0 : i32
      %dma_start3A_441 = arith.constant 0 : i32
      %dma_start3A_442 = tpu.memref_slice %arg8[%dma_start3A_439, %dma_start3A_440, %dma_start3A_441] : memref<10x128x64xf32, #tpu.memory_space<vmem>> -> memref<1x128x64xf32, #tpu.memory_space<vmem>>
      %dma_start3A_443 = tpu.memref_squeeze %dma_start3A_442 : memref<1x128x64xf32, #tpu.memory_space<vmem>> -> memref<128x64xf32, #tpu.memory_space<vmem>>
      %dma_start3A_444 = arith.constant 0 : i32
      %dma_start3A_445 = arith.constant 0 : i32
      %dma_start3A_446 = tpu.memref_slice %arg5[%add3A, %add3A_398, %dma_start3A_444, %dma_start3A_445] : memref<32x50x128x64xf32, #tpu.memory_space<hbm>> -> memref<1x1x128x64xf32, #tpu.memory_space<hbm>>
      %dma_start3A_447 = tpu.memref_squeeze %dma_start3A_446 : memref<1x1x128x64xf32, #tpu.memory_space<hbm>> -> memref<128x64xf32, #tpu.memory_space<hbm>>
      %dma_start3A_448 = arith.constant 0 : i32
      %dma_start3A_449 = arith.constant 0 : i32
      %dma_start3A_450 = tpu.memref_slice %arg5[%add3A, %add3A_398, %dma_start3A_448, %dma_start3A_449] : memref<32x50x128x64xf32, #tpu.memory_space<hbm>> -> memref<1x1x128x64xf32, #tpu.memory_space<hbm>>
      %dma_start3A_451 = tpu.memref_squeeze %dma_start3A_450 : memref<1x1x128x64xf32, #tpu.memory_space<hbm>> -> memref<128x64xf32, #tpu.memory_space<hbm>>
      %dma_start3A_452 = arith.constant 0 : i32
      %dma_start3A_453 = arith.constant 0 : i32
      %dma_start3A_454 = tpu.memref_slice %arg8[%dma_start3A_439, %dma_start3A_452, %dma_start3A_453] : memref<10x128x64xf32, #tpu.memory_space<vmem>> -> memref<1x128x64xf32, #tpu.memory_space<vmem>>
      %dma_start3A_455 = tpu.memref_squeeze %dma_start3A_454 : memref<1x128x64xf32, #tpu.memory_space<vmem>> -> memref<128x64xf32, #tpu.memory_space<vmem>>
      tpu.enqueue_dma source(%dma_start3A_455 : memref<128x64xf32, #tpu.memory_space<vmem>>) target(%dma_start3A_451 : memref<128x64xf32, #tpu.memory_space<hbm>>) target_semaphore(%arg23 : memref<!tpu.dma_semaphore, #tpu.memory_space<semaphore_mem>>)
      %mul3A_456 = arith.constant 10 : i32
      %mul3A_457 = arith.muli %scan3A_154, %mul3A_456 : i32
      %add3A_458 = arith.constant 5 : i32
      %add3A_459 = arith.addi %mul3A_457, %add3A_458 : i32
      %add3A_460 = arith.constant 5 : i32
      %add3A_461 = arith.addi %add3A_459, %add3A_460 : i32
      %lt3A_462 = arith.constant 50 : i32
      %lt3A_463 = arith.cmpi slt, %add3A_461, %lt3A_462 : i32
      %convert_element_type3A_464 = arith.extui %lt3A_463 : i1 to i32
      %cond3A_465 = arith.constant 0 : i32
      %cond3A_466 = arith.cmpi ne, %convert_element_type3A_464, %cond3A_465 : i32
      scf.if %cond3A_466 {
        %sub3A = arith.constant 10 : i32
        %sub3A_761 = arith.subi %add3A_461, %sub3A : i32
        %ge3A = arith.constant 0 : i32
        %ge3A_762 = arith.cmpi sge, %sub3A_761, %ge3A : i32
        %convert_element_type3A_763 = arith.extui %ge3A_762 : i1 to i32
        %cond3A_764 = arith.constant 0 : i32
        %cond3A_765 = arith.cmpi ne, %convert_element_type3A_763, %cond3A_764 : i32
        scf.if %cond3A_765 {
          %sub3A_777 = arith.constant 10 : i32
          %sub3A_778 = arith.subi %add3A_461, %sub3A_777 : i32
          %dma_wait3A_779 = arith.constant 0 : i32
          %dma_wait3A_780 = arith.constant 0 : i32
          %dma_wait3A_781 = arith.constant 0 : i32
          %dma_wait3A_782 = tpu.memref_slice %arg8[%dma_wait3A_779, %dma_wait3A_780, %dma_wait3A_781] : memref<10x128x64xf32, #tpu.memory_space<vmem>> -> memref<1x128x64xf32, #tpu.memory_space<vmem>>
          %dma_wait3A_783 = tpu.memref_squeeze %dma_wait3A_782 : memref<1x128x64xf32, #tpu.memory_space<vmem>> -> memref<128x64xf32, #tpu.memory_space<vmem>>
          %dma_wait3A_784 = arith.constant 0 : i32
          %dma_wait3A_785 = arith.constant 0 : i32
          %dma_wait3A_786 = tpu.memref_slice %arg5[%add3A, %sub3A_778, %dma_wait3A_784, %dma_wait3A_785] : memref<32x50x128x64xf32, #tpu.memory_space<hbm>> -> memref<1x1x128x64xf32, #tpu.memory_space<hbm>>
          %dma_wait3A_787 = tpu.memref_squeeze %dma_wait3A_786 : memref<1x1x128x64xf32, #tpu.memory_space<hbm>> -> memref<128x64xf32, #tpu.memory_space<hbm>>
          %dma_wait3A_788 = arith.constant 0 : i32
          %dma_wait3A_789 = arith.constant 0 : i32
          %dma_wait3A_790 = tpu.memref_slice %arg5[%add3A, %sub3A_778, %dma_wait3A_788, %dma_wait3A_789] : memref<32x50x128x64xf32, #tpu.memory_space<hbm>> -> memref<1x1x128x64xf32, #tpu.memory_space<hbm>>
          %dma_wait3A_791 = tpu.memref_squeeze %dma_wait3A_790 : memref<1x1x128x64xf32, #tpu.memory_space<hbm>> -> memref<128x64xf32, #tpu.memory_space<hbm>>
          %dma_wait3A_792 = arith.constant 0 : i32
          %dma_wait3A_793 = arith.constant 0 : i32
          %dma_wait3A_794 = tpu.memref_slice %arg8[%dma_wait3A_779, %dma_wait3A_792, %dma_wait3A_793] : memref<10x128x64xf32, #tpu.memory_space<vmem>> -> memref<1x128x64xf32, #tpu.memory_space<vmem>>
          %dma_wait3A_795 = tpu.memref_squeeze %dma_wait3A_794 : memref<1x128x64xf32, #tpu.memory_space<vmem>> -> memref<128x64xf32, #tpu.memory_space<vmem>>
          tpu.wait_dma2 semaphore(%arg19 : memref<!tpu.dma_semaphore, #tpu.memory_space<semaphore_mem>>) src(%dma_wait3A_795 : memref<128x64xf32, #tpu.memory_space<vmem>>) dst(%dma_wait3A_791 : memref<128x64xf32, #tpu.memory_space<hbm>>)
        } else {
        }
        %dma_start3A_766 = arith.constant 0 : i32
        %dma_start3A_767 = arith.constant 0 : i32
        %dma_start3A_768 = arith.constant 0 : i32
        %dma_start3A_769 = tpu.memref_slice %arg8[%dma_start3A_766, %dma_start3A_767, %dma_start3A_768] : memref<10x128x64xf32, #tpu.memory_space<vmem>> -> memref<1x128x64xf32, #tpu.memory_space<vmem>>
        %dma_start3A_770 = tpu.memref_squeeze %dma_start3A_769 : memref<1x128x64xf32, #tpu.memory_space<vmem>> -> memref<128x64xf32, #tpu.memory_space<vmem>>
        %dma_start3A_771 = arith.constant 0 : i32
        %dma_start3A_772 = tpu.memref_slice %arg6[%add3A_461, %dma_start3A_771] : memref<50x128xi32, #tpu.memory_space<vmem>> -> memref<1x128xi32, #tpu.memory_space<vmem>>
        %dma_start3A_773 = tpu.memref_squeeze %dma_start3A_772 : memref<1x128xi32, #tpu.memory_space<vmem>> -> memref<128xi32, #tpu.memory_space<vmem>>
        %dma_start3A_774 = arith.constant 0 : i32
        %dma_start3A_775 = arith.constant 0 : i32
        %dma_start3A_776 = tpu.memref_slice %arg3[%dma_start3A_774, %dma_start3A_775] : memref<1000000x64xf32, #tpu.memory_space<hbm>> -> memref<1000000x64xf32, #tpu.memory_space<hbm>>
        tpu.enqueue_indirect_dma source(%dma_start3A_776 : memref<1000000x64xf32, #tpu.memory_space<hbm>>) target(%dma_start3A_770 : memref<128x64xf32, #tpu.memory_space<vmem>>) offsets(%dma_start3A_773 : memref<128xi32, #tpu.memory_space<vmem>>) semaphore(%arg9 : memref<!tpu.dma_semaphore, #tpu.memory_space<semaphore_mem>>)
      } else {
      }
      %dma_wait3A_467 = arith.constant 5 : i32
      %dma_wait3A_468 = arith.constant 0 : i32
      %dma_wait3A_469 = arith.constant 0 : i32
      %dma_wait3A_470 = tpu.memref_slice %arg8[%dma_wait3A_467, %dma_wait3A_468, %dma_wait3A_469] : memref<10x128x64xf32, #tpu.memory_space<vmem>> -> memref<1x128x64xf32, #tpu.memory_space<vmem>>
      %dma_wait3A_471 = tpu.memref_squeeze %dma_wait3A_470 : memref<1x128x64xf32, #tpu.memory_space<vmem>> -> memref<128x64xf32, #tpu.memory_space<vmem>>
      %dma_wait3A_472 = arith.constant 0 : i32
      %dma_wait3A_473 = tpu.memref_slice %arg6[%add3A_459, %dma_wait3A_472] : memref<50x128xi32, #tpu.memory_space<vmem>> -> memref<1x128xi32, #tpu.memory_space<vmem>>
      %dma_wait3A_474 = tpu.memref_squeeze %dma_wait3A_473 : memref<1x128xi32, #tpu.memory_space<vmem>> -> memref<128xi32, #tpu.memory_space<vmem>>
      %dma_wait3A_475 = arith.constant 0 : i32
      %dma_wait3A_476 = arith.constant 0 : i32
      %dma_wait3A_477 = tpu.memref_slice %arg3[%dma_wait3A_475, %dma_wait3A_476] : memref<1000000x64xf32, #tpu.memory_space<hbm>> -> memref<1000000x64xf32, #tpu.memory_space<hbm>>
      tpu.wait_indirect_dma semaphore(%arg14 : memref<!tpu.dma_semaphore, #tpu.memory_space<semaphore_mem>>) src(%dma_wait3A_477 : memref<1000000x64xf32, #tpu.memory_space<hbm>>) dst(%dma_wait3A_471 : memref<128x64xf32, #tpu.memory_space<vmem>>)
      %get3A_478 = arith.index_cast %add3A_459 : i32 to index
      %get3A_479 = arith.constant 0 : index
      %get3A_480 = tpu.vector_load %arg7[%get3A_478, %get3A_479] {strides = array<i32>} : memref<50x64xf32, #tpu.memory_space<vmem>>, vector<1x16xf32>,
      %get3A_481 = vector.shape_cast %get3A_480 : vector<1x16xf32> to vector<16xf32>
      %get3A_482 = arith.index_cast %add3A_459 : i32 to index
      %get3A_483 = arith.constant 16 : index
      %get3A_484 = tpu.vector_load %arg7[%get3A_482, %get3A_483] {strides = array<i32>} : memref<50x64xf32, #tpu.memory_space<vmem>>, vector<1x16xf32>,
      %get3A_485 = vector.shape_cast %get3A_484 : vector<1x16xf32> to vector<16xf32>
      %get3A_486 = arith.index_cast %add3A_459 : i32 to index
      %get3A_487 = arith.constant 32 : index
      %get3A_488 = tpu.vector_load %arg7[%get3A_486, %get3A_487] {strides = array<i32>} : memref<50x64xf32, #tpu.memory_space<vmem>>, vector<1x16xf32>,
      %get3A_489 = vector.shape_cast %get3A_488 : vector<1x16xf32> to vector<16xf32>
      %get3A_490 = arith.index_cast %add3A_459 : i32 to index
      %get3A_491 = arith.constant 48 : index
      %get3A_492 = tpu.vector_load %arg7[%get3A_490, %get3A_491] {strides = array<i32>} : memref<50x64xf32, #tpu.memory_space<vmem>>, vector<1x16xf32>,
      %get3A_493 = vector.shape_cast %get3A_492 : vector<1x16xf32> to vector<16xf32>
      %scan3A_494 = arith.constant 0 : i32
      %scan3A_495 = arith.constant 0 : i32
      %scan3A_496 = arith.constant 128 : i32
      %scan3A_497 = arith.addi %scan3A_495, %scan3A_496 : i32
      %scan3A_498 = arith.constant 1 : i32
      scf.for %scan3A_761 = %scan3A_495 to %scan3A_497 step %scan3A_498  : i32 {
        %get3A_762 = arith.constant 5 : i32
        %get3A_763 = arith.index_cast %get3A_762 : i32 to index
        %get3A_764 = arith.index_cast %scan3A_761 : i32 to index
        %get3A_765 = arith.constant 0 : index
        %get3A_766 = tpu.vector_load %arg8[%get3A_763, %get3A_764, %get3A_765] {strides = array<i32>} : memref<10x128x64xf32, #tpu.memory_space<vmem>>, vector<1x1x16xf32>,
        %get3A_767 = vector.shape_cast %get3A_766 : vector<1x1x16xf32> to vector<16xf32>
        %add3A_768 = arith.addf %get3A_767, %get3A_481 : vector<16xf32>
        %swap3A = arith.constant 5 : i32
        %swap3A_769 = arith.index_cast %swap3A : i32 to index
        %swap3A_770 = arith.index_cast %scan3A_761 : i32 to index
        %swap3A_771 = arith.constant 0 : index
        %swap3A_772 = tpu.vector_load %arg8[%swap3A_769, %swap3A_770, %swap3A_771] {strides = array<i32>} : memref<10x128x64xf32, #tpu.memory_space<vmem>>, vector<1x1x16xf32>,
        %swap3A_773 = vector.shape_cast %swap3A_772 : vector<1x1x16xf32> to vector<16xf32>
        %swap3A_774 = vector.shape_cast %add3A_768 : vector<16xf32> to vector<1x1x16xf32>
        tpu.vector_store %arg8[%swap3A_769, %swap3A_770, %swap3A_771], %swap3A_774 {strides = array<i32>} : memref<10x128x64xf32, #tpu.memory_space<vmem>>, vector<1x1x16xf32>,
        %get3A_775 = arith.constant 5 : i32
        %get3A_776 = arith.index_cast %get3A_775 : i32 to index
        %get3A_777 = arith.index_cast %scan3A_761 : i32 to index
        %get3A_778 = arith.constant 16 : index
        %get3A_779 = tpu.vector_load %arg8[%get3A_776, %get3A_777, %get3A_778] {strides = array<i32>} : memref<10x128x64xf32, #tpu.memory_space<vmem>>, vector<1x1x16xf32>,
        %get3A_780 = vector.shape_cast %get3A_779 : vector<1x1x16xf32> to vector<16xf32>
        %add3A_781 = arith.addf %get3A_780, %get3A_485 : vector<16xf32>
        %swap3A_782 = arith.constant 5 : i32
        %swap3A_783 = arith.index_cast %swap3A_782 : i32 to index
        %swap3A_784 = arith.index_cast %scan3A_761 : i32 to index
        %swap3A_785 = arith.constant 16 : index
        %swap3A_786 = tpu.vector_load %arg8[%swap3A_783, %swap3A_784, %swap3A_785] {strides = array<i32>} : memref<10x128x64xf32, #tpu.memory_space<vmem>>, vector<1x1x16xf32>,
        %swap3A_787 = vector.shape_cast %swap3A_786 : vector<1x1x16xf32> to vector<16xf32>
        %swap3A_788 = vector.shape_cast %add3A_781 : vector<16xf32> to vector<1x1x16xf32>
        tpu.vector_store %arg8[%swap3A_783, %swap3A_784, %swap3A_785], %swap3A_788 {strides = array<i32>} : memref<10x128x64xf32, #tpu.memory_space<vmem>>, vector<1x1x16xf32>,
        %get3A_789 = arith.constant 5 : i32
        %get3A_790 = arith.index_cast %get3A_789 : i32 to index
        %get3A_791 = arith.index_cast %scan3A_761 : i32 to index
        %get3A_792 = arith.constant 32 : index
        %get3A_793 = tpu.vector_load %arg8[%get3A_790, %get3A_791, %get3A_792] {strides = array<i32>} : memref<10x128x64xf32, #tpu.memory_space<vmem>>, vector<1x1x16xf32>,
        %get3A_794 = vector.shape_cast %get3A_793 : vector<1x1x16xf32> to vector<16xf32>
        %add3A_795 = arith.addf %get3A_794, %get3A_489 : vector<16xf32>
        %swap3A_796 = arith.constant 5 : i32
        %swap3A_797 = arith.index_cast %swap3A_796 : i32 to index
        %swap3A_798 = arith.index_cast %scan3A_761 : i32 to index
        %swap3A_799 = arith.constant 32 : index
        %swap3A_800 = tpu.vector_load %arg8[%swap3A_797, %swap3A_798, %swap3A_799] {strides = array<i32>} : memref<10x128x64xf32, #tpu.memory_space<vmem>>, vector<1x1x16xf32>,
        %swap3A_801 = vector.shape_cast %swap3A_800 : vector<1x1x16xf32> to vector<16xf32>
        %swap3A_802 = vector.shape_cast %add3A_795 : vector<16xf32> to vector<1x1x16xf32>
        tpu.vector_store %arg8[%swap3A_797, %swap3A_798, %swap3A_799], %swap3A_802 {strides = array<i32>} : memref<10x128x64xf32, #tpu.memory_space<vmem>>, vector<1x1x16xf32>,
        %get3A_803 = arith.constant 5 : i32
        %get3A_804 = arith.index_cast %get3A_803 : i32 to index
        %get3A_805 = arith.index_cast %scan3A_761 : i32 to index
        %get3A_806 = arith.constant 48 : index
        %get3A_807 = tpu.vector_load %arg8[%get3A_804, %get3A_805, %get3A_806] {strides = array<i32>} : memref<10x128x64xf32, #tpu.memory_space<vmem>>, vector<1x1x16xf32>,
        %get3A_808 = vector.shape_cast %get3A_807 : vector<1x1x16xf32> to vector<16xf32>
        %add3A_809 = arith.addf %get3A_808, %get3A_493 : vector<16xf32>
        %swap3A_810 = arith.constant 5 : i32
        %swap3A_811 = arith.index_cast %swap3A_810 : i32 to index
        %swap3A_812 = arith.index_cast %scan3A_761 : i32 to index
        %swap3A_813 = arith.constant 48 : index
        %swap3A_814 = tpu.vector_load %arg8[%swap3A_811, %swap3A_812, %swap3A_813] {strides = array<i32>} : memref<10x128x64xf32, #tpu.memory_space<vmem>>, vector<1x1x16xf32>,
        %swap3A_815 = vector.shape_cast %swap3A_814 : vector<1x1x16xf32> to vector<16xf32>
        %swap3A_816 = vector.shape_cast %add3A_809 : vector<16xf32> to vector<1x1x16xf32>
        tpu.vector_store %arg8[%swap3A_811, %swap3A_812, %swap3A_813], %swap3A_816 {strides = array<i32>} : memref<10x128x64xf32, #tpu.memory_space<vmem>>, vector<1x1x16xf32>,
      }
      %scan3A_499 = arith.constant 128 : i32
      %dma_start3A_500 = arith.constant 5 : i32
      %dma_start3A_501 = arith.constant 0 : i32
      %dma_start3A_502 = arith.constant 0 : i32
      %dma_start3A_503 = tpu.memref_slice %arg8[%dma_start3A_500, %dma_start3A_501, %dma_start3A_502] : memref<10x128x64xf32, #tpu.memory_space<vmem>> -> memref<1x128x64xf32, #tpu.memory_space<vmem>>
      %dma_start3A_504 = tpu.memref_squeeze %dma_start3A_503 : memref<1x128x64xf32, #tpu.memory_space<vmem>> -> memref<128x64xf32, #tpu.memory_space<vmem>>
      %dma_start3A_505 = arith.constant 0 : i32
      %dma_start3A_506 = arith.constant 0 : i32
      %dma_start3A_507 = tpu.memref_slice %arg5[%add3A, %add3A_459, %dma_start3A_505, %dma_start3A_506] : memref<32x50x128x64xf32, #tpu.memory_space<hbm>> -> memref<1x1x128x64xf32, #tpu.memory_space<hbm>>
      %dma_start3A_508 = tpu.memref_squeeze %dma_start3A_507 : memref<1x1x128x64xf32, #tpu.memory_space<hbm>> -> memref<128x64xf32, #tpu.memory_space<hbm>>
      %dma_start3A_509 = arith.constant 0 : i32
      %dma_start3A_510 = arith.constant 0 : i32
      %dma_start3A_511 = tpu.memref_slice %arg5[%add3A, %add3A_459, %dma_start3A_509, %dma_start3A_510] : memref<32x50x128x64xf32, #tpu.memory_space<hbm>> -> memref<1x1x128x64xf32, #tpu.memory_space<hbm>>
      %dma_start3A_512 = tpu.memref_squeeze %dma_start3A_511 : memref<1x1x128x64xf32, #tpu.memory_space<hbm>> -> memref<128x64xf32, #tpu.memory_space<hbm>>
      %dma_start3A_513 = arith.constant 0 : i32
      %dma_start3A_514 = arith.constant 0 : i32
      %dma_start3A_515 = tpu.memref_slice %arg8[%dma_start3A_500, %dma_start3A_513, %dma_start3A_514] : memref<10x128x64xf32, #tpu.memory_space<vmem>> -> memref<1x128x64xf32, #tpu.memory_space<vmem>>
      %dma_start3A_516 = tpu.memref_squeeze %dma_start3A_515 : memref<1x128x64xf32, #tpu.memory_space<vmem>> -> memref<128x64xf32, #tpu.memory_space<vmem>>
      tpu.enqueue_dma source(%dma_start3A_516 : memref<128x64xf32, #tpu.memory_space<vmem>>) target(%dma_start3A_512 : memref<128x64xf32, #tpu.memory_space<hbm>>) target_semaphore(%arg24 : memref<!tpu.dma_semaphore, #tpu.memory_space<semaphore_mem>>)
      %mul3A_517 = arith.constant 10 : i32
      %mul3A_518 = arith.muli %scan3A_154, %mul3A_517 : i32
      %add3A_519 = arith.constant 6 : i32
      %add3A_520 = arith.addi %mul3A_518, %add3A_519 : i32
      %add3A_521 = arith.constant 5 : i32
      %add3A_522 = arith.addi %add3A_520, %add3A_521 : i32
      %lt3A_523 = arith.constant 50 : i32
      %lt3A_524 = arith.cmpi slt, %add3A_522, %lt3A_523 : i32
      %convert_element_type3A_525 = arith.extui %lt3A_524 : i1 to i32
      %cond3A_526 = arith.constant 0 : i32
      %cond3A_527 = arith.cmpi ne, %convert_element_type3A_525, %cond3A_526 : i32
      scf.if %cond3A_527 {
        %sub3A = arith.constant 10 : i32
        %sub3A_761 = arith.subi %add3A_522, %sub3A : i32
        %ge3A = arith.constant 0 : i32
        %ge3A_762 = arith.cmpi sge, %sub3A_761, %ge3A : i32
        %convert_element_type3A_763 = arith.extui %ge3A_762 : i1 to i32
        %cond3A_764 = arith.constant 0 : i32
        %cond3A_765 = arith.cmpi ne, %convert_element_type3A_763, %cond3A_764 : i32
        scf.if %cond3A_765 {
          %sub3A_777 = arith.constant 10 : i32
          %sub3A_778 = arith.subi %add3A_522, %sub3A_777 : i32
          %dma_wait3A_779 = arith.constant 1 : i32
          %dma_wait3A_780 = arith.constant 0 : i32
          %dma_wait3A_781 = arith.constant 0 : i32
          %dma_wait3A_782 = tpu.memref_slice %arg8[%dma_wait3A_779, %dma_wait3A_780, %dma_wait3A_781] : memref<10x128x64xf32, #tpu.memory_space<vmem>> -> memref<1x128x64xf32, #tpu.memory_space<vmem>>
          %dma_wait3A_783 = tpu.memref_squeeze %dma_wait3A_782 : memref<1x128x64xf32, #tpu.memory_space<vmem>> -> memref<128x64xf32, #tpu.memory_space<vmem>>
          %dma_wait3A_784 = arith.constant 0 : i32
          %dma_wait3A_785 = arith.constant 0 : i32
          %dma_wait3A_786 = tpu.memref_slice %arg5[%add3A, %sub3A_778, %dma_wait3A_784, %dma_wait3A_785] : memref<32x50x128x64xf32, #tpu.memory_space<hbm>> -> memref<1x1x128x64xf32, #tpu.memory_space<hbm>>
          %dma_wait3A_787 = tpu.memref_squeeze %dma_wait3A_786 : memref<1x1x128x64xf32, #tpu.memory_space<hbm>> -> memref<128x64xf32, #tpu.memory_space<hbm>>
          %dma_wait3A_788 = arith.constant 0 : i32
          %dma_wait3A_789 = arith.constant 0 : i32
          %dma_wait3A_790 = tpu.memref_slice %arg5[%add3A, %sub3A_778, %dma_wait3A_788, %dma_wait3A_789] : memref<32x50x128x64xf32, #tpu.memory_space<hbm>> -> memref<1x1x128x64xf32, #tpu.memory_space<hbm>>
          %dma_wait3A_791 = tpu.memref_squeeze %dma_wait3A_790 : memref<1x1x128x64xf32, #tpu.memory_space<hbm>> -> memref<128x64xf32, #tpu.memory_space<hbm>>
          %dma_wait3A_792 = arith.constant 0 : i32
          %dma_wait3A_793 = arith.constant 0 : i32
          %dma_wait3A_794 = tpu.memref_slice %arg8[%dma_wait3A_779, %dma_wait3A_792, %dma_wait3A_793] : memref<10x128x64xf32, #tpu.memory_space<vmem>> -> memref<1x128x64xf32, #tpu.memory_space<vmem>>
          %dma_wait3A_795 = tpu.memref_squeeze %dma_wait3A_794 : memref<1x128x64xf32, #tpu.memory_space<vmem>> -> memref<128x64xf32, #tpu.memory_space<vmem>>
          tpu.wait_dma2 semaphore(%arg20 : memref<!tpu.dma_semaphore, #tpu.memory_space<semaphore_mem>>) src(%dma_wait3A_795 : memref<128x64xf32, #tpu.memory_space<vmem>>) dst(%dma_wait3A_791 : memref<128x64xf32, #tpu.memory_space<hbm>>)
        } else {
        }
        %dma_start3A_766 = arith.constant 1 : i32
        %dma_start3A_767 = arith.constant 0 : i32
        %dma_start3A_768 = arith.constant 0 : i32
        %dma_start3A_769 = tpu.memref_slice %arg8[%dma_start3A_766, %dma_start3A_767, %dma_start3A_768] : memref<10x128x64xf32, #tpu.memory_space<vmem>> -> memref<1x128x64xf32, #tpu.memory_space<vmem>>
        %dma_start3A_770 = tpu.memref_squeeze %dma_start3A_769 : memref<1x128x64xf32, #tpu.memory_space<vmem>> -> memref<128x64xf32, #tpu.memory_space<vmem>>
        %dma_start3A_771 = arith.constant 0 : i32
        %dma_start3A_772 = tpu.memref_slice %arg6[%add3A_522, %dma_start3A_771] : memref<50x128xi32, #tpu.memory_space<vmem>> -> memref<1x128xi32, #tpu.memory_space<vmem>>
        %dma_start3A_773 = tpu.memref_squeeze %dma_start3A_772 : memref<1x128xi32, #tpu.memory_space<vmem>> -> memref<128xi32, #tpu.memory_space<vmem>>
        %dma_start3A_774 = arith.constant 0 : i32
        %dma_start3A_775 = arith.constant 0 : i32
        %dma_start3A_776 = tpu.memref_slice %arg3[%dma_start3A_774, %dma_start3A_775] : memref<1000000x64xf32, #tpu.memory_space<hbm>> -> memref<1000000x64xf32, #tpu.memory_space<hbm>>
        tpu.enqueue_indirect_dma source(%dma_start3A_776 : memref<1000000x64xf32, #tpu.memory_space<hbm>>) target(%dma_start3A_770 : memref<128x64xf32, #tpu.memory_space<vmem>>) offsets(%dma_start3A_773 : memref<128xi32, #tpu.memory_space<vmem>>) semaphore(%arg10 : memref<!tpu.dma_semaphore, #tpu.memory_space<semaphore_mem>>)
      } else {
      }
      %dma_wait3A_528 = arith.constant 6 : i32
      %dma_wait3A_529 = arith.constant 0 : i32
      %dma_wait3A_530 = arith.constant 0 : i32
      %dma_wait3A_531 = tpu.memref_slice %arg8[%dma_wait3A_528, %dma_wait3A_529, %dma_wait3A_530] : memref<10x128x64xf32, #tpu.memory_space<vmem>> -> memref<1x128x64xf32, #tpu.memory_space<vmem>>
      %dma_wait3A_532 = tpu.memref_squeeze %dma_wait3A_531 : memref<1x128x64xf32, #tpu.memory_space<vmem>> -> memref<128x64xf32, #tpu.memory_space<vmem>>
      %dma_wait3A_533 = arith.constant 0 : i32
      %dma_wait3A_534 = tpu.memref_slice %arg6[%add3A_520, %dma_wait3A_533] : memref<50x128xi32, #tpu.memory_space<vmem>> -> memref<1x128xi32, #tpu.memory_space<vmem>>
      %dma_wait3A_535 = tpu.memref_squeeze %dma_wait3A_534 : memref<1x128xi32, #tpu.memory_space<vmem>> -> memref<128xi32, #tpu.memory_space<vmem>>
      %dma_wait3A_536 = arith.constant 0 : i32
      %dma_wait3A_537 = arith.constant 0 : i32
      %dma_wait3A_538 = tpu.memref_slice %arg3[%dma_wait3A_536, %dma_wait3A_537] : memref<1000000x64xf32, #tpu.memory_space<hbm>> -> memref<1000000x64xf32, #tpu.memory_space<hbm>>
      tpu.wait_indirect_dma semaphore(%arg15 : memref<!tpu.dma_semaphore, #tpu.memory_space<semaphore_mem>>) src(%dma_wait3A_538 : memref<1000000x64xf32, #tpu.memory_space<hbm>>) dst(%dma_wait3A_532 : memref<128x64xf32, #tpu.memory_space<vmem>>)
      %get3A_539 = arith.index_cast %add3A_520 : i32 to index
      %get3A_540 = arith.constant 0 : index
      %get3A_541 = tpu.vector_load %arg7[%get3A_539, %get3A_540] {strides = array<i32>} : memref<50x64xf32, #tpu.memory_space<vmem>>, vector<1x16xf32>,
      %get3A_542 = vector.shape_cast %get3A_541 : vector<1x16xf32> to vector<16xf32>
      %get3A_543 = arith.index_cast %add3A_520 : i32 to index
      %get3A_544 = arith.constant 16 : index
      %get3A_545 = tpu.vector_load %arg7[%get3A_543, %get3A_544] {strides = array<i32>} : memref<50x64xf32, #tpu.memory_space<vmem>>, vector<1x16xf32>,
      %get3A_546 = vector.shape_cast %get3A_545 : vector<1x16xf32> to vector<16xf32>
      %get3A_547 = arith.index_cast %add3A_520 : i32 to index
      %get3A_548 = arith.constant 32 : index
      %get3A_549 = tpu.vector_load %arg7[%get3A_547, %get3A_548] {strides = array<i32>} : memref<50x64xf32, #tpu.memory_space<vmem>>, vector<1x16xf32>,
      %get3A_550 = vector.shape_cast %get3A_549 : vector<1x16xf32> to vector<16xf32>
      %get3A_551 = arith.index_cast %add3A_520 : i32 to index
      %get3A_552 = arith.constant 48 : index
      %get3A_553 = tpu.vector_load %arg7[%get3A_551, %get3A_552] {strides = array<i32>} : memref<50x64xf32, #tpu.memory_space<vmem>>, vector<1x16xf32>,
      %get3A_554 = vector.shape_cast %get3A_553 : vector<1x16xf32> to vector<16xf32>
      %scan3A_555 = arith.constant 0 : i32
      %scan3A_556 = arith.constant 0 : i32
      %scan3A_557 = arith.constant 128 : i32
      %scan3A_558 = arith.addi %scan3A_556, %scan3A_557 : i32
      %scan3A_559 = arith.constant 1 : i32
      scf.for %scan3A_761 = %scan3A_556 to %scan3A_558 step %scan3A_559  : i32 {
        %get3A_762 = arith.constant 6 : i32
        %get3A_763 = arith.index_cast %get3A_762 : i32 to index
        %get3A_764 = arith.index_cast %scan3A_761 : i32 to index
        %get3A_765 = arith.constant 0 : index
        %get3A_766 = tpu.vector_load %arg8[%get3A_763, %get3A_764, %get3A_765] {strides = array<i32>} : memref<10x128x64xf32, #tpu.memory_space<vmem>>, vector<1x1x16xf32>,
        %get3A_767 = vector.shape_cast %get3A_766 : vector<1x1x16xf32> to vector<16xf32>
        %add3A_768 = arith.addf %get3A_767, %get3A_542 : vector<16xf32>
        %swap3A = arith.constant 6 : i32
        %swap3A_769 = arith.index_cast %swap3A : i32 to index
        %swap3A_770 = arith.index_cast %scan3A_761 : i32 to index
        %swap3A_771 = arith.constant 0 : index
        %swap3A_772 = tpu.vector_load %arg8[%swap3A_769, %swap3A_770, %swap3A_771] {strides = array<i32>} : memref<10x128x64xf32, #tpu.memory_space<vmem>>, vector<1x1x16xf32>,
        %swap3A_773 = vector.shape_cast %swap3A_772 : vector<1x1x16xf32> to vector<16xf32>
        %swap3A_774 = vector.shape_cast %add3A_768 : vector<16xf32> to vector<1x1x16xf32>
        tpu.vector_store %arg8[%swap3A_769, %swap3A_770, %swap3A_771], %swap3A_774 {strides = array<i32>} : memref<10x128x64xf32, #tpu.memory_space<vmem>>, vector<1x1x16xf32>,
        %get3A_775 = arith.constant 6 : i32
        %get3A_776 = arith.index_cast %get3A_775 : i32 to index
        %get3A_777 = arith.index_cast %scan3A_761 : i32 to index
        %get3A_778 = arith.constant 16 : index
        %get3A_779 = tpu.vector_load %arg8[%get3A_776, %get3A_777, %get3A_778] {strides = array<i32>} : memref<10x128x64xf32, #tpu.memory_space<vmem>>, vector<1x1x16xf32>,
        %get3A_780 = vector.shape_cast %get3A_779 : vector<1x1x16xf32> to vector<16xf32>
        %add3A_781 = arith.addf %get3A_780, %get3A_546 : vector<16xf32>
        %swap3A_782 = arith.constant 6 : i32
        %swap3A_783 = arith.index_cast %swap3A_782 : i32 to index
        %swap3A_784 = arith.index_cast %scan3A_761 : i32 to index
        %swap3A_785 = arith.constant 16 : index
        %swap3A_786 = tpu.vector_load %arg8[%swap3A_783, %swap3A_784, %swap3A_785] {strides = array<i32>} : memref<10x128x64xf32, #tpu.memory_space<vmem>>, vector<1x1x16xf32>,
        %swap3A_787 = vector.shape_cast %swap3A_786 : vector<1x1x16xf32> to vector<16xf32>
        %swap3A_788 = vector.shape_cast %add3A_781 : vector<16xf32> to vector<1x1x16xf32>
        tpu.vector_store %arg8[%swap3A_783, %swap3A_784, %swap3A_785], %swap3A_788 {strides = array<i32>} : memref<10x128x64xf32, #tpu.memory_space<vmem>>, vector<1x1x16xf32>,
        %get3A_789 = arith.constant 6 : i32
        %get3A_790 = arith.index_cast %get3A_789 : i32 to index
        %get3A_791 = arith.index_cast %scan3A_761 : i32 to index
        %get3A_792 = arith.constant 32 : index
        %get3A_793 = tpu.vector_load %arg8[%get3A_790, %get3A_791, %get3A_792] {strides = array<i32>} : memref<10x128x64xf32, #tpu.memory_space<vmem>>, vector<1x1x16xf32>,
        %get3A_794 = vector.shape_cast %get3A_793 : vector<1x1x16xf32> to vector<16xf32>
        %add3A_795 = arith.addf %get3A_794, %get3A_550 : vector<16xf32>
        %swap3A_796 = arith.constant 6 : i32
        %swap3A_797 = arith.index_cast %swap3A_796 : i32 to index
        %swap3A_798 = arith.index_cast %scan3A_761 : i32 to index
        %swap3A_799 = arith.constant 32 : index
        %swap3A_800 = tpu.vector_load %arg8[%swap3A_797, %swap3A_798, %swap3A_799] {strides = array<i32>} : memref<10x128x64xf32, #tpu.memory_space<vmem>>, vector<1x1x16xf32>,
        %swap3A_801 = vector.shape_cast %swap3A_800 : vector<1x1x16xf32> to vector<16xf32>
        %swap3A_802 = vector.shape_cast %add3A_795 : vector<16xf32> to vector<1x1x16xf32>
        tpu.vector_store %arg8[%swap3A_797, %swap3A_798, %swap3A_799], %swap3A_802 {strides = array<i32>} : memref<10x128x64xf32, #tpu.memory_space<vmem>>, vector<1x1x16xf32>,
        %get3A_803 = arith.constant 6 : i32
        %get3A_804 = arith.index_cast %get3A_803 : i32 to index
        %get3A_805 = arith.index_cast %scan3A_761 : i32 to index
        %get3A_806 = arith.constant 48 : index
        %get3A_807 = tpu.vector_load %arg8[%get3A_804, %get3A_805, %get3A_806] {strides = array<i32>} : memref<10x128x64xf32, #tpu.memory_space<vmem>>, vector<1x1x16xf32>,
        %get3A_808 = vector.shape_cast %get3A_807 : vector<1x1x16xf32> to vector<16xf32>
        %add3A_809 = arith.addf %get3A_808, %get3A_554 : vector<16xf32>
        %swap3A_810 = arith.constant 6 : i32
        %swap3A_811 = arith.index_cast %swap3A_810 : i32 to index
        %swap3A_812 = arith.index_cast %scan3A_761 : i32 to index
        %swap3A_813 = arith.constant 48 : index
        %swap3A_814 = tpu.vector_load %arg8[%swap3A_811, %swap3A_812, %swap3A_813] {strides = array<i32>} : memref<10x128x64xf32, #tpu.memory_space<vmem>>, vector<1x1x16xf32>,
        %swap3A_815 = vector.shape_cast %swap3A_814 : vector<1x1x16xf32> to vector<16xf32>
        %swap3A_816 = vector.shape_cast %add3A_809 : vector<16xf32> to vector<1x1x16xf32>
        tpu.vector_store %arg8[%swap3A_811, %swap3A_812, %swap3A_813], %swap3A_816 {strides = array<i32>} : memref<10x128x64xf32, #tpu.memory_space<vmem>>, vector<1x1x16xf32>,
      }
      %scan3A_560 = arith.constant 128 : i32
      %dma_start3A_561 = arith.constant 6 : i32
      %dma_start3A_562 = arith.constant 0 : i32
      %dma_start3A_563 = arith.constant 0 : i32
      %dma_start3A_564 = tpu.memref_slice %arg8[%dma_start3A_561, %dma_start3A_562, %dma_start3A_563] : memref<10x128x64xf32, #tpu.memory_space<vmem>> -> memref<1x128x64xf32, #tpu.memory_space<vmem>>
      %dma_start3A_565 = tpu.memref_squeeze %dma_start3A_564 : memref<1x128x64xf32, #tpu.memory_space<vmem>> -> memref<128x64xf32, #tpu.memory_space<vmem>>
      %dma_start3A_566 = arith.constant 0 : i32
      %dma_start3A_567 = arith.constant 0 : i32
      %dma_start3A_568 = tpu.memref_slice %arg5[%add3A, %add3A_520, %dma_start3A_566, %dma_start3A_567] : memref<32x50x128x64xf32, #tpu.memory_space<hbm>> -> memref<1x1x128x64xf32, #tpu.memory_space<hbm>>
      %dma_start3A_569 = tpu.memref_squeeze %dma_start3A_568 : memref<1x1x128x64xf32, #tpu.memory_space<hbm>> -> memref<128x64xf32, #tpu.memory_space<hbm>>
      %dma_start3A_570 = arith.constant 0 : i32
      %dma_start3A_571 = arith.constant 0 : i32
      %dma_start3A_572 = tpu.memref_slice %arg5[%add3A, %add3A_520, %dma_start3A_570, %dma_start3A_571] : memref<32x50x128x64xf32, #tpu.memory_space<hbm>> -> memref<1x1x128x64xf32, #tpu.memory_space<hbm>>
      %dma_start3A_573 = tpu.memref_squeeze %dma_start3A_572 : memref<1x1x128x64xf32, #tpu.memory_space<hbm>> -> memref<128x64xf32, #tpu.memory_space<hbm>>
      %dma_start3A_574 = arith.constant 0 : i32
      %dma_start3A_575 = arith.constant 0 : i32
      %dma_start3A_576 = tpu.memref_slice %arg8[%dma_start3A_561, %dma_start3A_574, %dma_start3A_575] : memref<10x128x64xf32, #tpu.memory_space<vmem>> -> memref<1x128x64xf32, #tpu.memory_space<vmem>>
      %dma_start3A_577 = tpu.memref_squeeze %dma_start3A_576 : memref<1x128x64xf32, #tpu.memory_space<vmem>> -> memref<128x64xf32, #tpu.memory_space<vmem>>
      tpu.enqueue_dma source(%dma_start3A_577 : memref<128x64xf32, #tpu.memory_space<vmem>>) target(%dma_start3A_573 : memref<128x64xf32, #tpu.memory_space<hbm>>) target_semaphore(%arg25 : memref<!tpu.dma_semaphore, #tpu.memory_space<semaphore_mem>>)
      %mul3A_578 = arith.constant 10 : i32
      %mul3A_579 = arith.muli %scan3A_154, %mul3A_578 : i32
      %add3A_580 = arith.constant 7 : i32
      %add3A_581 = arith.addi %mul3A_579, %add3A_580 : i32
      %add3A_582 = arith.constant 5 : i32
      %add3A_583 = arith.addi %add3A_581, %add3A_582 : i32
      %lt3A_584 = arith.constant 50 : i32
      %lt3A_585 = arith.cmpi slt, %add3A_583, %lt3A_584 : i32
      %convert_element_type3A_586 = arith.extui %lt3A_585 : i1 to i32
      %cond3A_587 = arith.constant 0 : i32
      %cond3A_588 = arith.cmpi ne, %convert_element_type3A_586, %cond3A_587 : i32
      scf.if %cond3A_588 {
        %sub3A = arith.constant 10 : i32
        %sub3A_761 = arith.subi %add3A_583, %sub3A : i32
        %ge3A = arith.constant 0 : i32
        %ge3A_762 = arith.cmpi sge, %sub3A_761, %ge3A : i32
        %convert_element_type3A_763 = arith.extui %ge3A_762 : i1 to i32
        %cond3A_764 = arith.constant 0 : i32
        %cond3A_765 = arith.cmpi ne, %convert_element_type3A_763, %cond3A_764 : i32
        scf.if %cond3A_765 {
          %sub3A_777 = arith.constant 10 : i32
          %sub3A_778 = arith.subi %add3A_583, %sub3A_777 : i32
          %dma_wait3A_779 = arith.constant 2 : i32
          %dma_wait3A_780 = arith.constant 0 : i32
          %dma_wait3A_781 = arith.constant 0 : i32
          %dma_wait3A_782 = tpu.memref_slice %arg8[%dma_wait3A_779, %dma_wait3A_780, %dma_wait3A_781] : memref<10x128x64xf32, #tpu.memory_space<vmem>> -> memref<1x128x64xf32, #tpu.memory_space<vmem>>
          %dma_wait3A_783 = tpu.memref_squeeze %dma_wait3A_782 : memref<1x128x64xf32, #tpu.memory_space<vmem>> -> memref<128x64xf32, #tpu.memory_space<vmem>>
          %dma_wait3A_784 = arith.constant 0 : i32
          %dma_wait3A_785 = arith.constant 0 : i32
          %dma_wait3A_786 = tpu.memref_slice %arg5[%add3A, %sub3A_778, %dma_wait3A_784, %dma_wait3A_785] : memref<32x50x128x64xf32, #tpu.memory_space<hbm>> -> memref<1x1x128x64xf32, #tpu.memory_space<hbm>>
          %dma_wait3A_787 = tpu.memref_squeeze %dma_wait3A_786 : memref<1x1x128x64xf32, #tpu.memory_space<hbm>> -> memref<128x64xf32, #tpu.memory_space<hbm>>
          %dma_wait3A_788 = arith.constant 0 : i32
          %dma_wait3A_789 = arith.constant 0 : i32
          %dma_wait3A_790 = tpu.memref_slice %arg5[%add3A, %sub3A_778, %dma_wait3A_788, %dma_wait3A_789] : memref<32x50x128x64xf32, #tpu.memory_space<hbm>> -> memref<1x1x128x64xf32, #tpu.memory_space<hbm>>
          %dma_wait3A_791 = tpu.memref_squeeze %dma_wait3A_790 : memref<1x1x128x64xf32, #tpu.memory_space<hbm>> -> memref<128x64xf32, #tpu.memory_space<hbm>>
          %dma_wait3A_792 = arith.constant 0 : i32
          %dma_wait3A_793 = arith.constant 0 : i32
          %dma_wait3A_794 = tpu.memref_slice %arg8[%dma_wait3A_779, %dma_wait3A_792, %dma_wait3A_793] : memref<10x128x64xf32, #tpu.memory_space<vmem>> -> memref<1x128x64xf32, #tpu.memory_space<vmem>>
          %dma_wait3A_795 = tpu.memref_squeeze %dma_wait3A_794 : memref<1x128x64xf32, #tpu.memory_space<vmem>> -> memref<128x64xf32, #tpu.memory_space<vmem>>
          tpu.wait_dma2 semaphore(%arg21 : memref<!tpu.dma_semaphore, #tpu.memory_space<semaphore_mem>>) src(%dma_wait3A_795 : memref<128x64xf32, #tpu.memory_space<vmem>>) dst(%dma_wait3A_791 : memref<128x64xf32, #tpu.memory_space<hbm>>)
        } else {
        }
        %dma_start3A_766 = arith.constant 2 : i32
        %dma_start3A_767 = arith.constant 0 : i32
        %dma_start3A_768 = arith.constant 0 : i32
        %dma_start3A_769 = tpu.memref_slice %arg8[%dma_start3A_766, %dma_start3A_767, %dma_start3A_768] : memref<10x128x64xf32, #tpu.memory_space<vmem>> -> memref<1x128x64xf32, #tpu.memory_space<vmem>>
        %dma_start3A_770 = tpu.memref_squeeze %dma_start3A_769 : memref<1x128x64xf32, #tpu.memory_space<vmem>> -> memref<128x64xf32, #tpu.memory_space<vmem>>
        %dma_start3A_771 = arith.constant 0 : i32
        %dma_start3A_772 = tpu.memref_slice %arg6[%add3A_583, %dma_start3A_771] : memref<50x128xi32, #tpu.memory_space<vmem>> -> memref<1x128xi32, #tpu.memory_space<vmem>>
        %dma_start3A_773 = tpu.memref_squeeze %dma_start3A_772 : memref<1x128xi32, #tpu.memory_space<vmem>> -> memref<128xi32, #tpu.memory_space<vmem>>
        %dma_start3A_774 = arith.constant 0 : i32
        %dma_start3A_775 = arith.constant 0 : i32
        %dma_start3A_776 = tpu.memref_slice %arg3[%dma_start3A_774, %dma_start3A_775] : memref<1000000x64xf32, #tpu.memory_space<hbm>> -> memref<1000000x64xf32, #tpu.memory_space<hbm>>
        tpu.enqueue_indirect_dma source(%dma_start3A_776 : memref<1000000x64xf32, #tpu.memory_space<hbm>>) target(%dma_start3A_770 : memref<128x64xf32, #tpu.memory_space<vmem>>) offsets(%dma_start3A_773 : memref<128xi32, #tpu.memory_space<vmem>>) semaphore(%arg11 : memref<!tpu.dma_semaphore, #tpu.memory_space<semaphore_mem>>)
      } else {
      }
      %dma_wait3A_589 = arith.constant 7 : i32
      %dma_wait3A_590 = arith.constant 0 : i32
      %dma_wait3A_591 = arith.constant 0 : i32
      %dma_wait3A_592 = tpu.memref_slice %arg8[%dma_wait3A_589, %dma_wait3A_590, %dma_wait3A_591] : memref<10x128x64xf32, #tpu.memory_space<vmem>> -> memref<1x128x64xf32, #tpu.memory_space<vmem>>
      %dma_wait3A_593 = tpu.memref_squeeze %dma_wait3A_592 : memref<1x128x64xf32, #tpu.memory_space<vmem>> -> memref<128x64xf32, #tpu.memory_space<vmem>>
      %dma_wait3A_594 = arith.constant 0 : i32
      %dma_wait3A_595 = tpu.memref_slice %arg6[%add3A_581, %dma_wait3A_594] : memref<50x128xi32, #tpu.memory_space<vmem>> -> memref<1x128xi32, #tpu.memory_space<vmem>>
      %dma_wait3A_596 = tpu.memref_squeeze %dma_wait3A_595 : memref<1x128xi32, #tpu.memory_space<vmem>> -> memref<128xi32, #tpu.memory_space<vmem>>
      %dma_wait3A_597 = arith.constant 0 : i32
      %dma_wait3A_598 = arith.constant 0 : i32
      %dma_wait3A_599 = tpu.memref_slice %arg3[%dma_wait3A_597, %dma_wait3A_598] : memref<1000000x64xf32, #tpu.memory_space<hbm>> -> memref<1000000x64xf32, #tpu.memory_space<hbm>>
      tpu.wait_indirect_dma semaphore(%arg16 : memref<!tpu.dma_semaphore, #tpu.memory_space<semaphore_mem>>) src(%dma_wait3A_599 : memref<1000000x64xf32, #tpu.memory_space<hbm>>) dst(%dma_wait3A_593 : memref<128x64xf32, #tpu.memory_space<vmem>>)
      %get3A_600 = arith.index_cast %add3A_581 : i32 to index
      %get3A_601 = arith.constant 0 : index
      %get3A_602 = tpu.vector_load %arg7[%get3A_600, %get3A_601] {strides = array<i32>} : memref<50x64xf32, #tpu.memory_space<vmem>>, vector<1x16xf32>,
      %get3A_603 = vector.shape_cast %get3A_602 : vector<1x16xf32> to vector<16xf32>
      %get3A_604 = arith.index_cast %add3A_581 : i32 to index
      %get3A_605 = arith.constant 16 : index
      %get3A_606 = tpu.vector_load %arg7[%get3A_604, %get3A_605] {strides = array<i32>} : memref<50x64xf32, #tpu.memory_space<vmem>>, vector<1x16xf32>,
      %get3A_607 = vector.shape_cast %get3A_606 : vector<1x16xf32> to vector<16xf32>
      %get3A_608 = arith.index_cast %add3A_581 : i32 to index
      %get3A_609 = arith.constant 32 : index
      %get3A_610 = tpu.vector_load %arg7[%get3A_608, %get3A_609] {strides = array<i32>} : memref<50x64xf32, #tpu.memory_space<vmem>>, vector<1x16xf32>,
      %get3A_611 = vector.shape_cast %get3A_610 : vector<1x16xf32> to vector<16xf32>
      %get3A_612 = arith.index_cast %add3A_581 : i32 to index
      %get3A_613 = arith.constant 48 : index
      %get3A_614 = tpu.vector_load %arg7[%get3A_612, %get3A_613] {strides = array<i32>} : memref<50x64xf32, #tpu.memory_space<vmem>>, vector<1x16xf32>,
      %get3A_615 = vector.shape_cast %get3A_614 : vector<1x16xf32> to vector<16xf32>
      %scan3A_616 = arith.constant 0 : i32
      %scan3A_617 = arith.constant 0 : i32
      %scan3A_618 = arith.constant 128 : i32
      %scan3A_619 = arith.addi %scan3A_617, %scan3A_618 : i32
      %scan3A_620 = arith.constant 1 : i32
      scf.for %scan3A_761 = %scan3A_617 to %scan3A_619 step %scan3A_620  : i32 {
        %get3A_762 = arith.constant 7 : i32
        %get3A_763 = arith.index_cast %get3A_762 : i32 to index
        %get3A_764 = arith.index_cast %scan3A_761 : i32 to index
        %get3A_765 = arith.constant 0 : index
        %get3A_766 = tpu.vector_load %arg8[%get3A_763, %get3A_764, %get3A_765] {strides = array<i32>} : memref<10x128x64xf32, #tpu.memory_space<vmem>>, vector<1x1x16xf32>,
        %get3A_767 = vector.shape_cast %get3A_766 : vector<1x1x16xf32> to vector<16xf32>
        %add3A_768 = arith.addf %get3A_767, %get3A_603 : vector<16xf32>
        %swap3A = arith.constant 7 : i32
        %swap3A_769 = arith.index_cast %swap3A : i32 to index
        %swap3A_770 = arith.index_cast %scan3A_761 : i32 to index
        %swap3A_771 = arith.constant 0 : index
        %swap3A_772 = tpu.vector_load %arg8[%swap3A_769, %swap3A_770, %swap3A_771] {strides = array<i32>} : memref<10x128x64xf32, #tpu.memory_space<vmem>>, vector<1x1x16xf32>,
        %swap3A_773 = vector.shape_cast %swap3A_772 : vector<1x1x16xf32> to vector<16xf32>
        %swap3A_774 = vector.shape_cast %add3A_768 : vector<16xf32> to vector<1x1x16xf32>
        tpu.vector_store %arg8[%swap3A_769, %swap3A_770, %swap3A_771], %swap3A_774 {strides = array<i32>} : memref<10x128x64xf32, #tpu.memory_space<vmem>>, vector<1x1x16xf32>,
        %get3A_775 = arith.constant 7 : i32
        %get3A_776 = arith.index_cast %get3A_775 : i32 to index
        %get3A_777 = arith.index_cast %scan3A_761 : i32 to index
        %get3A_778 = arith.constant 16 : index
        %get3A_779 = tpu.vector_load %arg8[%get3A_776, %get3A_777, %get3A_778] {strides = array<i32>} : memref<10x128x64xf32, #tpu.memory_space<vmem>>, vector<1x1x16xf32>,
        %get3A_780 = vector.shape_cast %get3A_779 : vector<1x1x16xf32> to vector<16xf32>
        %add3A_781 = arith.addf %get3A_780, %get3A_607 : vector<16xf32>
        %swap3A_782 = arith.constant 7 : i32
        %swap3A_783 = arith.index_cast %swap3A_782 : i32 to index
        %swap3A_784 = arith.index_cast %scan3A_761 : i32 to index
        %swap3A_785 = arith.constant 16 : index
        %swap3A_786 = tpu.vector_load %arg8[%swap3A_783, %swap3A_784, %swap3A_785] {strides = array<i32>} : memref<10x128x64xf32, #tpu.memory_space<vmem>>, vector<1x1x16xf32>,
        %swap3A_787 = vector.shape_cast %swap3A_786 : vector<1x1x16xf32> to vector<16xf32>
        %swap3A_788 = vector.shape_cast %add3A_781 : vector<16xf32> to vector<1x1x16xf32>
        tpu.vector_store %arg8[%swap3A_783, %swap3A_784, %swap3A_785], %swap3A_788 {strides = array<i32>} : memref<10x128x64xf32, #tpu.memory_space<vmem>>, vector<1x1x16xf32>,
        %get3A_789 = arith.constant 7 : i32
        %get3A_790 = arith.index_cast %get3A_789 : i32 to index
        %get3A_791 = arith.index_cast %scan3A_761 : i32 to index
        %get3A_792 = arith.constant 32 : index
        %get3A_793 = tpu.vector_load %arg8[%get3A_790, %get3A_791, %get3A_792] {strides = array<i32>} : memref<10x128x64xf32, #tpu.memory_space<vmem>>, vector<1x1x16xf32>,
        %get3A_794 = vector.shape_cast %get3A_793 : vector<1x1x16xf32> to vector<16xf32>
        %add3A_795 = arith.addf %get3A_794, %get3A_611 : vector<16xf32>
        %swap3A_796 = arith.constant 7 : i32
        %swap3A_797 = arith.index_cast %swap3A_796 : i32 to index
        %swap3A_798 = arith.index_cast %scan3A_761 : i32 to index
        %swap3A_799 = arith.constant 32 : index
        %swap3A_800 = tpu.vector_load %arg8[%swap3A_797, %swap3A_798, %swap3A_799] {strides = array<i32>} : memref<10x128x64xf32, #tpu.memory_space<vmem>>, vector<1x1x16xf32>,
        %swap3A_801 = vector.shape_cast %swap3A_800 : vector<1x1x16xf32> to vector<16xf32>
        %swap3A_802 = vector.shape_cast %add3A_795 : vector<16xf32> to vector<1x1x16xf32>
        tpu.vector_store %arg8[%swap3A_797, %swap3A_798, %swap3A_799], %swap3A_802 {strides = array<i32>} : memref<10x128x64xf32, #tpu.memory_space<vmem>>, vector<1x1x16xf32>,
        %get3A_803 = arith.constant 7 : i32
        %get3A_804 = arith.index_cast %get3A_803 : i32 to index
        %get3A_805 = arith.index_cast %scan3A_761 : i32 to index
        %get3A_806 = arith.constant 48 : index
        %get3A_807 = tpu.vector_load %arg8[%get3A_804, %get3A_805, %get3A_806] {strides = array<i32>} : memref<10x128x64xf32, #tpu.memory_space<vmem>>, vector<1x1x16xf32>,
        %get3A_808 = vector.shape_cast %get3A_807 : vector<1x1x16xf32> to vector<16xf32>
        %add3A_809 = arith.addf %get3A_808, %get3A_615 : vector<16xf32>
        %swap3A_810 = arith.constant 7 : i32
        %swap3A_811 = arith.index_cast %swap3A_810 : i32 to index
        %swap3A_812 = arith.index_cast %scan3A_761 : i32 to index
        %swap3A_813 = arith.constant 48 : index
        %swap3A_814 = tpu.vector_load %arg8[%swap3A_811, %swap3A_812, %swap3A_813] {strides = array<i32>} : memref<10x128x64xf32, #tpu.memory_space<vmem>>, vector<1x1x16xf32>,
        %swap3A_815 = vector.shape_cast %swap3A_814 : vector<1x1x16xf32> to vector<16xf32>
        %swap3A_816 = vector.shape_cast %add3A_809 : vector<16xf32> to vector<1x1x16xf32>
        tpu.vector_store %arg8[%swap3A_811, %swap3A_812, %swap3A_813], %swap3A_816 {strides = array<i32>} : memref<10x128x64xf32, #tpu.memory_space<vmem>>, vector<1x1x16xf32>,
      }
      %scan3A_621 = arith.constant 128 : i32
      %dma_start3A_622 = arith.constant 7 : i32
      %dma_start3A_623 = arith.constant 0 : i32
      %dma_start3A_624 = arith.constant 0 : i32
      %dma_start3A_625 = tpu.memref_slice %arg8[%dma_start3A_622, %dma_start3A_623, %dma_start3A_624] : memref<10x128x64xf32, #tpu.memory_space<vmem>> -> memref<1x128x64xf32, #tpu.memory_space<vmem>>
      %dma_start3A_626 = tpu.memref_squeeze %dma_start3A_625 : memref<1x128x64xf32, #tpu.memory_space<vmem>> -> memref<128x64xf32, #tpu.memory_space<vmem>>
      %dma_start3A_627 = arith.constant 0 : i32
      %dma_start3A_628 = arith.constant 0 : i32
      %dma_start3A_629 = tpu.memref_slice %arg5[%add3A, %add3A_581, %dma_start3A_627, %dma_start3A_628] : memref<32x50x128x64xf32, #tpu.memory_space<hbm>> -> memref<1x1x128x64xf32, #tpu.memory_space<hbm>>
      %dma_start3A_630 = tpu.memref_squeeze %dma_start3A_629 : memref<1x1x128x64xf32, #tpu.memory_space<hbm>> -> memref<128x64xf32, #tpu.memory_space<hbm>>
      %dma_start3A_631 = arith.constant 0 : i32
      %dma_start3A_632 = arith.constant 0 : i32
      %dma_start3A_633 = tpu.memref_slice %arg5[%add3A, %add3A_581, %dma_start3A_631, %dma_start3A_632] : memref<32x50x128x64xf32, #tpu.memory_space<hbm>> -> memref<1x1x128x64xf32, #tpu.memory_space<hbm>>
      %dma_start3A_634 = tpu.memref_squeeze %dma_start3A_633 : memref<1x1x128x64xf32, #tpu.memory_space<hbm>> -> memref<128x64xf32, #tpu.memory_space<hbm>>
      %dma_start3A_635 = arith.constant 0 : i32
      %dma_start3A_636 = arith.constant 0 : i32
      %dma_start3A_637 = tpu.memref_slice %arg8[%dma_start3A_622, %dma_start3A_635, %dma_start3A_636] : memref<10x128x64xf32, #tpu.memory_space<vmem>> -> memref<1x128x64xf32, #tpu.memory_space<vmem>>
      %dma_start3A_638 = tpu.memref_squeeze %dma_start3A_637 : memref<1x128x64xf32, #tpu.memory_space<vmem>> -> memref<128x64xf32, #tpu.memory_space<vmem>>
      tpu.enqueue_dma source(%dma_start3A_638 : memref<128x64xf32, #tpu.memory_space<vmem>>) target(%dma_start3A_634 : memref<128x64xf32, #tpu.memory_space<hbm>>) target_semaphore(%arg26 : memref<!tpu.dma_semaphore, #tpu.memory_space<semaphore_mem>>)
      %mul3A_639 = arith.constant 10 : i32
      %mul3A_640 = arith.muli %scan3A_154, %mul3A_639 : i32
      %add3A_641 = arith.constant 8 : i32
      %add3A_642 = arith.addi %mul3A_640, %add3A_641 : i32
      %add3A_643 = arith.constant 5 : i32
      %add3A_644 = arith.addi %add3A_642, %add3A_643 : i32
      %lt3A_645 = arith.constant 50 : i32
      %lt3A_646 = arith.cmpi slt, %add3A_644, %lt3A_645 : i32
      %convert_element_type3A_647 = arith.extui %lt3A_646 : i1 to i32
      %cond3A_648 = arith.constant 0 : i32
      %cond3A_649 = arith.cmpi ne, %convert_element_type3A_647, %cond3A_648 : i32
      scf.if %cond3A_649 {
        %sub3A = arith.constant 10 : i32
        %sub3A_761 = arith.subi %add3A_644, %sub3A : i32
        %ge3A = arith.constant 0 : i32
        %ge3A_762 = arith.cmpi sge, %sub3A_761, %ge3A : i32
        %convert_element_type3A_763 = arith.extui %ge3A_762 : i1 to i32
        %cond3A_764 = arith.constant 0 : i32
        %cond3A_765 = arith.cmpi ne, %convert_element_type3A_763, %cond3A_764 : i32
        scf.if %cond3A_765 {
          %sub3A_777 = arith.constant 10 : i32
          %sub3A_778 = arith.subi %add3A_644, %sub3A_777 : i32
          %dma_wait3A_779 = arith.constant 3 : i32
          %dma_wait3A_780 = arith.constant 0 : i32
          %dma_wait3A_781 = arith.constant 0 : i32
          %dma_wait3A_782 = tpu.memref_slice %arg8[%dma_wait3A_779, %dma_wait3A_780, %dma_wait3A_781] : memref<10x128x64xf32, #tpu.memory_space<vmem>> -> memref<1x128x64xf32, #tpu.memory_space<vmem>>
          %dma_wait3A_783 = tpu.memref_squeeze %dma_wait3A_782 : memref<1x128x64xf32, #tpu.memory_space<vmem>> -> memref<128x64xf32, #tpu.memory_space<vmem>>
          %dma_wait3A_784 = arith.constant 0 : i32
          %dma_wait3A_785 = arith.constant 0 : i32
          %dma_wait3A_786 = tpu.memref_slice %arg5[%add3A, %sub3A_778, %dma_wait3A_784, %dma_wait3A_785] : memref<32x50x128x64xf32, #tpu.memory_space<hbm>> -> memref<1x1x128x64xf32, #tpu.memory_space<hbm>>
          %dma_wait3A_787 = tpu.memref_squeeze %dma_wait3A_786 : memref<1x1x128x64xf32, #tpu.memory_space<hbm>> -> memref<128x64xf32, #tpu.memory_space<hbm>>
          %dma_wait3A_788 = arith.constant 0 : i32
          %dma_wait3A_789 = arith.constant 0 : i32
          %dma_wait3A_790 = tpu.memref_slice %arg5[%add3A, %sub3A_778, %dma_wait3A_788, %dma_wait3A_789] : memref<32x50x128x64xf32, #tpu.memory_space<hbm>> -> memref<1x1x128x64xf32, #tpu.memory_space<hbm>>
          %dma_wait3A_791 = tpu.memref_squeeze %dma_wait3A_790 : memref<1x1x128x64xf32, #tpu.memory_space<hbm>> -> memref<128x64xf32, #tpu.memory_space<hbm>>
          %dma_wait3A_792 = arith.constant 0 : i32
          %dma_wait3A_793 = arith.constant 0 : i32
          %dma_wait3A_794 = tpu.memref_slice %arg8[%dma_wait3A_779, %dma_wait3A_792, %dma_wait3A_793] : memref<10x128x64xf32, #tpu.memory_space<vmem>> -> memref<1x128x64xf32, #tpu.memory_space<vmem>>
          %dma_wait3A_795 = tpu.memref_squeeze %dma_wait3A_794 : memref<1x128x64xf32, #tpu.memory_space<vmem>> -> memref<128x64xf32, #tpu.memory_space<vmem>>
          tpu.wait_dma2 semaphore(%arg22 : memref<!tpu.dma_semaphore, #tpu.memory_space<semaphore_mem>>) src(%dma_wait3A_795 : memref<128x64xf32, #tpu.memory_space<vmem>>) dst(%dma_wait3A_791 : memref<128x64xf32, #tpu.memory_space<hbm>>)
        } else {
        }
        %dma_start3A_766 = arith.constant 3 : i32
        %dma_start3A_767 = arith.constant 0 : i32
        %dma_start3A_768 = arith.constant 0 : i32
        %dma_start3A_769 = tpu.memref_slice %arg8[%dma_start3A_766, %dma_start3A_767, %dma_start3A_768] : memref<10x128x64xf32, #tpu.memory_space<vmem>> -> memref<1x128x64xf32, #tpu.memory_space<vmem>>
        %dma_start3A_770 = tpu.memref_squeeze %dma_start3A_769 : memref<1x128x64xf32, #tpu.memory_space<vmem>> -> memref<128x64xf32, #tpu.memory_space<vmem>>
        %dma_start3A_771 = arith.constant 0 : i32
        %dma_start3A_772 = tpu.memref_slice %arg6[%add3A_644, %dma_start3A_771] : memref<50x128xi32, #tpu.memory_space<vmem>> -> memref<1x128xi32, #tpu.memory_space<vmem>>
        %dma_start3A_773 = tpu.memref_squeeze %dma_start3A_772 : memref<1x128xi32, #tpu.memory_space<vmem>> -> memref<128xi32, #tpu.memory_space<vmem>>
        %dma_start3A_774 = arith.constant 0 : i32
        %dma_start3A_775 = arith.constant 0 : i32
        %dma_start3A_776 = tpu.memref_slice %arg3[%dma_start3A_774, %dma_start3A_775] : memref<1000000x64xf32, #tpu.memory_space<hbm>> -> memref<1000000x64xf32, #tpu.memory_space<hbm>>
        tpu.enqueue_indirect_dma source(%dma_start3A_776 : memref<1000000x64xf32, #tpu.memory_space<hbm>>) target(%dma_start3A_770 : memref<128x64xf32, #tpu.memory_space<vmem>>) offsets(%dma_start3A_773 : memref<128xi32, #tpu.memory_space<vmem>>) semaphore(%arg12 : memref<!tpu.dma_semaphore, #tpu.memory_space<semaphore_mem>>)
      } else {
      }
      %dma_wait3A_650 = arith.constant 8 : i32
      %dma_wait3A_651 = arith.constant 0 : i32
      %dma_wait3A_652 = arith.constant 0 : i32
      %dma_wait3A_653 = tpu.memref_slice %arg8[%dma_wait3A_650, %dma_wait3A_651, %dma_wait3A_652] : memref<10x128x64xf32, #tpu.memory_space<vmem>> -> memref<1x128x64xf32, #tpu.memory_space<vmem>>
      %dma_wait3A_654 = tpu.memref_squeeze %dma_wait3A_653 : memref<1x128x64xf32, #tpu.memory_space<vmem>> -> memref<128x64xf32, #tpu.memory_space<vmem>>
      %dma_wait3A_655 = arith.constant 0 : i32
      %dma_wait3A_656 = tpu.memref_slice %arg6[%add3A_642, %dma_wait3A_655] : memref<50x128xi32, #tpu.memory_space<vmem>> -> memref<1x128xi32, #tpu.memory_space<vmem>>
      %dma_wait3A_657 = tpu.memref_squeeze %dma_wait3A_656 : memref<1x128xi32, #tpu.memory_space<vmem>> -> memref<128xi32, #tpu.memory_space<vmem>>
      %dma_wait3A_658 = arith.constant 0 : i32
      %dma_wait3A_659 = arith.constant 0 : i32
      %dma_wait3A_660 = tpu.memref_slice %arg3[%dma_wait3A_658, %dma_wait3A_659] : memref<1000000x64xf32, #tpu.memory_space<hbm>> -> memref<1000000x64xf32, #tpu.memory_space<hbm>>
      tpu.wait_indirect_dma semaphore(%arg17 : memref<!tpu.dma_semaphore, #tpu.memory_space<semaphore_mem>>) src(%dma_wait3A_660 : memref<1000000x64xf32, #tpu.memory_space<hbm>>) dst(%dma_wait3A_654 : memref<128x64xf32, #tpu.memory_space<vmem>>)
      %get3A_661 = arith.index_cast %add3A_642 : i32 to index
      %get3A_662 = arith.constant 0 : index
      %get3A_663 = tpu.vector_load %arg7[%get3A_661, %get3A_662] {strides = array<i32>} : memref<50x64xf32, #tpu.memory_space<vmem>>, vector<1x16xf32>,
      %get3A_664 = vector.shape_cast %get3A_663 : vector<1x16xf32> to vector<16xf32>
      %get3A_665 = arith.index_cast %add3A_642 : i32 to index
      %get3A_666 = arith.constant 16 : index
      %get3A_667 = tpu.vector_load %arg7[%get3A_665, %get3A_666] {strides = array<i32>} : memref<50x64xf32, #tpu.memory_space<vmem>>, vector<1x16xf32>,
      %get3A_668 = vector.shape_cast %get3A_667 : vector<1x16xf32> to vector<16xf32>
      %get3A_669 = arith.index_cast %add3A_642 : i32 to index
      %get3A_670 = arith.constant 32 : index
      %get3A_671 = tpu.vector_load %arg7[%get3A_669, %get3A_670] {strides = array<i32>} : memref<50x64xf32, #tpu.memory_space<vmem>>, vector<1x16xf32>,
      %get3A_672 = vector.shape_cast %get3A_671 : vector<1x16xf32> to vector<16xf32>
      %get3A_673 = arith.index_cast %add3A_642 : i32 to index
      %get3A_674 = arith.constant 48 : index
      %get3A_675 = tpu.vector_load %arg7[%get3A_673, %get3A_674] {strides = array<i32>} : memref<50x64xf32, #tpu.memory_space<vmem>>, vector<1x16xf32>,
      %get3A_676 = vector.shape_cast %get3A_675 : vector<1x16xf32> to vector<16xf32>
      %scan3A_677 = arith.constant 0 : i32
      %scan3A_678 = arith.constant 0 : i32
      %scan3A_679 = arith.constant 128 : i32
      %scan3A_680 = arith.addi %scan3A_678, %scan3A_679 : i32
      %scan3A_681 = arith.constant 1 : i32
      scf.for %scan3A_761 = %scan3A_678 to %scan3A_680 step %scan3A_681  : i32 {
        %get3A_762 = arith.constant 8 : i32
        %get3A_763 = arith.index_cast %get3A_762 : i32 to index
        %get3A_764 = arith.index_cast %scan3A_761 : i32 to index
        %get3A_765 = arith.constant 0 : index
        %get3A_766 = tpu.vector_load %arg8[%get3A_763, %get3A_764, %get3A_765] {strides = array<i32>} : memref<10x128x64xf32, #tpu.memory_space<vmem>>, vector<1x1x16xf32>,
        %get3A_767 = vector.shape_cast %get3A_766 : vector<1x1x16xf32> to vector<16xf32>
        %add3A_768 = arith.addf %get3A_767, %get3A_664 : vector<16xf32>
        %swap3A = arith.constant 8 : i32
        %swap3A_769 = arith.index_cast %swap3A : i32 to index
        %swap3A_770 = arith.index_cast %scan3A_761 : i32 to index
        %swap3A_771 = arith.constant 0 : index
        %swap3A_772 = tpu.vector_load %arg8[%swap3A_769, %swap3A_770, %swap3A_771] {strides = array<i32>} : memref<10x128x64xf32, #tpu.memory_space<vmem>>, vector<1x1x16xf32>,
        %swap3A_773 = vector.shape_cast %swap3A_772 : vector<1x1x16xf32> to vector<16xf32>
        %swap3A_774 = vector.shape_cast %add3A_768 : vector<16xf32> to vector<1x1x16xf32>
        tpu.vector_store %arg8[%swap3A_769, %swap3A_770, %swap3A_771], %swap3A_774 {strides = array<i32>} : memref<10x128x64xf32, #tpu.memory_space<vmem>>, vector<1x1x16xf32>,
        %get3A_775 = arith.constant 8 : i32
        %get3A_776 = arith.index_cast %get3A_775 : i32 to index
        %get3A_777 = arith.index_cast %scan3A_761 : i32 to index
        %get3A_778 = arith.constant 16 : index
        %get3A_779 = tpu.vector_load %arg8[%get3A_776, %get3A_777, %get3A_778] {strides = array<i32>} : memref<10x128x64xf32, #tpu.memory_space<vmem>>, vector<1x1x16xf32>,
        %get3A_780 = vector.shape_cast %get3A_779 : vector<1x1x16xf32> to vector<16xf32>
        %add3A_781 = arith.addf %get3A_780, %get3A_668 : vector<16xf32>
        %swap3A_782 = arith.constant 8 : i32
        %swap3A_783 = arith.index_cast %swap3A_782 : i32 to index
        %swap3A_784 = arith.index_cast %scan3A_761 : i32 to index
        %swap3A_785 = arith.constant 16 : index
        %swap3A_786 = tpu.vector_load %arg8[%swap3A_783, %swap3A_784, %swap3A_785] {strides = array<i32>} : memref<10x128x64xf32, #tpu.memory_space<vmem>>, vector<1x1x16xf32>,
        %swap3A_787 = vector.shape_cast %swap3A_786 : vector<1x1x16xf32> to vector<16xf32>
        %swap3A_788 = vector.shape_cast %add3A_781 : vector<16xf32> to vector<1x1x16xf32>
        tpu.vector_store %arg8[%swap3A_783, %swap3A_784, %swap3A_785], %swap3A_788 {strides = array<i32>} : memref<10x128x64xf32, #tpu.memory_space<vmem>>, vector<1x1x16xf32>,
        %get3A_789 = arith.constant 8 : i32
        %get3A_790 = arith.index_cast %get3A_789 : i32 to index
        %get3A_791 = arith.index_cast %scan3A_761 : i32 to index
        %get3A_792 = arith.constant 32 : index
        %get3A_793 = tpu.vector_load %arg8[%get3A_790, %get3A_791, %get3A_792] {strides = array<i32>} : memref<10x128x64xf32, #tpu.memory_space<vmem>>, vector<1x1x16xf32>,
        %get3A_794 = vector.shape_cast %get3A_793 : vector<1x1x16xf32> to vector<16xf32>
        %add3A_795 = arith.addf %get3A_794, %get3A_672 : vector<16xf32>
        %swap3A_796 = arith.constant 8 : i32
        %swap3A_797 = arith.index_cast %swap3A_796 : i32 to index
        %swap3A_798 = arith.index_cast %scan3A_761 : i32 to index
        %swap3A_799 = arith.constant 32 : index
        %swap3A_800 = tpu.vector_load %arg8[%swap3A_797, %swap3A_798, %swap3A_799] {strides = array<i32>} : memref<10x128x64xf32, #tpu.memory_space<vmem>>, vector<1x1x16xf32>,
        %swap3A_801 = vector.shape_cast %swap3A_800 : vector<1x1x16xf32> to vector<16xf32>
        %swap3A_802 = vector.shape_cast %add3A_795 : vector<16xf32> to vector<1x1x16xf32>
        tpu.vector_store %arg8[%swap3A_797, %swap3A_798, %swap3A_799], %swap3A_802 {strides = array<i32>} : memref<10x128x64xf32, #tpu.memory_space<vmem>>, vector<1x1x16xf32>,
        %get3A_803 = arith.constant 8 : i32
        %get3A_804 = arith.index_cast %get3A_803 : i32 to index
        %get3A_805 = arith.index_cast %scan3A_761 : i32 to index
        %get3A_806 = arith.constant 48 : index
        %get3A_807 = tpu.vector_load %arg8[%get3A_804, %get3A_805, %get3A_806] {strides = array<i32>} : memref<10x128x64xf32, #tpu.memory_space<vmem>>, vector<1x1x16xf32>,
        %get3A_808 = vector.shape_cast %get3A_807 : vector<1x1x16xf32> to vector<16xf32>
        %add3A_809 = arith.addf %get3A_808, %get3A_676 : vector<16xf32>
        %swap3A_810 = arith.constant 8 : i32
        %swap3A_811 = arith.index_cast %swap3A_810 : i32 to index
        %swap3A_812 = arith.index_cast %scan3A_761 : i32 to index
        %swap3A_813 = arith.constant 48 : index
        %swap3A_814 = tpu.vector_load %arg8[%swap3A_811, %swap3A_812, %swap3A_813] {strides = array<i32>} : memref<10x128x64xf32, #tpu.memory_space<vmem>>, vector<1x1x16xf32>,
        %swap3A_815 = vector.shape_cast %swap3A_814 : vector<1x1x16xf32> to vector<16xf32>
        %swap3A_816 = vector.shape_cast %add3A_809 : vector<16xf32> to vector<1x1x16xf32>
        tpu.vector_store %arg8[%swap3A_811, %swap3A_812, %swap3A_813], %swap3A_816 {strides = array<i32>} : memref<10x128x64xf32, #tpu.memory_space<vmem>>, vector<1x1x16xf32>,
      }
      %scan3A_682 = arith.constant 128 : i32
      %dma_start3A_683 = arith.constant 8 : i32
      %dma_start3A_684 = arith.constant 0 : i32
      %dma_start3A_685 = arith.constant 0 : i32
      %dma_start3A_686 = tpu.memref_slice %arg8[%dma_start3A_683, %dma_start3A_684, %dma_start3A_685] : memref<10x128x64xf32, #tpu.memory_space<vmem>> -> memref<1x128x64xf32, #tpu.memory_space<vmem>>
      %dma_start3A_687 = tpu.memref_squeeze %dma_start3A_686 : memref<1x128x64xf32, #tpu.memory_space<vmem>> -> memref<128x64xf32, #tpu.memory_space<vmem>>
      %dma_start3A_688 = arith.constant 0 : i32
      %dma_start3A_689 = arith.constant 0 : i32
      %dma_start3A_690 = tpu.memref_slice %arg5[%add3A, %add3A_642, %dma_start3A_688, %dma_start3A_689] : memref<32x50x128x64xf32, #tpu.memory_space<hbm>> -> memref<1x1x128x64xf32, #tpu.memory_space<hbm>>
      %dma_start3A_691 = tpu.memref_squeeze %dma_start3A_690 : memref<1x1x128x64xf32, #tpu.memory_space<hbm>> -> memref<128x64xf32, #tpu.memory_space<hbm>>
      %dma_start3A_692 = arith.constant 0 : i32
      %dma_start3A_693 = arith.constant 0 : i32
      %dma_start3A_694 = tpu.memref_slice %arg5[%add3A, %add3A_642, %dma_start3A_692, %dma_start3A_693] : memref<32x50x128x64xf32, #tpu.memory_space<hbm>> -> memref<1x1x128x64xf32, #tpu.memory_space<hbm>>
      %dma_start3A_695 = tpu.memref_squeeze %dma_start3A_694 : memref<1x1x128x64xf32, #tpu.memory_space<hbm>> -> memref<128x64xf32, #tpu.memory_space<hbm>>
      %dma_start3A_696 = arith.constant 0 : i32
      %dma_start3A_697 = arith.constant 0 : i32
      %dma_start3A_698 = tpu.memref_slice %arg8[%dma_start3A_683, %dma_start3A_696, %dma_start3A_697] : memref<10x128x64xf32, #tpu.memory_space<vmem>> -> memref<1x128x64xf32, #tpu.memory_space<vmem>>
      %dma_start3A_699 = tpu.memref_squeeze %dma_start3A_698 : memref<1x128x64xf32, #tpu.memory_space<vmem>> -> memref<128x64xf32, #tpu.memory_space<vmem>>
      tpu.enqueue_dma source(%dma_start3A_699 : memref<128x64xf32, #tpu.memory_space<vmem>>) target(%dma_start3A_695 : memref<128x64xf32, #tpu.memory_space<hbm>>) target_semaphore(%arg27 : memref<!tpu.dma_semaphore, #tpu.memory_space<semaphore_mem>>)
      %mul3A_700 = arith.constant 10 : i32
      %mul3A_701 = arith.muli %scan3A_154, %mul3A_700 : i32
      %add3A_702 = arith.constant 9 : i32
      %add3A_703 = arith.addi %mul3A_701, %add3A_702 : i32
      %add3A_704 = arith.constant 5 : i32
      %add3A_705 = arith.addi %add3A_703, %add3A_704 : i32
      %lt3A_706 = arith.constant 50 : i32
      %lt3A_707 = arith.cmpi slt, %add3A_705, %lt3A_706 : i32
      %convert_element_type3A_708 = arith.extui %lt3A_707 : i1 to i32
      %cond3A_709 = arith.constant 0 : i32
      %cond3A_710 = arith.cmpi ne, %convert_element_type3A_708, %cond3A_709 : i32
      scf.if %cond3A_710 {
        %sub3A = arith.constant 10 : i32
        %sub3A_761 = arith.subi %add3A_705, %sub3A : i32
        %ge3A = arith.constant 0 : i32
        %ge3A_762 = arith.cmpi sge, %sub3A_761, %ge3A : i32
        %convert_element_type3A_763 = arith.extui %ge3A_762 : i1 to i32
        %cond3A_764 = arith.constant 0 : i32
        %cond3A_765 = arith.cmpi ne, %convert_element_type3A_763, %cond3A_764 : i32
        scf.if %cond3A_765 {
          %sub3A_777 = arith.constant 10 : i32
          %sub3A_778 = arith.subi %add3A_705, %sub3A_777 : i32
          %dma_wait3A_779 = arith.constant 4 : i32
          %dma_wait3A_780 = arith.constant 0 : i32
          %dma_wait3A_781 = arith.constant 0 : i32
          %dma_wait3A_782 = tpu.memref_slice %arg8[%dma_wait3A_779, %dma_wait3A_780, %dma_wait3A_781] : memref<10x128x64xf32, #tpu.memory_space<vmem>> -> memref<1x128x64xf32, #tpu.memory_space<vmem>>
          %dma_wait3A_783 = tpu.memref_squeeze %dma_wait3A_782 : memref<1x128x64xf32, #tpu.memory_space<vmem>> -> memref<128x64xf32, #tpu.memory_space<vmem>>
          %dma_wait3A_784 = arith.constant 0 : i32
          %dma_wait3A_785 = arith.constant 0 : i32
          %dma_wait3A_786 = tpu.memref_slice %arg5[%add3A, %sub3A_778, %dma_wait3A_784, %dma_wait3A_785] : memref<32x50x128x64xf32, #tpu.memory_space<hbm>> -> memref<1x1x128x64xf32, #tpu.memory_space<hbm>>
          %dma_wait3A_787 = tpu.memref_squeeze %dma_wait3A_786 : memref<1x1x128x64xf32, #tpu.memory_space<hbm>> -> memref<128x64xf32, #tpu.memory_space<hbm>>
          %dma_wait3A_788 = arith.constant 0 : i32
          %dma_wait3A_789 = arith.constant 0 : i32
          %dma_wait3A_790 = tpu.memref_slice %arg5[%add3A, %sub3A_778, %dma_wait3A_788, %dma_wait3A_789] : memref<32x50x128x64xf32, #tpu.memory_space<hbm>> -> memref<1x1x128x64xf32, #tpu.memory_space<hbm>>
          %dma_wait3A_791 = tpu.memref_squeeze %dma_wait3A_790 : memref<1x1x128x64xf32, #tpu.memory_space<hbm>> -> memref<128x64xf32, #tpu.memory_space<hbm>>
          %dma_wait3A_792 = arith.constant 0 : i32
          %dma_wait3A_793 = arith.constant 0 : i32
          %dma_wait3A_794 = tpu.memref_slice %arg8[%dma_wait3A_779, %dma_wait3A_792, %dma_wait3A_793] : memref<10x128x64xf32, #tpu.memory_space<vmem>> -> memref<1x128x64xf32, #tpu.memory_space<vmem>>
          %dma_wait3A_795 = tpu.memref_squeeze %dma_wait3A_794 : memref<1x128x64xf32, #tpu.memory_space<vmem>> -> memref<128x64xf32, #tpu.memory_space<vmem>>
          tpu.wait_dma2 semaphore(%arg23 : memref<!tpu.dma_semaphore, #tpu.memory_space<semaphore_mem>>) src(%dma_wait3A_795 : memref<128x64xf32, #tpu.memory_space<vmem>>) dst(%dma_wait3A_791 : memref<128x64xf32, #tpu.memory_space<hbm>>)
        } else {
        }
        %dma_start3A_766 = arith.constant 4 : i32
        %dma_start3A_767 = arith.constant 0 : i32
        %dma_start3A_768 = arith.constant 0 : i32
        %dma_start3A_769 = tpu.memref_slice %arg8[%dma_start3A_766, %dma_start3A_767, %dma_start3A_768] : memref<10x128x64xf32, #tpu.memory_space<vmem>> -> memref<1x128x64xf32, #tpu.memory_space<vmem>>
        %dma_start3A_770 = tpu.memref_squeeze %dma_start3A_769 : memref<1x128x64xf32, #tpu.memory_space<vmem>> -> memref<128x64xf32, #tpu.memory_space<vmem>>
        %dma_start3A_771 = arith.constant 0 : i32
        %dma_start3A_772 = tpu.memref_slice %arg6[%add3A_705, %dma_start3A_771] : memref<50x128xi32, #tpu.memory_space<vmem>> -> memref<1x128xi32, #tpu.memory_space<vmem>>
        %dma_start3A_773 = tpu.memref_squeeze %dma_start3A_772 : memref<1x128xi32, #tpu.memory_space<vmem>> -> memref<128xi32, #tpu.memory_space<vmem>>
        %dma_start3A_774 = arith.constant 0 : i32
        %dma_start3A_775 = arith.constant 0 : i32
        %dma_start3A_776 = tpu.memref_slice %arg3[%dma_start3A_774, %dma_start3A_775] : memref<1000000x64xf32, #tpu.memory_space<hbm>> -> memref<1000000x64xf32, #tpu.memory_space<hbm>>
        tpu.enqueue_indirect_dma source(%dma_start3A_776 : memref<1000000x64xf32, #tpu.memory_space<hbm>>) target(%dma_start3A_770 : memref<128x64xf32, #tpu.memory_space<vmem>>) offsets(%dma_start3A_773 : memref<128xi32, #tpu.memory_space<vmem>>) semaphore(%arg13 : memref<!tpu.dma_semaphore, #tpu.memory_space<semaphore_mem>>)
      } else {
      }
      %dma_wait3A_711 = arith.constant 9 : i32
      %dma_wait3A_712 = arith.constant 0 : i32
      %dma_wait3A_713 = arith.constant 0 : i32
      %dma_wait3A_714 = tpu.memref_slice %arg8[%dma_wait3A_711, %dma_wait3A_712, %dma_wait3A_713] : memref<10x128x64xf32, #tpu.memory_space<vmem>> -> memref<1x128x64xf32, #tpu.memory_space<vmem>>
      %dma_wait3A_715 = tpu.memref_squeeze %dma_wait3A_714 : memref<1x128x64xf32, #tpu.memory_space<vmem>> -> memref<128x64xf32, #tpu.memory_space<vmem>>
      %dma_wait3A_716 = arith.constant 0 : i32
      %dma_wait3A_717 = tpu.memref_slice %arg6[%add3A_703, %dma_wait3A_716] : memref<50x128xi32, #tpu.memory_space<vmem>> -> memref<1x128xi32, #tpu.memory_space<vmem>>
      %dma_wait3A_718 = tpu.memref_squeeze %dma_wait3A_717 : memref<1x128xi32, #tpu.memory_space<vmem>> -> memref<128xi32, #tpu.memory_space<vmem>>
      %dma_wait3A_719 = arith.constant 0 : i32
      %dma_wait3A_720 = arith.constant 0 : i32
      %dma_wait3A_721 = tpu.memref_slice %arg3[%dma_wait3A_719, %dma_wait3A_720] : memref<1000000x64xf32, #tpu.memory_space<hbm>> -> memref<1000000x64xf32, #tpu.memory_space<hbm>>
      tpu.wait_indirect_dma semaphore(%arg18 : memref<!tpu.dma_semaphore, #tpu.memory_space<semaphore_mem>>) src(%dma_wait3A_721 : memref<1000000x64xf32, #tpu.memory_space<hbm>>) dst(%dma_wait3A_715 : memref<128x64xf32, #tpu.memory_space<vmem>>)
      %get3A_722 = arith.index_cast %add3A_703 : i32 to index
      %get3A_723 = arith.constant 0 : index
      %get3A_724 = tpu.vector_load %arg7[%get3A_722, %get3A_723] {strides = array<i32>} : memref<50x64xf32, #tpu.memory_space<vmem>>, vector<1x16xf32>,
      %get3A_725 = vector.shape_cast %get3A_724 : vector<1x16xf32> to vector<16xf32>
      %get3A_726 = arith.index_cast %add3A_703 : i32 to index
      %get3A_727 = arith.constant 16 : index
      %get3A_728 = tpu.vector_load %arg7[%get3A_726, %get3A_727] {strides = array<i32>} : memref<50x64xf32, #tpu.memory_space<vmem>>, vector<1x16xf32>,
      %get3A_729 = vector.shape_cast %get3A_728 : vector<1x16xf32> to vector<16xf32>
      %get3A_730 = arith.index_cast %add3A_703 : i32 to index
      %get3A_731 = arith.constant 32 : index
      %get3A_732 = tpu.vector_load %arg7[%get3A_730, %get3A_731] {strides = array<i32>} : memref<50x64xf32, #tpu.memory_space<vmem>>, vector<1x16xf32>,
      %get3A_733 = vector.shape_cast %get3A_732 : vector<1x16xf32> to vector<16xf32>
      %get3A_734 = arith.index_cast %add3A_703 : i32 to index
      %get3A_735 = arith.constant 48 : index
      %get3A_736 = tpu.vector_load %arg7[%get3A_734, %get3A_735] {strides = array<i32>} : memref<50x64xf32, #tpu.memory_space<vmem>>, vector<1x16xf32>,
      %get3A_737 = vector.shape_cast %get3A_736 : vector<1x16xf32> to vector<16xf32>
      %scan3A_738 = arith.constant 0 : i32
      %scan3A_739 = arith.constant 0 : i32
      %scan3A_740 = arith.constant 128 : i32
      %scan3A_741 = arith.addi %scan3A_739, %scan3A_740 : i32
      %scan3A_742 = arith.constant 1 : i32
      scf.for %scan3A_761 = %scan3A_739 to %scan3A_741 step %scan3A_742  : i32 {
        %get3A_762 = arith.constant 9 : i32
        %get3A_763 = arith.index_cast %get3A_762 : i32 to index
        %get3A_764 = arith.index_cast %scan3A_761 : i32 to index
        %get3A_765 = arith.constant 0 : index
        %get3A_766 = tpu.vector_load %arg8[%get3A_763, %get3A_764, %get3A_765] {strides = array<i32>} : memref<10x128x64xf32, #tpu.memory_space<vmem>>, vector<1x1x16xf32>,
        %get3A_767 = vector.shape_cast %get3A_766 : vector<1x1x16xf32> to vector<16xf32>
        %add3A_768 = arith.addf %get3A_767, %get3A_725 : vector<16xf32>
        %swap3A = arith.constant 9 : i32
        %swap3A_769 = arith.index_cast %swap3A : i32 to index
        %swap3A_770 = arith.index_cast %scan3A_761 : i32 to index
        %swap3A_771 = arith.constant 0 : index
        %swap3A_772 = tpu.vector_load %arg8[%swap3A_769, %swap3A_770, %swap3A_771] {strides = array<i32>} : memref<10x128x64xf32, #tpu.memory_space<vmem>>, vector<1x1x16xf32>,
        %swap3A_773 = vector.shape_cast %swap3A_772 : vector<1x1x16xf32> to vector<16xf32>
        %swap3A_774 = vector.shape_cast %add3A_768 : vector<16xf32> to vector<1x1x16xf32>
        tpu.vector_store %arg8[%swap3A_769, %swap3A_770, %swap3A_771], %swap3A_774 {strides = array<i32>} : memref<10x128x64xf32, #tpu.memory_space<vmem>>, vector<1x1x16xf32>,
        %get3A_775 = arith.constant 9 : i32
        %get3A_776 = arith.index_cast %get3A_775 : i32 to index
        %get3A_777 = arith.index_cast %scan3A_761 : i32 to index
        %get3A_778 = arith.constant 16 : index
        %get3A_779 = tpu.vector_load %arg8[%get3A_776, %get3A_777, %get3A_778] {strides = array<i32>} : memref<10x128x64xf32, #tpu.memory_space<vmem>>, vector<1x1x16xf32>,
        %get3A_780 = vector.shape_cast %get3A_779 : vector<1x1x16xf32> to vector<16xf32>
        %add3A_781 = arith.addf %get3A_780, %get3A_729 : vector<16xf32>
        %swap3A_782 = arith.constant 9 : i32
        %swap3A_783 = arith.index_cast %swap3A_782 : i32 to index
        %swap3A_784 = arith.index_cast %scan3A_761 : i32 to index
        %swap3A_785 = arith.constant 16 : index
        %swap3A_786 = tpu.vector_load %arg8[%swap3A_783, %swap3A_784, %swap3A_785] {strides = array<i32>} : memref<10x128x64xf32, #tpu.memory_space<vmem>>, vector<1x1x16xf32>,
        %swap3A_787 = vector.shape_cast %swap3A_786 : vector<1x1x16xf32> to vector<16xf32>
        %swap3A_788 = vector.shape_cast %add3A_781 : vector<16xf32> to vector<1x1x16xf32>
        tpu.vector_store %arg8[%swap3A_783, %swap3A_784, %swap3A_785], %swap3A_788 {strides = array<i32>} : memref<10x128x64xf32, #tpu.memory_space<vmem>>, vector<1x1x16xf32>,
        %get3A_789 = arith.constant 9 : i32
        %get3A_790 = arith.index_cast %get3A_789 : i32 to index
        %get3A_791 = arith.index_cast %scan3A_761 : i32 to index
        %get3A_792 = arith.constant 32 : index
        %get3A_793 = tpu.vector_load %arg8[%get3A_790, %get3A_791, %get3A_792] {strides = array<i32>} : memref<10x128x64xf32, #tpu.memory_space<vmem>>, vector<1x1x16xf32>,
        %get3A_794 = vector.shape_cast %get3A_793 : vector<1x1x16xf32> to vector<16xf32>
        %add3A_795 = arith.addf %get3A_794, %get3A_733 : vector<16xf32>
        %swap3A_796 = arith.constant 9 : i32
        %swap3A_797 = arith.index_cast %swap3A_796 : i32 to index
        %swap3A_798 = arith.index_cast %scan3A_761 : i32 to index
        %swap3A_799 = arith.constant 32 : index
        %swap3A_800 = tpu.vector_load %arg8[%swap3A_797, %swap3A_798, %swap3A_799] {strides = array<i32>} : memref<10x128x64xf32, #tpu.memory_space<vmem>>, vector<1x1x16xf32>,
        %swap3A_801 = vector.shape_cast %swap3A_800 : vector<1x1x16xf32> to vector<16xf32>
        %swap3A_802 = vector.shape_cast %add3A_795 : vector<16xf32> to vector<1x1x16xf32>
        tpu.vector_store %arg8[%swap3A_797, %swap3A_798, %swap3A_799], %swap3A_802 {strides = array<i32>} : memref<10x128x64xf32, #tpu.memory_space<vmem>>, vector<1x1x16xf32>,
        %get3A_803 = arith.constant 9 : i32
        %get3A_804 = arith.index_cast %get3A_803 : i32 to index
        %get3A_805 = arith.index_cast %scan3A_761 : i32 to index
        %get3A_806 = arith.constant 48 : index
        %get3A_807 = tpu.vector_load %arg8[%get3A_804, %get3A_805, %get3A_806] {strides = array<i32>} : memref<10x128x64xf32, #tpu.memory_space<vmem>>, vector<1x1x16xf32>,
        %get3A_808 = vector.shape_cast %get3A_807 : vector<1x1x16xf32> to vector<16xf32>
        %add3A_809 = arith.addf %get3A_808, %get3A_737 : vector<16xf32>
        %swap3A_810 = arith.constant 9 : i32
        %swap3A_811 = arith.index_cast %swap3A_810 : i32 to index
        %swap3A_812 = arith.index_cast %scan3A_761 : i32 to index
        %swap3A_813 = arith.constant 48 : index
        %swap3A_814 = tpu.vector_load %arg8[%swap3A_811, %swap3A_812, %swap3A_813] {strides = array<i32>} : memref<10x128x64xf32, #tpu.memory_space<vmem>>, vector<1x1x16xf32>,
        %swap3A_815 = vector.shape_cast %swap3A_814 : vector<1x1x16xf32> to vector<16xf32>
        %swap3A_816 = vector.shape_cast %add3A_809 : vector<16xf32> to vector<1x1x16xf32>
        tpu.vector_store %arg8[%swap3A_811, %swap3A_812, %swap3A_813], %swap3A_816 {strides = array<i32>} : memref<10x128x64xf32, #tpu.memory_space<vmem>>, vector<1x1x16xf32>,
      }
      %scan3A_743 = arith.constant 128 : i32
      %dma_start3A_744 = arith.constant 9 : i32
      %dma_start3A_745 = arith.constant 0 : i32
      %dma_start3A_746 = arith.constant 0 : i32
      %dma_start3A_747 = tpu.memref_slice %arg8[%dma_start3A_744, %dma_start3A_745, %dma_start3A_746] : memref<10x128x64xf32, #tpu.memory_space<vmem>> -> memref<1x128x64xf32, #tpu.memory_space<vmem>>
      %dma_start3A_748 = tpu.memref_squeeze %dma_start3A_747 : memref<1x128x64xf32, #tpu.memory_space<vmem>> -> memref<128x64xf32, #tpu.memory_space<vmem>>
      %dma_start3A_749 = arith.constant 0 : i32
      %dma_start3A_750 = arith.constant 0 : i32
      %dma_start3A_751 = tpu.memref_slice %arg5[%add3A, %add3A_703, %dma_start3A_749, %dma_start3A_750] : memref<32x50x128x64xf32, #tpu.memory_space<hbm>> -> memref<1x1x128x64xf32, #tpu.memory_space<hbm>>
      %dma_start3A_752 = tpu.memref_squeeze %dma_start3A_751 : memref<1x1x128x64xf32, #tpu.memory_space<hbm>> -> memref<128x64xf32, #tpu.memory_space<hbm>>
      %dma_start3A_753 = arith.constant 0 : i32
      %dma_start3A_754 = arith.constant 0 : i32
      %dma_start3A_755 = tpu.memref_slice %arg5[%add3A, %add3A_703, %dma_start3A_753, %dma_start3A_754] : memref<32x50x128x64xf32, #tpu.memory_space<hbm>> -> memref<1x1x128x64xf32, #tpu.memory_space<hbm>>
      %dma_start3A_756 = tpu.memref_squeeze %dma_start3A_755 : memref<1x1x128x64xf32, #tpu.memory_space<hbm>> -> memref<128x64xf32, #tpu.memory_space<hbm>>
      %dma_start3A_757 = arith.constant 0 : i32
      %dma_start3A_758 = arith.constant 0 : i32
      %dma_start3A_759 = tpu.memref_slice %arg8[%dma_start3A_744, %dma_start3A_757, %dma_start3A_758] : memref<10x128x64xf32, #tpu.memory_space<vmem>> -> memref<1x128x64xf32, #tpu.memory_space<vmem>>
      %dma_start3A_760 = tpu.memref_squeeze %dma_start3A_759 : memref<1x128x64xf32, #tpu.memory_space<vmem>> -> memref<128x64xf32, #tpu.memory_space<vmem>>
      tpu.enqueue_dma source(%dma_start3A_760 : memref<128x64xf32, #tpu.memory_space<vmem>>) target(%dma_start3A_756 : memref<128x64xf32, #tpu.memory_space<hbm>>) target_semaphore(%arg28 : memref<!tpu.dma_semaphore, #tpu.memory_space<semaphore_mem>>)
    }
    %scan3A_64 = arith.constant 5 : i32
    %dma_wait3A = arith.constant 5 : i32
    %dma_wait3A_65 = arith.constant 45 : i32
    %dma_wait3A_66 = arith.constant 0 : i32
    %dma_wait3A_67 = arith.constant 0 : i32
    %dma_wait3A_68 = tpu.memref_slice %arg8[%dma_wait3A, %dma_wait3A_66, %dma_wait3A_67] : memref<10x128x64xf32, #tpu.memory_space<vmem>> -> memref<1x128x64xf32, #tpu.memory_space<vmem>>
    %dma_wait3A_69 = tpu.memref_squeeze %dma_wait3A_68 : memref<1x128x64xf32, #tpu.memory_space<vmem>> -> memref<128x64xf32, #tpu.memory_space<vmem>>
    %dma_wait3A_70 = arith.constant 0 : i32
    %dma_wait3A_71 = arith.constant 0 : i32
    %dma_wait3A_72 = tpu.memref_slice %arg5[%add3A, %dma_wait3A_65, %dma_wait3A_70, %dma_wait3A_71] : memref<32x50x128x64xf32, #tpu.memory_space<hbm>> -> memref<1x1x128x64xf32, #tpu.memory_space<hbm>>
    %dma_wait3A_73 = tpu.memref_squeeze %dma_wait3A_72 : memref<1x1x128x64xf32, #tpu.memory_space<hbm>> -> memref<128x64xf32, #tpu.memory_space<hbm>>
    %dma_wait3A_74 = arith.constant 0 : i32
    %dma_wait3A_75 = arith.constant 0 : i32
    %dma_wait3A_76 = tpu.memref_slice %arg5[%add3A, %dma_wait3A_65, %dma_wait3A_74, %dma_wait3A_75] : memref<32x50x128x64xf32, #tpu.memory_space<hbm>> -> memref<1x1x128x64xf32, #tpu.memory_space<hbm>>
    %dma_wait3A_77 = tpu.memref_squeeze %dma_wait3A_76 : memref<1x1x128x64xf32, #tpu.memory_space<hbm>> -> memref<128x64xf32, #tpu.memory_space<hbm>>
    %dma_wait3A_78 = arith.constant 0 : i32
    %dma_wait3A_79 = arith.constant 0 : i32
    %dma_wait3A_80 = tpu.memref_slice %arg8[%dma_wait3A, %dma_wait3A_78, %dma_wait3A_79] : memref<10x128x64xf32, #tpu.memory_space<vmem>> -> memref<1x128x64xf32, #tpu.memory_space<vmem>>
    %dma_wait3A_81 = tpu.memref_squeeze %dma_wait3A_80 : memref<1x128x64xf32, #tpu.memory_space<vmem>> -> memref<128x64xf32, #tpu.memory_space<vmem>>
    tpu.wait_dma2 semaphore(%arg24 : memref<!tpu.dma_semaphore, #tpu.memory_space<semaphore_mem>>) src(%dma_wait3A_81 : memref<128x64xf32, #tpu.memory_space<vmem>>) dst(%dma_wait3A_77 : memref<128x64xf32, #tpu.memory_space<hbm>>)
    %dma_wait3A_82 = arith.constant 6 : i32
    %dma_wait3A_83 = arith.constant 46 : i32
    %dma_wait3A_84 = arith.constant 0 : i32
    %dma_wait3A_85 = arith.constant 0 : i32
    %dma_wait3A_86 = tpu.memref_slice %arg8[%dma_wait3A_82, %dma_wait3A_84, %dma_wait3A_85] : memref<10x128x64xf32, #tpu.memory_space<vmem>> -> memref<1x128x64xf32, #tpu.memory_space<vmem>>
    %dma_wait3A_87 = tpu.memref_squeeze %dma_wait3A_86 : memref<1x128x64xf32, #tpu.memory_space<vmem>> -> memref<128x64xf32, #tpu.memory_space<vmem>>
    %dma_wait3A_88 = arith.constant 0 : i32
    %dma_wait3A_89 = arith.constant 0 : i32
    %dma_wait3A_90 = tpu.memref_slice %arg5[%add3A, %dma_wait3A_83, %dma_wait3A_88, %dma_wait3A_89] : memref<32x50x128x64xf32, #tpu.memory_space<hbm>> -> memref<1x1x128x64xf32, #tpu.memory_space<hbm>>
    %dma_wait3A_91 = tpu.memref_squeeze %dma_wait3A_90 : memref<1x1x128x64xf32, #tpu.memory_space<hbm>> -> memref<128x64xf32, #tpu.memory_space<hbm>>
    %dma_wait3A_92 = arith.constant 0 : i32
    %dma_wait3A_93 = arith.constant 0 : i32
    %dma_wait3A_94 = tpu.memref_slice %arg5[%add3A, %dma_wait3A_83, %dma_wait3A_92, %dma_wait3A_93] : memref<32x50x128x64xf32, #tpu.memory_space<hbm>> -> memref<1x1x128x64xf32, #tpu.memory_space<hbm>>
    %dma_wait3A_95 = tpu.memref_squeeze %dma_wait3A_94 : memref<1x1x128x64xf32, #tpu.memory_space<hbm>> -> memref<128x64xf32, #tpu.memory_space<hbm>>
    %dma_wait3A_96 = arith.constant 0 : i32
    %dma_wait3A_97 = arith.constant 0 : i32
    %dma_wait3A_98 = tpu.memref_slice %arg8[%dma_wait3A_82, %dma_wait3A_96, %dma_wait3A_97] : memref<10x128x64xf32, #tpu.memory_space<vmem>> -> memref<1x128x64xf32, #tpu.memory_space<vmem>>
    %dma_wait3A_99 = tpu.memref_squeeze %dma_wait3A_98 : memref<1x128x64xf32, #tpu.memory_space<vmem>> -> memref<128x64xf32, #tpu.memory_space<vmem>>
    tpu.wait_dma2 semaphore(%arg25 : memref<!tpu.dma_semaphore, #tpu.memory_space<semaphore_mem>>) src(%dma_wait3A_99 : memref<128x64xf32, #tpu.memory_space<vmem>>) dst(%dma_wait3A_95 : memref<128x64xf32, #tpu.memory_space<hbm>>)
    %dma_wait3A_100 = arith.constant 7 : i32
    %dma_wait3A_101 = arith.constant 47 : i32
    %dma_wait3A_102 = arith.constant 0 : i32
    %dma_wait3A_103 = arith.constant 0 : i32
    %dma_wait3A_104 = tpu.memref_slice %arg8[%dma_wait3A_100, %dma_wait3A_102, %dma_wait3A_103] : memref<10x128x64xf32, #tpu.memory_space<vmem>> -> memref<1x128x64xf32, #tpu.memory_space<vmem>>
    %dma_wait3A_105 = tpu.memref_squeeze %dma_wait3A_104 : memref<1x128x64xf32, #tpu.memory_space<vmem>> -> memref<128x64xf32, #tpu.memory_space<vmem>>
    %dma_wait3A_106 = arith.constant 0 : i32
    %dma_wait3A_107 = arith.constant 0 : i32
    %dma_wait3A_108 = tpu.memref_slice %arg5[%add3A, %dma_wait3A_101, %dma_wait3A_106, %dma_wait3A_107] : memref<32x50x128x64xf32, #tpu.memory_space<hbm>> -> memref<1x1x128x64xf32, #tpu.memory_space<hbm>>
    %dma_wait3A_109 = tpu.memref_squeeze %dma_wait3A_108 : memref<1x1x128x64xf32, #tpu.memory_space<hbm>> -> memref<128x64xf32, #tpu.memory_space<hbm>>
    %dma_wait3A_110 = arith.constant 0 : i32
    %dma_wait3A_111 = arith.constant 0 : i32
    %dma_wait3A_112 = tpu.memref_slice %arg5[%add3A, %dma_wait3A_101, %dma_wait3A_110, %dma_wait3A_111] : memref<32x50x128x64xf32, #tpu.memory_space<hbm>> -> memref<1x1x128x64xf32, #tpu.memory_space<hbm>>
    %dma_wait3A_113 = tpu.memref_squeeze %dma_wait3A_112 : memref<1x1x128x64xf32, #tpu.memory_space<hbm>> -> memref<128x64xf32, #tpu.memory_space<hbm>>
    %dma_wait3A_114 = arith.constant 0 : i32
    %dma_wait3A_115 = arith.constant 0 : i32
    %dma_wait3A_116 = tpu.memref_slice %arg8[%dma_wait3A_100, %dma_wait3A_114, %dma_wait3A_115] : memref<10x128x64xf32, #tpu.memory_space<vmem>> -> memref<1x128x64xf32, #tpu.memory_space<vmem>>
    %dma_wait3A_117 = tpu.memref_squeeze %dma_wait3A_116 : memref<1x128x64xf32, #tpu.memory_space<vmem>> -> memref<128x64xf32, #tpu.memory_space<vmem>>
    tpu.wait_dma2 semaphore(%arg26 : memref<!tpu.dma_semaphore, #tpu.memory_space<semaphore_mem>>) src(%dma_wait3A_117 : memref<128x64xf32, #tpu.memory_space<vmem>>) dst(%dma_wait3A_113 : memref<128x64xf32, #tpu.memory_space<hbm>>)
    %dma_wait3A_118 = arith.constant 8 : i32
    %dma_wait3A_119 = arith.constant 48 : i32
    %dma_wait3A_120 = arith.constant 0 : i32
    %dma_wait3A_121 = arith.constant 0 : i32
    %dma_wait3A_122 = tpu.memref_slice %arg8[%dma_wait3A_118, %dma_wait3A_120, %dma_wait3A_121] : memref<10x128x64xf32, #tpu.memory_space<vmem>> -> memref<1x128x64xf32, #tpu.memory_space<vmem>>
    %dma_wait3A_123 = tpu.memref_squeeze %dma_wait3A_122 : memref<1x128x64xf32, #tpu.memory_space<vmem>> -> memref<128x64xf32, #tpu.memory_space<vmem>>
    %dma_wait3A_124 = arith.constant 0 : i32
    %dma_wait3A_125 = arith.constant 0 : i32
    %dma_wait3A_126 = tpu.memref_slice %arg5[%add3A, %dma_wait3A_119, %dma_wait3A_124, %dma_wait3A_125] : memref<32x50x128x64xf32, #tpu.memory_space<hbm>> -> memref<1x1x128x64xf32, #tpu.memory_space<hbm>>
    %dma_wait3A_127 = tpu.memref_squeeze %dma_wait3A_126 : memref<1x1x128x64xf32, #tpu.memory_space<hbm>> -> memref<128x64xf32, #tpu.memory_space<hbm>>
    %dma_wait3A_128 = arith.constant 0 : i32
    %dma_wait3A_129 = arith.constant 0 : i32
    %dma_wait3A_130 = tpu.memref_slice %arg5[%add3A, %dma_wait3A_119, %dma_wait3A_128, %dma_wait3A_129] : memref<32x50x128x64xf32, #tpu.memory_space<hbm>> -> memref<1x1x128x64xf32, #tpu.memory_space<hbm>>
    %dma_wait3A_131 = tpu.memref_squeeze %dma_wait3A_130 : memref<1x1x128x64xf32, #tpu.memory_space<hbm>> -> memref<128x64xf32, #tpu.memory_space<hbm>>
    %dma_wait3A_132 = arith.constant 0 : i32
    %dma_wait3A_133 = arith.constant 0 : i32
    %dma_wait3A_134 = tpu.memref_slice %arg8[%dma_wait3A_118, %dma_wait3A_132, %dma_wait3A_133] : memref<10x128x64xf32, #tpu.memory_space<vmem>> -> memref<1x128x64xf32, #tpu.memory_space<vmem>>
    %dma_wait3A_135 = tpu.memref_squeeze %dma_wait3A_134 : memref<1x128x64xf32, #tpu.memory_space<vmem>> -> memref<128x64xf32, #tpu.memory_space<vmem>>
    tpu.wait_dma2 semaphore(%arg27 : memref<!tpu.dma_semaphore, #tpu.memory_space<semaphore_mem>>) src(%dma_wait3A_135 : memref<128x64xf32, #tpu.memory_space<vmem>>) dst(%dma_wait3A_131 : memref<128x64xf32, #tpu.memory_space<hbm>>)
    %dma_wait3A_136 = arith.constant 9 : i32
    %dma_wait3A_137 = arith.constant 49 : i32
    %dma_wait3A_138 = arith.constant 0 : i32
    %dma_wait3A_139 = arith.constant 0 : i32
    %dma_wait3A_140 = tpu.memref_slice %arg8[%dma_wait3A_136, %dma_wait3A_138, %dma_wait3A_139] : memref<10x128x64xf32, #tpu.memory_space<vmem>> -> memref<1x128x64xf32, #tpu.memory_space<vmem>>
    %dma_wait3A_141 = tpu.memref_squeeze %dma_wait3A_140 : memref<1x128x64xf32, #tpu.memory_space<vmem>> -> memref<128x64xf32, #tpu.memory_space<vmem>>
    %dma_wait3A_142 = arith.constant 0 : i32
    %dma_wait3A_143 = arith.constant 0 : i32
    %dma_wait3A_144 = tpu.memref_slice %arg5[%add3A, %dma_wait3A_137, %dma_wait3A_142, %dma_wait3A_143] : memref<32x50x128x64xf32, #tpu.memory_space<hbm>> -> memref<1x1x128x64xf32, #tpu.memory_space<hbm>>
    %dma_wait3A_145 = tpu.memref_squeeze %dma_wait3A_144 : memref<1x1x128x64xf32, #tpu.memory_space<hbm>> -> memref<128x64xf32, #tpu.memory_space<hbm>>
    %dma_wait3A_146 = arith.constant 0 : i32
    %dma_wait3A_147 = arith.constant 0 : i32
    %dma_wait3A_148 = tpu.memref_slice %arg5[%add3A, %dma_wait3A_137, %dma_wait3A_146, %dma_wait3A_147] : memref<32x50x128x64xf32, #tpu.memory_space<hbm>> -> memref<1x1x128x64xf32, #tpu.memory_space<hbm>>
    %dma_wait3A_149 = tpu.memref_squeeze %dma_wait3A_148 : memref<1x1x128x64xf32, #tpu.memory_space<hbm>> -> memref<128x64xf32, #tpu.memory_space<hbm>>
    %dma_wait3A_150 = arith.constant 0 : i32
    %dma_wait3A_151 = arith.constant 0 : i32
    %dma_wait3A_152 = tpu.memref_slice %arg8[%dma_wait3A_136, %dma_wait3A_150, %dma_wait3A_151] : memref<10x128x64xf32, #tpu.memory_space<vmem>> -> memref<1x128x64xf32, #tpu.memory_space<vmem>>
    %dma_wait3A_153 = tpu.memref_squeeze %dma_wait3A_152 : memref<1x128x64xf32, #tpu.memory_space<vmem>> -> memref<128x64xf32, #tpu.memory_space<vmem>>
    tpu.wait_dma2 semaphore(%arg28 : memref<!tpu.dma_semaphore, #tpu.memory_space<semaphore_mem>>) src(%dma_wait3A_153 : memref<128x64xf32, #tpu.memory_space<vmem>>) dst(%dma_wait3A_149 : memref<128x64xf32, #tpu.memory_space<hbm>>)
    return
  }
}

</mosaic_0001>

<sc_bundles>
// kernel: kernel.3.cloned.1.call-start
scs
__scs_entry_jumppad:
0x0: {  	(pc) =	sbr.rel $0x88, $3  }
0x1: {  	(tag) =	ssettag $0x0;
	lr =	simm.s32 $0x1  }
0x2: {  	[smem:$0x3F9F] =	sst lr;
	_ =	strace $0xD0000000  }
0x3: {  	_ = 	snop  }
0x4: {  	_ = 	snop  }
0x5: {  	_ = 	snop  }
0x6: {  	_ = 	snop  }
0x7: {  	_ = 	snop  }
__scs_overlays_trampoline_lowered:
0x8: {  	[smem:$0x3FAE] =	sst s0  }
0x9: {  	[smem:$0x3FAF] =	sst s1  }
0xa: {  	[smem:$0x3FB0] =	sst s2  }
0xb: {  	[smem:$0x3FB1] =	sst s3  }
0xc: {  	[smem:$0x3FB2] =	sst s4  }
0xd: {  	[smem:$0x3FB3] =	sst s5  }
0xe: {  	[smem:$0x3FB4] =	sst s6  }
0xf: {  	[smem:$0x3FB5] =	sst s7  }
0x10: {  	[smem:$0x3FB6] =	sst s8  }
0x11: {  	[smem:$0x3FB7] =	sst s9;
	s0 =	simm.s32 @!p0 $0x0  }
0x12: {  	s1 =	sld [smem:$0x3F9D];
	s0 =	simm.s32 @p0 $0x1  }
0x13: {  	[smem:$0x3FB8] =	sst s0;
	s0 =	simm.s32 @!p1 $0x0  }
0x14: {  	s2 =	sld [smem:$0x3F9C];
	s0 =	simm.s32 @p1 $0x1  }
0x15: {  	[smem:$0x3FB9] =	sst s0;
	s0 =	simm.s32 @!p2 $0x0  }
0x16: {  	s3 =	sld [smem:$0x3FDB];
	s0 =	simm.s32 @p2 $0x1  }
0x17: {  	s4 =	simm.s32 $0x1BF5;
	[smem:$0x3FBB] =	sst s0  }
0x18: {  	s0 =	sld [smem:$0x3F9E];
	_ =	swait.ge [sflag:s4], $0x0  }
0x19: {  	s7 =	sld [smem:$0x3F9F]  }
0x1a: {  	s8 =	sadd.s32 $0xFFFFE003, lr  }
0x1b: {  	s9 =	sadd.s32 $0xFFFFFEF7, lr;
	s5 =	simm.s32 $0xFFFFFFFF;
	p2 =	slt.u32 s8, $0xFFFFF086  }
0x1c: {  	p1 =	slt.u32 s9, $0xF7A;
	s5 =	simm.s32 @!p2 $0x0  }
0x1d: {  	s5 =	simm.s32 @p1 $0x1;
	p0 =	seq.s32 s7, s2  }
0x1e: {  	s7 =	smul.u32 @!p0 $0xF7A, s2;
	p2 =	seq.s32 @!p0 s5, $0x0  }
0x1f: {  	s9 =	smul.u32 $0xF7A, s1;
	s8 =	simm.s32 @!p0 $0x1BF5;
	p2 =	por !p2, p0  }
0x20: {  	[sflag:s8] =	ssyncset.s32 @!p0 $0xFFFFF086;
	s6 =	sadd.s32 @!p0 s3, s7;
	s7 =	simm.s32 @!p0 $0x108  }
0x21: {  	s3 =	sadd.s32 s3, s9;
	s6 =	sadd.s32 @!p0 $0x88, s6;
	s7 =	simm.s32 @p2 $0x1082  }
0x22: {  	[simem:s7], [sflag:s8] =	dma.local @!p0 [hbm:s6], $0xF7A  }
0x23: {  	s9 =	sor.u32 $0xD0000000, s2;
	s6 =	simm.s32 $0x108;
	_ =	swait.ge @!p0 [sflag:s8], $0x0  }
0x24: {  	s3 =	sadd.s32 $0x88, s3;
	s6 =	simm.s32 @!p1 $0x1082;
	[sflag:s4] =	ssyncset.s32 $0xFFFFF086  }
0x25: {  	[simem:s6], [sflag:s4] =	dma.local [hbm:s3], $0xF7A  }
0x26: {  	[smem:$0x3F9F] =	sst s1;
	(tag) =	ssettag s2;
	_ =	strace s9  }
0x27: {  	s1 =	sld [smem:$0x3FAF]  }
0x28: {  	s2 =	sld [smem:$0x3FB0]  }
0x29: {  	s4 =	sld [smem:$0x3FB2]  }
0x2a: {  	p0 =	seq.s32 s5, $0x0;
	s5 =	sld [smem:$0x3FB3]  }
0x2b: {  	s6 =	sld [smem:$0x3FB4]  }
0x2c: {  	s7 =	sld [smem:$0x3FB5]  }
0x2d: {  	s3 =	simm.s32 $0x108;
	s8 =	sld [smem:$0x3FB6]  }
0x2e: {  	s3 =	simm.s32 @!p0 $0x1082;
	s9 =	sld [smem:$0x3FB7]  }
0x2f: {  	lr =	sadd.s32 s0, s3;
	s0 =	sld [smem:$0x3FAE]  }
0x30: {  	s3 =	sld [smem:$0x3FB1]  }
0x31: {  	[smem:$0x3FBA] =	sst s10  }
0x32: {  	s10 =	sld [smem:$0x3FB8];
	_ =	sdelay $0x3  }
0x33: {  	p0 =	seq.s32 s10, $0x1;
	s10 =	sld [smem:$0x3FBA];
	_ =	sdelay $0x3  }
0x34: {  	[smem:$0x3FBA] =	sst s10  }
0x35: {  	s10 =	sld [smem:$0x3FB9];
	_ =	sdelay $0x3  }
0x36: {  	p1 =	seq.s32 s10, $0x1;
	s10 =	sld [smem:$0x3FBA];
	_ =	sdelay $0x3  }
0x37: {  	[smem:$0x3FBA] =	sst s10  }
0x38: {  	s10 =	sld [smem:$0x3FBB]  }
0x39: {  	_ = 	snop;
	(pc) =	sbr.ind lr, $3  }
0x3a: {  	_ = 	snop  }
0x3b: {  	_ = 	snop  }
0x3c: {  	p2 =	seq.s32 s10, $0x1;
	s10 =	sld [smem:$0x3FBA]  }
0x3d: {  	_ =	shalt  }
0x3e: {  	_ =	shalt  }
0x3f: {  	_ =	shalt  }
0x40: {  	_ =	shalt  }
0x41: {  	_ =	shalt  }
0x42: {  	_ =	shalt  }
0x43: {  	_ =	shalt  }
0x44: {  	_ =	shalt  }
0x45: {  	_ =	shalt  }
0x46: {  	_ =	shalt  }
0x47: {  	_ =	shalt  }
0x48: {  	_ =	shalt  }
0x49: {  	_ =	shalt  }
0x4a: {  	_ =	shalt  }
0x4b: {  	_ =	shalt  }
0x4c: {  	_ =	shalt  }
0x4d: {  	_ =	shalt  }
0x4e: {  	_ =	shalt  }
0x4f: {  	_ =	shalt  }
0x50: {  	_ =	shalt  }
0x51: {  	_ =	shalt  }
0x52: {  	_ =	shalt  }
0x53: {  	_ =	shalt  }
0x54: {  	_ =	shalt  }
0x55: {  	_ =	shalt  }
0x56: {  	_ =	shalt  }
0x57: {  	_ =	shalt  }
0x58: {  	_ =	shalt  }
0x59: {  	_ =	shalt  }
0x5a: {  	_ =	shalt  }
0x5b: {  	_ =	shalt  }
0x5c: {  	_ =	shalt  }
0x5d: {  	_ =	shalt  }
0x5e: {  	_ =	shalt  }
0x5f: {  	_ =	shalt  }
0x60: {  	_ =	shalt  }
0x61: {  	_ =	shalt  }
0x62: {  	_ =	shalt  }
0x63: {  	_ =	shalt  }
0x64: {  	_ =	shalt  }
0x65: {  	_ =	shalt  }
0x66: {  	_ =	shalt  }
0x67: {  	_ =	shalt  }
0x68: {  	_ =	shalt  }
0x69: {  	_ =	shalt  }
0x6a: {  	_ =	shalt  }
0x6b: {  	_ =	shalt  }
0x6c: {  	_ =	shalt  }
0x6d: {  	_ =	shalt  }
0x6e: {  	_ =	shalt  }
0x6f: {  	_ =	shalt  }
0x70: {  	_ =	shalt  }
0x71: {  	_ =	shalt  }
0x72: {  	_ =	shalt  }
0x73: {  	_ =	shalt  }
0x74: {  	_ =	shalt  }
0x75: {  	_ =	shalt  }
0x76: {  	_ =	shalt  }
0x77: {  	_ =	shalt  }
0x78: {  	_ =	shalt  }
0x79: {  	_ =	shalt  }
0x7a: {  	_ =	shalt  }
0x7b: {  	_ =	shalt  }
0x7c: {  	_ =	shalt  }
0x7d: {  	_ =	shalt  }
0x7e: {  	_ =	shalt  }
0x7f: {  	_ =	shalt  }
0x80: {  	_ =	shalt  }
0x81: {  	_ =	shalt  }
0x82: {  	_ =	shalt  }
0x83: {  	_ =	shalt  }
0x84: {  	_ =	shalt  }
0x85: {  	_ =	shalt  }
0x86: {  	_ =	shalt  }
0x87: {  	_ =	shalt  }
.Lfunc_end0:
.L_simem_size_0:
called_computation.1_lowered:
.L_overlay_start_0:
0x88: {  	s2 =	sld [smem:$0x3FD9]  }
0x89: {  	s3 =	sld [smem:$0x3FFE];
	_ =	sdelay $0x1  }
0x8a: {  	s1 =	srdreg.scid  }
0x8b: {  	s0 =	sand.u32 $0x1, s1  }
0x8c: {  	s17 =	sshll.u32 s0, $0xA;
	s2 =	sadd.s32 s3, s2  }
0x8d: {  	s2 =	sadd.s32 s2, s17  }
0x8e: {  	[smem:$0x3FC6] =	sst s2  }
0x8f: {  	_ = 	snop  }
0x90: {  	s2 =	sld [smem:$0x3FD0];
	(tm) =	ssettm $0x1  }
0x91: {  	s18 =	sld [smem:$0x3FFB];
	_ =	sdelay $0x3  }
0x92: {  	_ =	strace s18  }
0x93: {  	s3 =	sld [smem:$0x3FFC];
	_ =	sdelay $0x3  }
0x94: {  	_ =	strace s3  }
0x95: {  	s3 =	sld [smem:$0x3FFD];
	_ =	sdelay $0x3  }
0x96: {  	_ =	strace s3  }
0x97: {  	_ =	strace $0x8FFFFFFF  }
0x98: {  	s19 =	sld [smem:$0x3FDB];
	_ =	sdelay $0x1  }
0x99: {  	s4 =	simm.s32 $_scs_section_size  }
0x9a: {  	s5 =	simm.s32 $_size__tile_overlayer_lowered;
	s6 =	simm.s32 $_tile_overlayer_lowered  }
0x9b: {  	s22 =	simm.s32 $0x1BFF;
	s21 =	sshll.u32 s6, $0x1;
	s3 =	sadd.s32 s4, s19  }
0x9c: {  	s7 =	simm.s32 $0x0;
	s20 =	sshll.u32 s5, $0x1;
	s5 =	sadd.s32 s21, s3  }
0x9d: {  	[timem:s7], [sflag:s22] =	dma.local [hbm:s5], s20  }
0x9e: {  	_ =	swait.ge [sflag:s22], s20  }
0x9f: {  	s4 =	ssub.s32 $0x0, s20;
	[sflag:s22] =	ssyncset.done $0x0  }
0xa0: {  	[sflag:s22] =	ssyncadd.s32 s4;
	_ =	sdelay $0x1  }
0xa1: {  	s23 =	simm.s32 $0x1B8B  }
0xa2: {  	_ =	swait.ge [sflag:s23], $0x1  }
0xa3: {  	[sflag:s23] =	ssyncset.done $0x0  }
0xa4: {  	s25 =	simm.s32 $0x1B8E;
	s24 =	sld [smem:$0x3FFE];
	[sflag:s23] =	ssyncadd.s32 $0xFFFFFFFF  }
0xa5: {  	s26 =	simm.s32 $execute0_lowered;
	[smem:$0x3FD2] =	sst s25  }
0xa6: {  	s5 =	sshll.u32 s26, $0x1;
	_ =	strace $0x80000046;
	[dreg:$0x1] =	wrdreg $0xFFFFFFFF  }
0xa7: {  	s28 =	simm.s32 $_size_execute0_lowered;
	s3 =	sadd.s32 s3, s5;
	[dreg:$0x0] =	wrdreg $0x0  }
0xa8: {  	s5 =	sshll.u32 s28, $0x1;
	[dreg:$0x2] =	wrdreg s3  }
0xa9: {  	[dreg:$0x3] =	wrdreg s5  }
0xaa: {  	[dreg:$0x4] =	wrdreg $0xC0  }
0xab: {  	_ =	task [dreg:s7], $0x5FFFF  }
0xac: {  	[dreg:$0x1] =	wrdreg $0xFFFFFFFF  }
0xad: {  	[dreg:$0x0] =	wrdreg $0x60  }
0xae: {  	[dreg:$0x2] =	wrdreg s24  }
0xaf: {  	[dreg:$0x3] =	wrdreg s2  }
0xb0: {  	[dreg:$0x4] =	wrdreg $0x9  }
0xb1: {  	_ =	task.clear_ibuf [dreg:s7], $0x5FFFF;
	_ =	strace $0x90000046  }
0xb2: {  	s29 =	simm.s32 $0x9;
	_ =	strace $0x80000048  }
0xb3: {  	_ =	swait.ge [sflag:s29], $0x1  }
0xb4: {  	[sflag:s29] =	ssyncadd.s32 $0xFFFFFFFF  }
0xb5: {  	_ =	strace $0x90000048  }
0xb6: {  	_ =	sfence  }
0xb7: {  	s30 =	sld [smem:$0x0];
	_ =	sdelay $0x2  }
0xb8: {  	s31 =	sshll.u32 s1, $0xD;
	s1 =	sshrl.u32 s1, $0x2  }
0xb9: {  	s3 =	sand.u32 $0x4000, s31;
	s1 =	sadd.s32 s1, s30  }
0xba: {  	s0 =	sor.u32 s3, s0;
	s1 =	sshll.u32 s1, $0x11  }
0xbb: {  	s0 =	sor.u32 s1, s0  }
0xbc: {  	s0 =	sadd.s32 $0x8F2B, s0  }
0xbd: {  	[sflag:s0] =	ssyncadd.remote.s32 $0x1  }
0xbe: {  	_ =	sfence.sel $0xFFFF  }
0xbf: {  	[dreg:$0x0] =	wrdreg $0xFFFFFFFF;
	(pc) =	sbr.abs _section_cstart, $3  }
0xc0: {  	[dreg:$0x1] =	wrdreg $0xFFFFFFFF  }
0xc1: {  	_ =	task.clear_ibuf [dreg:s7], $0x2FFFF;
	_ =	strace $0x9FFFFFFF  }
0xc2: {  	(tm) =	ssettm $0x7FFFFFFF  }
0xc3: {  	_ =	shalt  }
tec
execute0_lowered:
.L_overlay_start_1:
0x0: {  	(tag) =	ssettag $0x1  }
0x1: {  	s0 =	srdreg.scid  }
0x2: {  	s2 =	stileid.u32;
	s1 =	rddreg [dreg:$0x0];
	s11 =	simm.s32 $0x80  }
0x3: {  	s19 =	simm.s32 $0xA580;
	s20 =	simm.s32 $0xC580;
	s21 =	simm.s32 $0x1  }
0x4: {  	s22 =	simm.s32 $0xE580;
	s23 =	simm.s32 $0x2;
	s24 =	simm.s32 $0x10580  }
0x5: {  	s25 =	simm.s32 $0x3;
	s28 =	simm.s32 $0x4;
	s29 =	simm.s32 $0x14580  }
0x6: {  	s30 =	simm.s32 $0x5;
	s31 =	simm.s32 $0x6;
	s10 =	simm.s32 $0x9  }
0x7: {  	s14 =	simm.s32 $0xA;
	s0 =	sand.u32 $0x1, s0;
	s3 =	sshll.u32 s2, $0x1  }
0x8: {  	s2 =	rddreg [dreg:$0x1];
	s5 =	sor.u32 s0, s3;
	s3 =	simm.s32 $0x0  }
0x9: {  	s0 =	ssub.s32 $0x2, s0;
	s4 =	smul.u32 $0x320, s5;
	[smem:$0x7FF] =	sst s3  }
0xa: {  	s6 =	smul.u32 $0x190, s5;
	s8 =	sshrl.u32 s0, $0x1;
	_ =	strace $0x80000047  }
0xb: {  	s0 =	ssub.s32 s0, s8;
	s8 =	simm.s32 $0x0;
	s7 =	sadd.s32 s4, s1  }
0xc: {  	s4 =	sadd.s32 $0xF43000, s1;
	s1 =	sadd.s32 s6, s1;
	s0 =	smax.u32 s0, $0x1  }
0xd: {  	s26 =	sadd.s32 $0xC00, s7;
	s1 =	sadd.s32 $0x7000, s1;
	[dreg:$0x5] =	wrdreg s0  }
0xe: {  	s7 =	smul.u32 $0x64000, s5;
	s0 =	simm.s32 $0x8;
	[dreg:$0x3] =	wrdreg s26  }
0xf: {  	[dreg:$0x4] =	wrdreg s1;
	s26 =	simm.s32 $0x12580;
	s1 =	simm.s32 $0x7  }
.LBB2_1:
0x10: {  	[dreg:$0x6] =	wrdreg s8  }
0x11: {  	s5 =	rddreg [dreg:$0x3];
	s6 =	simm.s32 $0x15  }
0x12: {  	[tilespmem:s3], [sflag:$0x15] =	stream.linear.gather [hbm4b:s5+s3], $0x1900, $0x38;
	[tilespmem:$0x16580] =	vst v63  }
0x13: {  	_ =	swait.ge [sflag:s6], $0x1900  }
0x14: {  	[sflag:s6] =	ssyncset.done $0x0  }
0x15: {  	s18 =	simm.s32 $0x1900;
	s17 =	rddreg [dreg:$0x4];
	[sflag:s6] =	ssyncadd.s32 $0xFFFFE700  }
0x16: {  	[tilespmem:s18], [sflag:$0x15] =	stream.linear.gather [hbm4b:s17+s3], $0xC80, $0x38;
	[tilespmem:$0x16580] =	vst v63  }
0x17: {  	_ =	swait.ge [sflag:s6], $0xC80  }
0x18: {  	[sflag:s6] =	ssyncset.done $0x0  }
0x19: {  	s9 =	simm.s32 $0x2580;
	[sflag:s6] =	ssyncadd.s32 $0xFFFFF380  }
0x1a: {  	[tilespmem:s9], [sflag:$0x1] =	stream.indirect.gather [hbm4b:s4+s11], $0x40, s3, s11, $0xb8;
	[tilespmem:$0x16580] =	vst v63  }
0x1b: {  	s12 =	simm.s32 $0x4580  }
0x1c: {  	[tilespmem:s12], [sflag:$0x2] =	stream.indirect.gather [hbm4b:s4+s11], $0x40, s11, s11, $0xb8;
	[tilespmem:$0x16580] =	vst v63  }
0x1d: {  	s13 =	simm.s32 $0x100;
	s15 =	simm.s32 $0x6580  }
0x1e: {  	[tilespmem:s15], [sflag:$0x3] =	stream.indirect.gather [hbm4b:s4+s11], $0x40, s13, s11, $0xb8;
	[tilespmem:$0x16580] =	vst v63  }
0x1f: {  	s16 =	simm.s32 $0x180;
	s17 =	simm.s32 $0x8580  }
0x20: {  	[tilespmem:s17], [sflag:$0x4] =	stream.indirect.gather [hbm4b:s4+s11], $0x40, s16, s11, $0xb8;
	[tilespmem:$0x16580] =	vst v63  }
0x21: {  	s18 =	simm.s32 $0x200  }
0x22: {  	[tilespmem:s19], [sflag:$0x5] =	stream.indirect.gather [hbm4b:s4+s11], $0x40, s18, s11, $0xb8;
	[tilespmem:$0x16580] =	vst v63  }
0x23: {  	s18 =	simm.s32 $0x0  }
.LBB2_2:
0x24: {  	s12 =	smul.u32 $0xA, s18;
	p0 =	seq.s32 s18, $0x0  }
0x25: {  	s6 =	simm.s32 @!p0 $0x10  }
0x26: {  	s5 =	sadd.s32 $0x5, s12;
	_ =	swait.ge @!p0 [sflag:s6], $0x2000  }
0x27: {  	[sflag:s6] =	ssyncset.done @!p0 $0x0;
	s8 =	sshll.u32 s5, $0x7  }
0x28: {  	[sflag:s6] =	ssyncadd.s32 @!p0 $0xFFFFE000;
	s16 =	sand.u32 $0x3FFFFF80, s8  }
0x29: {  	[tilespmem:s20], [sflag:$0x6] =	stream.indirect.gather [hbm4b:s4+s11], $0x40, s16, s11, $0xb8;
	[tilespmem:$0x16580] =	vst v63  }
0x2a: {  	s17 =	smul.u32 $0xA00, s18;
	_ =	swait.ge [sflag:s21], $0x2000  }
0x2b: {  	[sflag:s21] =	ssyncset.done $0x0  }
0x2c: {  	s6 =	sshra.s32 s17, $0x2;
	[sflag:s21] =	ssyncadd.s32 $0xFFFFE000  }
0x2d: {  	v2 =	vld [tilespmem:s6+$0x1900]  }
0x2e: {  	v3 =	vld [tilespmem:s6+$0x1910]  }
0x2f: {  	v1 =	vld [tilespmem:s6+$0x1920]  }
0x30: {  	v0 =	vld [tilespmem:s6+$0x1930];
	s6 =	simm.s32 $0x0  }
0x31: {  	v5 =	vld [tilespmem:s6+$0x2580]  }
0x32: {  	v6 =	vld [tilespmem:s6+$0x2590]  }
0x33: {  	s8 =	simm.s32 $0x100;
	v4 =	vld [tilespmem:s6+$0x25A0]  }
.LBB2_3:
0x34: {  	p1 =	sne.s32 s8, $0x7F00;
	v7 =	vld [tilespmem:s6+$0x25B0];
	_ =	sdelay $0x1  }
0x35: {  	v5 =	vadd.f32 v5, v2  }
.Ltmp0:
0x36: {  	v6 =	vadd.f32 v6, v3;
	(pc) =	sbr.rel @p1 .LBB2_3-.Ltmp0, $4  }
0x37: {  	s9 =	sshra.s32 s8, $0x2;
	[tilespmem:s6+$0x2580] =	vst v5;
	v4 =	vadd.f32 v4, v1  }
0x38: {  	v5 =	vld [tilespmem:s9+$0x2580];
	[tilespmem:s6+$0x2590] =	vst v6;
	v7 =	vadd.f32 v7, v0  }
0x39: {  	v6 =	vld [tilespmem:s9+$0x2590];
	[tilespmem:s6+$0x25A0] =	vst v4  }
0x3a: {  	s8 =	sadd.s32 $0x100, s8;
	v4 =	vld [tilespmem:s9+$0x25A0];
	[tilespmem:s6+$0x25B0] =	vst v7;
	s6 =	smov.u32 s9  }
0x3b: {  	v7 =	vld [tilespmem:s6+$0x25B0];
	_ =	sdelay $0x1  }
0x3c: {  	v2 =	vadd.f32 v5, v2  }
0x3d: {  	s8 =	smul.u32 $0x14000, s18;
	v3 =	vadd.f32 v6, v3  }
0x3e: {  	[tilespmem:s6+$0x2580] =	vst v2;
	v1 =	vadd.f32 v4, v1  }
0x3f: {  	s8 =	sadd.s32 s7, s8;
	[tilespmem:s6+$0x2590] =	vst v3;
	v0 =	vadd.f32 v7, v0  }
0x40: {  	s8 =	sshrl.u32 s8, $0x3;
	[tilespmem:s6+$0x25A0] =	vst v1  }
0x41: {  	s15 =	simm.s32 $0x2580;
	s13 =	sadd.s32 s2, s8;
	s8 =	simm.s32 @!p0 $0x11;
	[tilespmem:s6+$0x25B0] =	vst v0  }
0x42: {  	[hbm4b:s13+s3] =	stream.linear.scatter [tilespmem:s15], [sflag:$0xB], $0x2000, $0x38;
	[tilespmem:$0x16580] =	vst v63  }
0x43: {  	s6 =	sadd.s32 $0x6, s12;
	_ =	swait.ge @!p0 [sflag:s8], $0x2000  }
0x44: {  	s9 =	sshll.u32 s6, $0x7;
	[sflag:s8] =	ssyncset.done @!p0 $0x0  }
0x45: {  	s16 =	sand.u32 $0x3FFFFF80, s9;
	[sflag:s8] =	ssyncadd.s32 @!p0 $0xFFFFE000  }
0x46: {  	[tilespmem:s22], [sflag:$0x7] =	stream.indirect.gather [hbm4b:s4+s11], $0x40, s16, s11, $0xb8;
	[tilespmem:$0x16580] =	vst v63  }
0x47: {  	s8 =	sor.u32 $0x1, s12;
	_ =	swait.ge [sflag:s23], $0x2000  }
0x48: {  	s17 =	sshll.u32 s8, $0x6;
	[sflag:s23] =	ssyncset.done $0x0  }
0x49: {  	s9 =	sand.u32 $0x3FFFFFC0, s17;
	[sflag:s23] =	ssyncadd.s32 $0xFFFFE000  }
0x4a: {  	v2 =	vld [tilespmem:s9+$0x1900]  }
0x4b: {  	v3 =	vld [tilespmem:s9+$0x1910]  }
0x4c: {  	v1 =	vld [tilespmem:s9+$0x1920]  }
0x4d: {  	v0 =	vld [tilespmem:s9+$0x1930];
	s9 =	simm.s32 $0x0  }
0x4e: {  	v4 =	vld [tilespmem:s9+$0x4580]  }
0x4f: {  	v6 =	vld [tilespmem:s9+$0x4590]  }
0x50: {  	s13 =	simm.s32 $0x100;
	v5 =	vld [tilespmem:s9+$0x45A0]  }
.LBB2_5:
0x51: {  	p1 =	sne.s32 s13, $0x7F00;
	v7 =	vld [tilespmem:s9+$0x45B0];
	_ =	sdelay $0x1  }
0x52: {  	v4 =	vadd.f32 v4, v2  }
.Ltmp1:
0x53: {  	v6 =	vadd.f32 v6, v3;
	(pc) =	sbr.rel @p1 .LBB2_5-.Ltmp1, $4  }
0x54: {  	s15 =	sshra.s32 s13, $0x2;
	[tilespmem:s9+$0x4580] =	vst v4;
	v5 =	vadd.f32 v5, v1  }
0x55: {  	v4 =	vld [tilespmem:s15+$0x4580];
	[tilespmem:s9+$0x4590] =	vst v6;
	v7 =	vadd.f32 v7, v0  }
0x56: {  	v6 =	vld [tilespmem:s15+$0x4590];
	[tilespmem:s9+$0x45A0] =	vst v5  }
0x57: {  	s13 =	sadd.s32 $0x100, s13;
	v5 =	vld [tilespmem:s15+$0x45A0];
	[tilespmem:s9+$0x45B0] =	vst v7;
	s9 =	smov.u32 s15  }
0x58: {  	v7 =	vld [tilespmem:s9+$0x45B0];
	_ =	sdelay $0x1  }
0x59: {  	v2 =	vadd.f32 v4, v2  }
0x5a: {  	v3 =	vadd.f32 v6, v3  }
0x5b: {  	s8 =	sshll.u32 s8, $0xD;
	[tilespmem:s9+$0x4580] =	vst v2;
	v1 =	vadd.f32 v5, v1  }
0x5c: {  	s8 =	sadd.s32 s7, s8;
	[tilespmem:s9+$0x4590] =	vst v3;
	v0 =	vadd.f32 v7, v0  }
0x5d: {  	s8 =	sshrl.u32 s8, $0x3;
	[tilespmem:s9+$0x45A0] =	vst v1  }
0x5e: {  	s15 =	simm.s32 $0x4580;
	s8 =	sadd.s32 s2, s8;
	[tilespmem:s9+$0x45B0] =	vst v0;
	s9 =	simm.s32 @!p0 $0x12  }
0x5f: {  	[hbm4b:s8+s3] =	stream.linear.scatter [tilespmem:s15], [sflag:$0xC], $0x2000, $0x38;
	[tilespmem:$0x16580] =	vst v63  }
0x60: {  	s8 =	sadd.s32 $0x7, s12;
	_ =	swait.ge @!p0 [sflag:s9], $0x2000  }
0x61: {  	s13 =	sshll.u32 s8, $0x7;
	[sflag:s9] =	ssyncset.done @!p0 $0x0  }
0x62: {  	s16 =	sand.u32 $0x3FFFFF80, s13;
	[sflag:s9] =	ssyncadd.s32 @!p0 $0xFFFFE000  }
0x63: {  	[tilespmem:s24], [sflag:$0x8] =	stream.indirect.gather [hbm4b:s4+s11], $0x40, s16, s11, $0xb8;
	[tilespmem:$0x16580] =	vst v63  }
0x64: {  	s9 =	sadd.s32 $0x2, s12;
	_ =	swait.ge [sflag:s25], $0x2000  }
0x65: {  	s17 =	sshll.u32 s9, $0x6;
	[sflag:s25] =	ssyncset.done $0x0  }
0x66: {  	s13 =	sand.u32 $0x3FFFFFC0, s17;
	[sflag:s25] =	ssyncadd.s32 $0xFFFFE000  }
0x67: {  	v2 =	vld [tilespmem:s13+$0x1900]  }
0x68: {  	v3 =	vld [tilespmem:s13+$0x1910]  }
0x69: {  	v1 =	vld [tilespmem:s13+$0x1920]  }
0x6a: {  	s16 =	simm.s32 $0x0;
	v0 =	vld [tilespmem:s13+$0x1930]  }
0x6b: {  	v4 =	vld [tilespmem:s16+$0x6580]  }
0x6c: {  	v6 =	vld [tilespmem:s16+$0x6590]  }
0x6d: {  	v5 =	vld [tilespmem:s16+$0x65A0];
	s13 =	simm.s32 $0x100  }
.LBB2_7:
0x6e: {  	p1 =	sne.s32 s13, $0x7F00;
	v7 =	vld [tilespmem:s16+$0x65B0];
	_ =	sdelay $0x1  }
0x6f: {  	v4 =	vadd.f32 v4, v2  }
.Ltmp2:
0x70: {  	v6 =	vadd.f32 v6, v3;
	(pc) =	sbr.rel @p1 .LBB2_7-.Ltmp2, $4  }
0x71: {  	s15 =	sshra.s32 s13, $0x2;
	[tilespmem:s16+$0x6580] =	vst v4;
	v5 =	vadd.f32 v5, v1  }
0x72: {  	v4 =	vld [tilespmem:s15+$0x6580];
	[tilespmem:s16+$0x6590] =	vst v6;
	v7 =	vadd.f32 v7, v0  }
0x73: {  	v6 =	vld [tilespmem:s15+$0x6590];
	[tilespmem:s16+$0x65A0] =	vst v5  }
0x74: {  	s13 =	sadd.s32 $0x100, s13;
	v5 =	vld [tilespmem:s15+$0x65A0];
	[tilespmem:s16+$0x65B0] =	vst v7;
	s16 =	smov.u32 s15  }
0x75: {  	v7 =	vld [tilespmem:s16+$0x65B0];
	_ =	sdelay $0x1  }
0x76: {  	v2 =	vadd.f32 v4, v2  }
0x77: {  	v3 =	vadd.f32 v6, v3  }
0x78: {  	s9 =	sshll.u32 s9, $0xD;
	[tilespmem:s16+$0x6580] =	vst v2;
	v1 =	vadd.f32 v5, v1  }
0x79: {  	s9 =	sadd.s32 s7, s9;
	[tilespmem:s16+$0x6590] =	vst v3;
	v0 =	vadd.f32 v7, v0  }
0x7a: {  	s9 =	sshrl.u32 s9, $0x3;
	[tilespmem:s16+$0x65A0] =	vst v1  }
0x7b: {  	s13 =	simm.s32 $0x6580;
	s9 =	sadd.s32 s2, s9;
	[tilespmem:s16+$0x65B0] =	vst v0  }
0x7c: {  	[hbm4b:s9+s3] =	stream.linear.scatter [tilespmem:s13], [sflag:$0xD], $0x2000, $0x38;
	[tilespmem:$0x16580] =	vst v63  }
0x7d: {  	s13 =	simm.s32 @!p0 $0x13  }
0x7e: {  	s9 =	sadd.s32 $0x8, s12;
	_ =	swait.ge @!p0 [sflag:s13], $0x2000  }
0x7f: {  	s15 =	sshll.u32 s9, $0x7;
	[sflag:s13] =	ssyncset.done @!p0 $0x0  }
0x80: {  	s16 =	sand.u32 $0x3FFFFF80, s15;
	[sflag:s13] =	ssyncadd.s32 @!p0 $0xFFFFE000  }
0x81: {  	[tilespmem:s26], [sflag:$0x9] =	stream.indirect.gather [hbm4b:s4+s11], $0x40, s16, s11, $0xb8;
	[tilespmem:$0x16580] =	vst v63  }
0x82: {  	s16 =	sadd.s32 $0x3, s12;
	_ =	swait.ge [sflag:s28], $0x2000  }
0x83: {  	s17 =	sshll.u32 s16, $0x6;
	[sflag:s28] =	ssyncset.done $0x0  }
0x84: {  	s13 =	sand.u32 $0x3FFFFFC0, s17;
	[sflag:s28] =	ssyncadd.s32 $0xFFFFE000  }
0x85: {  	v2 =	vld [tilespmem:s13+$0x1900]  }
0x86: {  	v3 =	vld [tilespmem:s13+$0x1910]  }
0x87: {  	v1 =	vld [tilespmem:s13+$0x1920]  }
0x88: {  	v0 =	vld [tilespmem:s13+$0x1930];
	s13 =	simm.s32 $0x0  }
0x89: {  	v4 =	vld [tilespmem:s13+$0x8580]  }
0x8a: {  	v6 =	vld [tilespmem:s13+$0x8590]  }
0x8b: {  	s15 =	simm.s32 $0x100;
	v5 =	vld [tilespmem:s13+$0x85A0]  }
.LBB2_9:
0x8c: {  	p1 =	sne.s32 s15, $0x7F00;
	v7 =	vld [tilespmem:s13+$0x85B0];
	_ =	sdelay $0x1  }
0x8d: {  	v4 =	vadd.f32 v4, v2  }
.Ltmp3:
0x8e: {  	v6 =	vadd.f32 v6, v3;
	(pc) =	sbr.rel @p1 .LBB2_9-.Ltmp3, $4  }
0x8f: {  	s17 =	sshra.s32 s15, $0x2;
	[tilespmem:s13+$0x8580] =	vst v4;
	v5 =	vadd.f32 v5, v1  }
0x90: {  	v4 =	vld [tilespmem:s17+$0x8580];
	[tilespmem:s13+$0x8590] =	vst v6;
	v7 =	vadd.f32 v7, v0  }
0x91: {  	v6 =	vld [tilespmem:s17+$0x8590];
	[tilespmem:s13+$0x85A0] =	vst v5  }
0x92: {  	s15 =	sadd.s32 $0x100, s15;
	v5 =	vld [tilespmem:s17+$0x85A0];
	[tilespmem:s13+$0x85B0] =	vst v7;
	s13 =	smov.u32 s17  }
0x93: {  	v7 =	vld [tilespmem:s13+$0x85B0];
	_ =	sdelay $0x1  }
0x94: {  	v2 =	vadd.f32 v4, v2  }
0x95: {  	v3 =	vadd.f32 v6, v3  }
0x96: {  	s15 =	sshll.u32 s16, $0xD;
	[tilespmem:s13+$0x8580] =	vst v2;
	v1 =	vadd.f32 v5, v1  }
0x97: {  	s15 =	sadd.s32 s7, s15;
	[tilespmem:s13+$0x8590] =	vst v3;
	v0 =	vadd.f32 v7, v0  }
0x98: {  	s15 =	sshrl.u32 s15, $0x3;
	[tilespmem:s13+$0x85A0] =	vst v1  }
0x99: {  	s16 =	simm.s32 $0x8580;
	s15 =	sadd.s32 s2, s15;
	[tilespmem:s13+$0x85B0] =	vst v0;
	s13 =	simm.s32 @!p0 $0x14  }
0x9a: {  	[hbm4b:s15+s3] =	stream.linear.scatter [tilespmem:s16], [sflag:$0xE], $0x2000, $0x38;
	[tilespmem:$0x16580] =	vst v63  }
0x9b: {  	s16 =	sadd.s32 $0x9, s12;
	_ =	swait.ge @!p0 [sflag:s13], $0x2000  }
0x9c: {  	s17 =	sshll.u32 s16, $0x7;
	[sflag:s13] =	ssyncset.done @!p0 $0x0  }
0x9d: {  	s15 =	sand.u32 $0x3FFFFF80, s17;
	[sflag:s13] =	ssyncadd.s32 @!p0 $0xFFFFE000  }
0x9e: {  	[tilespmem:s29], [sflag:$0xA] =	stream.indirect.gather [hbm4b:s4+s11], $0x40, s15, s11, $0xb8;
	[tilespmem:$0x16580] =	vst v63  }
0x9f: {  	s12 =	sadd.s32 $0x4, s12;
	_ =	swait.ge [sflag:s30], $0x2000  }
0xa0: {  	s17 =	sshll.u32 s12, $0x6;
	[sflag:s30] =	ssyncset.done $0x0  }
0xa1: {  	s13 =	sand.u32 $0x3FFFFFC0, s17;
	[sflag:s30] =	ssyncadd.s32 $0xFFFFE000  }
0xa2: {  	v2 =	vld [tilespmem:s13+$0x1900]  }
0xa3: {  	v3 =	vld [tilespmem:s13+$0x1910]  }
0xa4: {  	v1 =	vld [tilespmem:s13+$0x1920]  }
0xa5: {  	v0 =	vld [tilespmem:s13+$0x1930];
	s13 =	simm.s32 $0x0  }
0xa6: {  	v4 =	vld [tilespmem:s13+$0xA580]  }
0xa7: {  	v6 =	vld [tilespmem:s13+$0xA590]  }
0xa8: {  	s15 =	simm.s32 $0x100;
	v5 =	vld [tilespmem:s13+$0xA5A0]  }
.LBB2_11:
0xa9: {  	p0 =	sne.s32 s15, $0x7F00;
	v7 =	vld [tilespmem:s13+$0xA5B0];
	_ =	sdelay $0x1  }
0xaa: {  	v4 =	vadd.f32 v4, v2  }
.Ltmp4:
0xab: {  	v6 =	vadd.f32 v6, v3;
	(pc) =	sbr.rel @p0 .LBB2_11-.Ltmp4, $4  }
0xac: {  	s17 =	sshra.s32 s15, $0x2;
	[tilespmem:s13+$0xA580] =	vst v4;
	v5 =	vadd.f32 v5, v1  }
0xad: {  	v4 =	vld [tilespmem:s17+$0xA580];
	[tilespmem:s13+$0xA590] =	vst v6;
	v7 =	vadd.f32 v7, v0  }
0xae: {  	v6 =	vld [tilespmem:s17+$0xA590];
	[tilespmem:s13+$0xA5A0] =	vst v5  }
0xaf: {  	s15 =	sadd.s32 $0x100, s15;
	v5 =	vld [tilespmem:s17+$0xA5A0];
	[tilespmem:s13+$0xA5B0] =	vst v7;
	s13 =	smov.u32 s17  }
0xb0: {  	v7 =	vld [tilespmem:s13+$0xA5B0];
	_ =	sdelay $0x1  }
0xb1: {  	v2 =	vadd.f32 v4, v2  }
0xb2: {  	v3 =	vadd.f32 v6, v3  }
0xb3: {  	s12 =	sshll.u32 s12, $0xD;
	[tilespmem:s13+$0xA580] =	vst v2;
	v1 =	vadd.f32 v5, v1  }
0xb4: {  	s12 =	sadd.s32 s7, s12;
	[tilespmem:s13+$0xA590] =	vst v3;
	v0 =	vadd.f32 v7, v0  }
0xb5: {  	s12 =	sshrl.u32 s12, $0x3;
	[tilespmem:s13+$0xA5A0] =	vst v1  }
0xb6: {  	p0 =	seq.s32 s18, $0x4;
	s12 =	sadd.s32 s2, s12;
	[tilespmem:s13+$0xA5B0] =	vst v0  }
0xb7: {  	[hbm4b:s12+s3] =	stream.linear.scatter [tilespmem:s19], [sflag:$0xF], $0x2000, $0x38;
	[tilespmem:$0x16580] =	vst v63  }
0xb8: {  	s12 =	simm.s32 @!p0 $0xB  }
0xb9: {  	s13 =	smul.u32 @!p0 $0x1400, s18;
	_ =	swait.ge @!p0 [sflag:s12], $0x2000  }
0xba: {  	[sflag:s12] =	ssyncset.done @!p0 $0x0  }
0xbb: {  	[sflag:s12] =	ssyncadd.s32 @!p0 $0xFFFFE000;
	s12 =	sshra.s32 @!p0 s13, $0x2  }
0xbc: {  	s15 =	simm.s32 @!p0 $0x80;
	s17 =	simm.s32 @!p0 $0x2580;
	s13 =	sadd.s32 @!p0 $0x500, s12  }
0xbd: {  	[tilespmem:s17], [sflag:$0x1] =	stream.indirect.gather @!p0 [hbm4b:s4+s15], $0x40, s13, s15, $0xb8;
	[tilespmem:$0x16580] =	vst v63  }
0xbe: {  	_ =	swait.ge [sflag:s31], $0x2000  }
0xbf: {  	s17 =	sshll.u32 s5, $0x6;
	[sflag:s31] =	ssyncset.done $0x0  }
0xc0: {  	s13 =	sand.u32 $0x3FFFFFC0, s17;
	[sflag:s31] =	ssyncadd.s32 $0xFFFFE000  }
0xc1: {  	v2 =	vld [tilespmem:s13+$0x1900]  }
0xc2: {  	v3 =	vld [tilespmem:s13+$0x1910]  }
0xc3: {  	v1 =	vld [tilespmem:s13+$0x1920]  }
0xc4: {  	v0 =	vld [tilespmem:s13+$0x1930];
	s13 =	simm.s32 $0x0  }
0xc5: {  	v4 =	vld [tilespmem:s13+$0xC580]  }
0xc6: {  	v6 =	vld [tilespmem:s13+$0xC590]  }
0xc7: {  	s15 =	simm.s32 $0x100;
	v5 =	vld [tilespmem:s13+$0xC5A0]  }
.LBB2_13:
0xc8: {  	p1 =	sne.s32 s15, $0x7F00;
	v7 =	vld [tilespmem:s13+$0xC5B0];
	_ =	sdelay $0x1  }
0xc9: {  	v4 =	vadd.f32 v4, v2  }
.Ltmp5:
0xca: {  	v6 =	vadd.f32 v6, v3;
	(pc) =	sbr.rel @p1 .LBB2_13-.Ltmp5, $4  }
0xcb: {  	s17 =	sshra.s32 s15, $0x2;
	[tilespmem:s13+$0xC580] =	vst v4;
	v5 =	vadd.f32 v5, v1  }
0xcc: {  	v4 =	vld [tilespmem:s17+$0xC580];
	[tilespmem:s13+$0xC590] =	vst v6;
	v7 =	vadd.f32 v7, v0  }
0xcd: {  	v6 =	vld [tilespmem:s17+$0xC590];
	[tilespmem:s13+$0xC5A0] =	vst v5  }
0xce: {  	s15 =	sadd.s32 $0x100, s15;
	v5 =	vld [tilespmem:s17+$0xC5A0];
	[tilespmem:s13+$0xC5B0] =	vst v7;
	s13 =	smov.u32 s17  }
0xcf: {  	v7 =	vld [tilespmem:s13+$0xC5B0];
	_ =	sdelay $0x1  }
0xd0: {  	v2 =	vadd.f32 v4, v2  }
0xd1: {  	v3 =	vadd.f32 v6, v3  }
0xd2: {  	s5 =	sshll.u32 s5, $0xD;
	[tilespmem:s13+$0xC580] =	vst v2;
	v1 =	vadd.f32 v5, v1  }
0xd3: {  	s5 =	sadd.s32 s7, s5;
	[tilespmem:s13+$0xC590] =	vst v3;
	v0 =	vadd.f32 v7, v0  }
0xd4: {  	s5 =	sshrl.u32 s5, $0x3;
	[tilespmem:s13+$0xC5A0] =	vst v1  }
0xd5: {  	s5 =	sadd.s32 s2, s5;
	[tilespmem:s13+$0xC5B0] =	vst v0  }
0xd6: {  	[hbm4b:s5+s3] =	stream.linear.scatter [tilespmem:s20], [sflag:$0x10], $0x2000, $0x38;
	[tilespmem:$0x16580] =	vst v63  }
0xd7: {  	s5 =	simm.s32 @!p0 $0xC  }
0xd8: {  	_ =	swait.ge @!p0 [sflag:s5], $0x2000  }
0xd9: {  	s15 =	simm.s32 @!p0 $0x4580;
	[sflag:s5] =	ssyncset.done @!p0 $0x0  }
0xda: {  	s13 =	simm.s32 @!p0 $0x80;
	[sflag:s5] =	ssyncadd.s32 @!p0 $0xFFFFE000;
	s5 =	sadd.s32 @!p0 $0x580, s12  }
0xdb: {  	[tilespmem:s15], [sflag:$0x2] =	stream.indirect.gather @!p0 [hbm4b:s4+s13], $0x40, s5, s13, $0xb8;
	[tilespmem:$0x16580] =	vst v63  }
0xdc: {  	_ =	swait.ge [sflag:s1], $0x2000  }
0xdd: {  	s17 =	sshll.u32 s6, $0x6;
	[sflag:s1] =	ssyncset.done $0x0  }
0xde: {  	s5 =	sand.u32 $0x3FFFFFC0, s17;
	[sflag:s1] =	ssyncadd.s32 $0xFFFFE000  }
0xdf: {  	v2 =	vld [tilespmem:s5+$0x1900]  }
0xe0: {  	v3 =	vld [tilespmem:s5+$0x1910]  }
0xe1: {  	v1 =	vld [tilespmem:s5+$0x1920]  }
0xe2: {  	v0 =	vld [tilespmem:s5+$0x1930];
	s5 =	simm.s32 $0x0  }
0xe3: {  	v4 =	vld [tilespmem:s5+$0xE580]  }
0xe4: {  	v6 =	vld [tilespmem:s5+$0xE590]  }
0xe5: {  	s13 =	simm.s32 $0x100;
	v5 =	vld [tilespmem:s5+$0xE5A0]  }
.LBB2_15:
0xe6: {  	p1 =	sne.s32 s13, $0x7F00;
	v7 =	vld [tilespmem:s5+$0xE5B0];
	_ =	sdelay $0x1  }
0xe7: {  	v4 =	vadd.f32 v4, v2  }
.Ltmp6:
0xe8: {  	v6 =	vadd.f32 v6, v3;
	(pc) =	sbr.rel @p1 .LBB2_15-.Ltmp6, $4  }
0xe9: {  	s15 =	sshra.s32 s13, $0x2;
	[tilespmem:s5+$0xE580] =	vst v4;
	v5 =	vadd.f32 v5, v1  }
0xea: {  	v4 =	vld [tilespmem:s15+$0xE580];
	[tilespmem:s5+$0xE590] =	vst v6;
	v7 =	vadd.f32 v7, v0  }
0xeb: {  	v6 =	vld [tilespmem:s15+$0xE590];
	[tilespmem:s5+$0xE5A0] =	vst v5  }
0xec: {  	s13 =	sadd.s32 $0x100, s13;
	v5 =	vld [tilespmem:s15+$0xE5A0];
	[tilespmem:s5+$0xE5B0] =	vst v7;
	s5 =	smov.u32 s15  }
0xed: {  	v7 =	vld [tilespmem:s5+$0xE5B0];
	_ =	sdelay $0x1  }
0xee: {  	v2 =	vadd.f32 v4, v2  }
0xef: {  	v3 =	vadd.f32 v6, v3  }
0xf0: {  	s6 =	sshll.u32 s6, $0xD;
	[tilespmem:s5+$0xE580] =	vst v2;
	v1 =	vadd.f32 v5, v1  }
0xf1: {  	s6 =	sadd.s32 s7, s6;
	[tilespmem:s5+$0xE590] =	vst v3;
	v0 =	vadd.f32 v7, v0  }
0xf2: {  	s6 =	sshrl.u32 s6, $0x3;
	[tilespmem:s5+$0xE5A0] =	vst v1  }
0xf3: {  	s15 =	sadd.s32 s2, s6;
	[tilespmem:s5+$0xE5B0] =	vst v0;
	s5 =	simm.s32 @!p0 $0xD  }
0xf4: {  	[hbm4b:s15+s3] =	stream.linear.scatter [tilespmem:s22], [sflag:$0x11], $0x2000, $0x38;
	[tilespmem:$0x16580] =	vst v63  }
0xf5: {  	_ =	swait.ge @!p0 [sflag:s5], $0x2000  }
0xf6: {  	s13 =	simm.s32 @!p0 $0x6580;
	[sflag:s5] =	ssyncset.done @!p0 $0x0  }
0xf7: {  	s6 =	simm.s32 @!p0 $0x80;
	[sflag:s5] =	ssyncadd.s32 @!p0 $0xFFFFE000;
	s5 =	sadd.s32 @!p0 $0x600, s12  }
0xf8: {  	[tilespmem:s13], [sflag:$0x3] =	stream.indirect.gather @!p0 [hbm4b:s4+s6], $0x40, s5, s6, $0xb8;
	[tilespmem:$0x16580] =	vst v63  }
0xf9: {  	_ =	swait.ge [sflag:s0], $0x2000  }
0xfa: {  	s17 =	sshll.u32 s8, $0x6;
	[sflag:s0] =	ssyncset.done $0x0  }
0xfb: {  	s5 =	sand.u32 $0x3FFFFFC0, s17;
	[sflag:s0] =	ssyncadd.s32 $0xFFFFE000  }
0xfc: {  	v2 =	vld [tilespmem:s5+$0x1900]  }
0xfd: {  	v3 =	vld [tilespmem:s5+$0x1910]  }
0xfe: {  	v1 =	vld [tilespmem:s5+$0x1920]  }
0xff: {  	v0 =	vld [tilespmem:s5+$0x1930];
	s5 =	simm.s32 $0x0  }
0x100: {  	v4 =	vld [tilespmem:s5+$0x10580]  }
0x101: {  	v6 =	vld [tilespmem:s5+$0x10590]  }
0x102: {  	s6 =	simm.s32 $0x100;
	v5 =	vld [tilespmem:s5+$0x105A0]  }
.LBB2_17:
0x103: {  	p1 =	sne.s32 s6, $0x7F00;
	v7 =	vld [tilespmem:s5+$0x105B0];
	_ =	sdelay $0x1  }
0x104: {  	v4 =	vadd.f32 v4, v2  }
.Ltmp7:
0x105: {  	v6 =	vadd.f32 v6, v3;
	(pc) =	sbr.rel @p1 .LBB2_17-.Ltmp7, $4  }
0x106: {  	s13 =	sshra.s32 s6, $0x2;
	[tilespmem:s5+$0x10580] =	vst v4;
	v5 =	vadd.f32 v5, v1  }
0x107: {  	v4 =	vld [tilespmem:s13+$0x10580];
	[tilespmem:s5+$0x10590] =	vst v6;
	v7 =	vadd.f32 v7, v0  }
0x108: {  	v6 =	vld [tilespmem:s13+$0x10590];
	[tilespmem:s5+$0x105A0] =	vst v5  }
0x109: {  	s6 =	sadd.s32 $0x100, s6;
	v5 =	vld [tilespmem:s13+$0x105A0];
	[tilespmem:s5+$0x105B0] =	vst v7;
	s5 =	smov.u32 s13  }
0x10a: {  	v7 =	vld [tilespmem:s5+$0x105B0];
	_ =	sdelay $0x1  }
0x10b: {  	v2 =	vadd.f32 v4, v2  }
0x10c: {  	v3 =	vadd.f32 v6, v3  }
0x10d: {  	s6 =	sshll.u32 s8, $0xD;
	[tilespmem:s5+$0x10580] =	vst v2;
	v1 =	vadd.f32 v5, v1  }
0x10e: {  	s6 =	sadd.s32 s7, s6;
	[tilespmem:s5+$0x10590] =	vst v3;
	v0 =	vadd.f32 v7, v0  }
0x10f: {  	s6 =	sshrl.u32 s6, $0x3;
	[tilespmem:s5+$0x105A0] =	vst v1  }
0x110: {  	s15 =	sadd.s32 s2, s6;
	[tilespmem:s5+$0x105B0] =	vst v0;
	s5 =	simm.s32 @!p0 $0xE  }
0x111: {  	[hbm4b:s15+s3] =	stream.linear.scatter [tilespmem:s24], [sflag:$0x12], $0x2000, $0x38;
	[tilespmem:$0x16580] =	vst v63  }
0x112: {  	_ =	swait.ge @!p0 [sflag:s5], $0x2000  }
0x113: {  	s8 =	simm.s32 @!p0 $0x8580;
	[sflag:s5] =	ssyncset.done @!p0 $0x0  }
0x114: {  	s6 =	simm.s32 @!p0 $0x80;
	[sflag:s5] =	ssyncadd.s32 @!p0 $0xFFFFE000;
	s5 =	sadd.s32 @!p0 $0x680, s12  }
0x115: {  	[tilespmem:s8], [sflag:$0x4] =	stream.indirect.gather @!p0 [hbm4b:s4+s6], $0x40, s5, s6, $0xb8;
	[tilespmem:$0x16580] =	vst v63  }
0x116: {  	_ =	swait.ge [sflag:s10], $0x2000  }
0x117: {  	s17 =	sshll.u32 s9, $0x6;
	[sflag:s10] =	ssyncset.done $0x0  }
0x118: {  	s5 =	sand.u32 $0x3FFFFFC0, s17;
	[sflag:s10] =	ssyncadd.s32 $0xFFFFE000  }
0x119: {  	v2 =	vld [tilespmem:s5+$0x1900]  }
0x11a: {  	v3 =	vld [tilespmem:s5+$0x1910]  }
0x11b: {  	v1 =	vld [tilespmem:s5+$0x1920]  }
0x11c: {  	v0 =	vld [tilespmem:s5+$0x1930];
	s5 =	simm.s32 $0x0  }
0x11d: {  	v4 =	vld [tilespmem:s5+$0x12580]  }
0x11e: {  	v6 =	vld [tilespmem:s5+$0x12590]  }
0x11f: {  	s6 =	simm.s32 $0x100;
	v5 =	vld [tilespmem:s5+$0x125A0]  }
.LBB2_19:
0x120: {  	p1 =	sne.s32 s6, $0x7F00;
	v7 =	vld [tilespmem:s5+$0x125B0];
	_ =	sdelay $0x1  }
0x121: {  	v4 =	vadd.f32 v4, v2  }
.Ltmp8:
0x122: {  	v6 =	vadd.f32 v6, v3;
	(pc) =	sbr.rel @p1 .LBB2_19-.Ltmp8, $4  }
0x123: {  	s8 =	sshra.s32 s6, $0x2;
	[tilespmem:s5+$0x12580] =	vst v4;
	v5 =	vadd.f32 v5, v1  }
0x124: {  	v4 =	vld [tilespmem:s8+$0x12580];
	[tilespmem:s5+$0x12590] =	vst v6;
	v7 =	vadd.f32 v7, v0  }
0x125: {  	v6 =	vld [tilespmem:s8+$0x12590];
	[tilespmem:s5+$0x125A0] =	vst v5  }
0x126: {  	s6 =	sadd.s32 $0x100, s6;
	v5 =	vld [tilespmem:s8+$0x125A0];
	[tilespmem:s5+$0x125B0] =	vst v7;
	s5 =	smov.u32 s8  }
0x127: {  	v7 =	vld [tilespmem:s5+$0x125B0];
	_ =	sdelay $0x1  }
0x128: {  	v2 =	vadd.f32 v4, v2  }
0x129: {  	v3 =	vadd.f32 v6, v3  }
0x12a: {  	s6 =	sshll.u32 s9, $0xD;
	[tilespmem:s5+$0x12580] =	vst v2;
	v1 =	vadd.f32 v5, v1  }
0x12b: {  	s6 =	sadd.s32 s7, s6;
	[tilespmem:s5+$0x12590] =	vst v3;
	v0 =	vadd.f32 v7, v0  }
0x12c: {  	s6 =	sshrl.u32 s6, $0x3;
	[tilespmem:s5+$0x125A0] =	vst v1  }
0x12d: {  	s15 =	sadd.s32 s2, s6;
	[tilespmem:s5+$0x125B0] =	vst v0;
	s5 =	simm.s32 @!p0 $0xF  }
0x12e: {  	[hbm4b:s15+s3] =	stream.linear.scatter [tilespmem:s26], [sflag:$0x13], $0x2000, $0x38;
	[tilespmem:$0x16580] =	vst v63  }
0x12f: {  	_ =	swait.ge @!p0 [sflag:s5], $0x2000  }
0x130: {  	s8 =	simm.s32 @!p0 $0xA580;
	[sflag:s5] =	ssyncset.done @!p0 $0x0  }
0x131: {  	s6 =	simm.s32 @!p0 $0x80;
	[sflag:s5] =	ssyncadd.s32 @!p0 $0xFFFFE000;
	s5 =	sadd.s32 @!p0 $0x700, s12  }
0x132: {  	[tilespmem:s8], [sflag:$0x5] =	stream.indirect.gather @!p0 [hbm4b:s4+s6], $0x40, s5, s6, $0xb8;
	[tilespmem:$0x16580] =	vst v63  }
0x133: {  	_ =	swait.ge [sflag:s14], $0x2000  }
0x134: {  	s17 =	sshll.u32 s16, $0x6;
	[sflag:s14] =	ssyncset.done $0x0  }
0x135: {  	s5 =	sand.u32 $0x3FFFFFC0, s17;
	[sflag:s14] =	ssyncadd.s32 $0xFFFFE000  }
0x136: {  	v2 =	vld [tilespmem:s5+$0x1900]  }
0x137: {  	v3 =	vld [tilespmem:s5+$0x1910]  }
0x138: {  	v1 =	vld [tilespmem:s5+$0x1920]  }
0x139: {  	v0 =	vld [tilespmem:s5+$0x1930];
	s5 =	simm.s32 $0x0  }
0x13a: {  	v4 =	vld [tilespmem:s5+$0x14580]  }
0x13b: {  	v6 =	vld [tilespmem:s5+$0x14590]  }
0x13c: {  	s6 =	simm.s32 $0x100;
	v5 =	vld [tilespmem:s5+$0x145A0]  }
.LBB2_21:
0x13d: {  	p0 =	sne.s32 s6, $0x7F00;
	v7 =	vld [tilespmem:s5+$0x145B0];
	_ =	sdelay $0x1  }
0x13e: {  	v4 =	vadd.f32 v4, v2  }
.Ltmp9:
0x13f: {  	v6 =	vadd.f32 v6, v3;
	(pc) =	sbr.rel @p0 .LBB2_21-.Ltmp9, $4  }
0x140: {  	s8 =	sshra.s32 s6, $0x2;
	[tilespmem:s5+$0x14580] =	vst v4;
	v5 =	vadd.f32 v5, v1  }
0x141: {  	v4 =	vld [tilespmem:s8+$0x14580];
	[tilespmem:s5+$0x14590] =	vst v6;
	v7 =	vadd.f32 v7, v0  }
0x142: {  	v6 =	vld [tilespmem:s8+$0x14590];
	[tilespmem:s5+$0x145A0] =	vst v5  }
0x143: {  	s6 =	sadd.s32 $0x100, s6;
	v5 =	vld [tilespmem:s8+$0x145A0];
	[tilespmem:s5+$0x145B0] =	vst v7;
	s5 =	smov.u32 s8  }
0x144: {  	v7 =	vld [tilespmem:s5+$0x145B0];
	_ =	sdelay $0x1  }
0x145: {  	s18 =	sadd.s32 $0x1, s18;
	v2 =	vadd.f32 v4, v2  }
0x146: {  	p0 =	sne.s32 s18, $0x5;
	v3 =	vadd.f32 v6, v3  }
.Ltmp10:
0x147: {  	s6 =	sshll.u32 s16, $0xD;
	[tilespmem:s5+$0x14580] =	vst v2;
	v1 =	vadd.f32 v5, v1;
	(pc) =	sbr.rel @p0 .LBB2_2-.Ltmp10, $4  }
0x148: {  	s6 =	sadd.s32 s7, s6;
	[tilespmem:s5+$0x14590] =	vst v3;
	v0 =	vadd.f32 v7, v0  }
0x149: {  	s6 =	sshrl.u32 s6, $0x3;
	[tilespmem:s5+$0x145A0] =	vst v1  }
0x14a: {  	s17 =	sadd.s32 s2, s6;
	[tilespmem:s5+$0x145B0] =	vst v0  }
0x14b: {  	[hbm4b:s17+s3] =	stream.linear.scatter [tilespmem:s29], [sflag:$0x14], $0x2000, $0x38;
	[tilespmem:$0x16580] =	vst v63  }
0x14c: {  	s5 =	simm.s32 $0x10  }
0x14d: {  	_ =	swait.ge [sflag:s5], $0x2000  }
0x14e: {  	[sflag:s5] =	ssyncset.done $0x0  }
0x14f: {  	s15 =	simm.s32 $0x11;
	[sflag:s5] =	ssyncadd.s32 $0xFFFFE000  }
0x150: {  	_ =	swait.ge [sflag:s15], $0x2000  }
0x151: {  	[sflag:s15] =	ssyncset.done $0x0  }
0x152: {  	s16 =	simm.s32 $0x12;
	[sflag:s15] =	ssyncadd.s32 $0xFFFFE000  }
0x153: {  	_ =	swait.ge [sflag:s16], $0x2000  }
0x154: {  	[sflag:s16] =	ssyncset.done $0x0  }
0x155: {  	s17 =	simm.s32 $0x13;
	[sflag:s16] =	ssyncadd.s32 $0xFFFFE000  }
0x156: {  	_ =	swait.ge [sflag:s17], $0x2000  }
0x157: {  	[sflag:s17] =	ssyncset.done $0x0  }
0x158: {  	s6 =	simm.s32 $0x14;
	[sflag:s17] =	ssyncadd.s32 $0xFFFFE000  }
0x159: {  	_ =	swait.ge [sflag:s6], $0x2000  }
0x15a: {  	s8 =	rddreg [dreg:$0x6]  }
0x15b: {  	s18 =	rddreg [dreg:$0x5];
	s8 =	sadd.s32 $0x1, s8  }
0x15c: {  	p0 =	sne.s32 s8, s18  }
.Ltmp11:
0x15d: {  	_ = 	snop;
	(pc) =	sbr.rel @p0 .LBB2_1-.Ltmp11, $3  }
0x15e: {  	_ =	sdelay $0x1  }
0x15f: {  	[sflag:s6] =	ssyncset.done $0x0  }
0x160: {  	[sflag:s6] =	ssyncadd.s32 $0xFFFFE000  }
0x161: {  	_ =	sfence.sel $0x180000  }
0x162: {  	[bflag:$0x0] =	sbarrier.arrive $0xFFFF  }
0x163: {  	_ =	strace $0x90000047  }
0x164: {  	s0 =	stileid.u32;
	[bflag:$0x2] =	sbarrier.arrive $0xFFFF  }
0x165: {  	p0 =	sne.s32 s0, $0x0;
	s0 =	rddreg [dreg:$0x2]  }
0x166: {  	s0 =	sadd.s32 @!p0 $0x100000, s0  }
0x167: {  	[sflag:s0] =	ssyncadd.tile.s32 @!p0 $0x1;
	_ =	shalt  }
.Lfunc_end2:
_tile_overlayer_lowered:
.L_overlay_start_2:
0x168: {  	(tag) =	ssettag $0x2  }
0x169: {  	s0 =	rddreg [dreg:$0x0];
	s2 =	stileid.u32  }
0x16a: {  	s1 =	rddreg [dreg:$0x1];
	p0 =	sne.s32 s2, $0x0  }
0x16b: {  	s3 =	rddreg [dreg:$0x2];
	[bflag:$0x3] =	sbarrier.arrive $0xFFFF;
	s2 =	simm.s32 @!p0 $0x1C15  }
0x16c: {  	[timem:s3], [sflag:s2] =	dma.local @!p0 [hbm:s0], s1  }
0x16d: {  	s0 =	simm.s32 @!p0 $0x15  }
0x16e: {  	_ =	swait.ge @!p0 [sflag:s0], s1  }
0x16f: {  	s1 =	ssub.s32 @!p0 $0x0, s1;
	[sflag:s0] =	ssyncset.done @!p0 $0x0  }
0x170: {  	[sflag:s0] =	ssyncadd.s32 @!p0 s1  }
0x171: {  	[bflag:$0x3] =	sbarrier.arrive $0xFFFF  }
0x172: {  	_ =	shalt  }

// kernel: sparse-core-data-format-call.cloned.1.call-start
scs
called_computation_lowered:
.L_overlay_start_0:
0x0: {  	s2 =	sld [smem:$0x3FD9]  }
0x1: {  	s3 =	sld [smem:$0x3FFE];
	_ =	sdelay $0x1  }
0x2: {  	s1 =	srdreg.scid  }
0x3: {  	s0 =	sand.u32 $0x1, s1  }
0x4: {  	s18 =	sshll.u32 s0, $0xA;
	s2 =	sadd.s32 s3, s2  }
0x5: {  	s2 =	sadd.s32 s2, s18  }
0x6: {  	[smem:$0x3FC6] =	sst s2  }
0x7: {  	_ = 	snop  }
0x8: {  	s2 =	sld [smem:$0x3FD0];
	(tm) =	ssettm $0x1  }
0x9: {  	s19 =	sld [smem:$0x3FFB];
	_ =	sdelay $0x3  }
0xa: {  	_ =	strace s19  }
0xb: {  	s3 =	sld [smem:$0x3FFC];
	_ =	sdelay $0x3  }
0xc: {  	_ =	strace s3  }
0xd: {  	s3 =	sld [smem:$0x3FFD];
	_ =	sdelay $0x3  }
0xe: {  	_ =	strace s3  }
0xf: {  	_ =	strace $0x8FFFFFFF  }
0x10: {  	s20 =	sld [smem:$0x3FDB];
	_ =	sdelay $0x1  }
0x11: {  	s4 =	simm.s32 $_scs_section_size  }
0x12: {  	s5 =	simm.s32 $_size__tile_overlayer_lowered;
	s6 =	simm.s32 $_tile_overlayer_lowered  }
0x13: {  	s23 =	simm.s32 $0x1BFF;
	s22 =	sshll.u32 s6, $0x1;
	s3 =	sadd.s32 s4, s20  }
0x14: {  	s7 =	simm.s32 $0x0;
	s21 =	sshll.u32 s5, $0x1;
	s5 =	sadd.s32 s22, s3  }
0x15: {  	[timem:s7], [sflag:s23] =	dma.local [hbm:s5], s21  }
0x16: {  	_ =	swait.ge [sflag:s23], s21  }
0x17: {  	s4 =	ssub.s32 $0x0, s21;
	[sflag:s23] =	ssyncset.done $0x0  }
0x18: {  	[sflag:s23] =	ssyncadd.s32 s4;
	_ =	sdelay $0x1  }
0x19: {  	s24 =	simm.s32 $0x1B8B  }
0x1a: {  	_ =	swait.ge [sflag:s24], $0x1  }
0x1b: {  	[sflag:s24] =	ssyncset.done $0x0  }
0x1c: {  	s26 =	simm.s32 $0x1B8E;
	s25 =	sld [smem:$0x3FFE];
	[sflag:s24] =	ssyncadd.s32 $0xFFFFFFFF  }
0x1d: {  	s27 =	simm.s32 $execute0_lowered;
	[smem:$0x3FD2] =	sst s26  }
0x1e: {  	s5 =	sshll.u32 s27, $0x1;
	_ =	strace $0x80000049;
	[dreg:$0x1] =	wrdreg $0xFFFFFFFF  }
0x1f: {  	s28 =	simm.s32 $_size_execute0_lowered;
	s3 =	sadd.s32 s3, s5;
	[dreg:$0x0] =	wrdreg $0x0  }
0x20: {  	s5 =	sshll.u32 s28, $0x1;
	[dreg:$0x2] =	wrdreg s3  }
0x21: {  	[dreg:$0x3] =	wrdreg s5  }
0x22: {  	[dreg:$0x4] =	wrdreg $0xC0  }
0x23: {  	_ =	task [dreg:s7], $0x5FFFF  }
0x24: {  	[dreg:$0x1] =	wrdreg $0xFFFFFFFF  }
0x25: {  	[dreg:$0x0] =	wrdreg $0x60  }
0x26: {  	[dreg:$0x2] =	wrdreg s25  }
0x27: {  	[dreg:$0x3] =	wrdreg s2  }
0x28: {  	[dreg:$0x4] =	wrdreg $0x9  }
0x29: {  	_ =	task.clear_ibuf [dreg:s7], $0x5FFFF;
	_ =	strace $0x90000049  }
0x2a: {  	s29 =	simm.s32 $0x9;
	_ =	strace $0x8000004B  }
0x2b: {  	_ =	swait.ge [sflag:s29], $0x1  }
0x2c: {  	[sflag:s29] =	ssyncadd.s32 $0xFFFFFFFF  }
0x2d: {  	_ =	strace $0x9000004B  }
0x2e: {  	_ =	sfence  }
0x2f: {  	s30 =	sld [smem:$0x0];
	_ =	sdelay $0x2  }
0x30: {  	s31 =	sshll.u32 s1, $0xD;
	s1 =	sshrl.u32 s1, $0x2  }
0x31: {  	s3 =	sand.u32 $0x4000, s31;
	s1 =	sadd.s32 s1, s30  }
0x32: {  	s0 =	sor.u32 s3, s0;
	s1 =	sshll.u32 s1, $0x11  }
0x33: {  	s0 =	sor.u32 s1, s0  }
0x34: {  	s0 =	sadd.s32 $0x8F2B, s0  }
0x35: {  	[sflag:s0] =	ssyncadd.remote.s32 $0x1  }
0x36: {  	_ =	sfence.sel $0xFFFF  }
0x37: {  	[dreg:$0x0] =	wrdreg $0xFFFFFFFF;
	(pc) =	sbr.abs _section_cstart, $3  }
0x38: {  	[dreg:$0x1] =	wrdreg $0xFFFFFFFF  }
0x39: {  	_ =	task.clear_ibuf [dreg:s7], $0x2FFFF;
	_ =	strace $0x9FFFFFFF  }
0x3a: {  	(tm) =	ssettm $0x7FFFFFFF  }
0x3b: {  	_ =	shalt  }
tec
execute0_lowered:
.L_overlay_start_1:
0x0: {  	(tag) =	ssettag $0x1  }
0x1: {  	s7 =	rddreg [dreg:$0x0]  }
0x2: {  	s2 =	rddreg [dreg:$0x1]  }
0x3: {  	s0 =	stileid.u32;
	s1 =	srdreg.scid;
	s31 =	simm.s32 $0x2  }
0x4: {  	s14 =	simm.s32 $0x0;
	s15 =	simm.s32 $0x0;
	s13 =	simm.s32 $0x0  }
0x5: {  	s3 =	sshll.u32 s0, $0x5;
	s4 =	sshll.u32 s1, $0x9;
	s5 =	sshll.u32 s0, $0x1  }
0x6: {  	s1 =	rddreg [dreg:$0x2];
	s4 =	sor.u32 s3, s4;
	s3 =	sand.u32 $0x6, s5  }
0x7: {  	_ =	strace $0x8000004A;
	s4 =	sand.u32 $0x380, s4;
	s5 =	ssub.s32 $0xC8, s3  }
0x8: {  	s12 =	smov.u32 s3;
	s8 =	sshll.u32 s4, $0x4;
	s6 =	sand.u32 $0x6, s5  }
0x9: {  	s9 =	ssub.s32 $0x400, s4;
	s11 =	sshrl.u32 s5, $0x3;
	s5 =	simm.s32 $0x1  }
0xa: {  	p0 =	sne.s32 s6, $0x0;
	s6 =	simm.s32 $0x1;
	s10 =	sand.u32 $0x380, s9  }
0xb: {  	s6 =	simm.s32 @!p0 $0x0;
	p0 =	sne.s32 s10, $0x0;
	s10 =	simm.s32 $0x1  }
.Ltmp0:
0xc: {  	s9 =	sshrl.u32 s9, $0xA;
	s10 =	simm.s32 @!p0 $0x0;
	(pc) =	sbr.rel .LBB1_1-.Ltmp0, $4  }
0xd: {  	[sflag:s5] =	ssyncpa.u1 $0x0;
	s6 =	sadd.s32 s6, s11;
	s9 =	sadd.s32 s10, s9  }
0xe: {  	s8 =	sadd.s32 s8, s7;
	[sflag:s31] =	ssyncpa.u1 $0x0;
	s6 =	smul.u32 s6, s9  }
0xf: {  	s7 =	sadd.s32 $0xC00, s8;
	s8 =	sadd.s32 $0x4C00, s8;
	p0 =	por $0x0, $0x0  }
0x10: {  	s11 =	simm.s32 $0x2000;
	s10 =	simm.s32 $0x400;
	s9 =	sadd.s32 $0x1, s6  }
.LBB1_7:
0x11: {  	s16 =	sadd.s32 $0x8, s12  }
0x12: {  	p2 =	sgt.s32 s16, $0xC7  }
0x13: {  	s16 =	smov.u32 @p2 s3;
	p2 =	sne.s32 s13, s9  }
.Ltmp1:
0x14: {  	p1 =	slt.u32 s13, $0x2;
	(pc) =	sbr.rel @!p2 .LBB1_8-.Ltmp1, $4  }
0x15: {  	s14 =	simm.s32 @!p1 $0x2  }
0x16: {  	s17 =	sadd.s32 $0x1, s13;
	s15 =	smov.u32 s12;
	_ =	swait.ge @!p1 [sflag:s14], $0x4000  }
0x17: {  	p0 =	por !p0, !p0;
	s13 =	smov.u32 s17;
	[sflag:s14] =	ssyncset.done @!p1 $0x0  }
0x18: {  	s12 =	smov.u32 s16;
	[sflag:s14] =	ssyncadd.s32 @!p1 $0xFFFFC000;
	s14 =	smov.u32 s4  }
.LBB1_1:
0x19: {  	p1 =	sge.u32 s13, s6  }
0x1a: {  	s16 =	sxor.u32 @!p1 $0xFFFFFFFF, s13  }
0x1b: {  	s17 =	sshll.u32 @!p1 s12, $0xE;
	s19 =	simm.s32 @!p1 $0x40;
	s16 =	sshll.u32 @!p1 s16, $0xE  }
0x1c: {  	s20 =	simm.s32 @!p1 $0x80;
	s18 =	sadd.s32 @!p1 s17, s7;
	s16 =	sand.u32 @!p1 $0x4000, s16  }
0x1d: {  	[tilespmem:s16], [sflag:$0x1] =	stream.strided.gather @!p1 [hbm4b:s18+s19], $0x2000, s20, s19, $0x38;
	[tilespmem:$0x10100] =	vst v63  }
0x1e: {  	s31 =	sadd.s32 $0xFFFFFFFF, s13;
	s17 =	sadd.s32 @!p1 s17, s8;
	s16 =	sor.u32 @!p1 $0x2000, s16  }
0x1f: {  	[tilespmem:s16], [sflag:$0x1] =	stream.strided.gather @!p1 [hbm4b:s17+s19], $0x2000, s20, s19, $0x38;
	[tilespmem:$0x10100] =	vst v63  }
0x20: {  	p1 =	sge.u32 s31, s6  }
.Ltmp2:
0x21: {  	_ = 	snop;
	(pc) =	sbr.rel @p1 .LBB1_7-.Ltmp2, $1  }
0x22: {  	_ =	sdelay $0x3  }
0x23: {  	s16 =	simm.s32 $0x1;
	s18 =	sand.u32 $0x1, s13  }
0x24: {  	_ =	swait.ge [sflag:s5], $0x4000;
	s16 =	simm.s32 @!p0 $0x0;
	s18 =	smul.u32 $0x10200, s18  }
0x25: {  	p2 =	por $0x1, $0x1;
	[sflag:s5] =	ssyncset.done $0x0;
	s17 =	smul.u32 $0x10200, s16  }
0x26: {  	s19 =	sshll.u32 s16, $0x10;
	[sflag:s5] =	ssyncadd.s32 $0xFFFFC000;
	s30 =	sshrl.u32 s18, $0x2  }
0x27: {  	s31 =	sshrl.u32 s19, $0x2;
	s19 =	simm.s32 $0x0;
	s17 =	sshrl.u32 s17, $0x2  }
0x28: {  	s16 =	sor.u32 $0x8000, s30;
	s18 =	sadd.s32 $0x20, s31;
	s17 =	sor.u32 $0x8000, s17  }
.LBB1_3:
0x29: {  	s20 =	sshll.u32 s19, $0xD  }
0x2a: {  	s20 =	sand.u32 $0x3FFFE000, s20  }
0x2b: {  	s22 =	sadd.s32 s20, s18  }
0x2c: {  	s31 =	smul.u32 $0x8100, s19;
	v3 =	vld [tilespmem:s22+$0x10]  }
0x2d: {  	v1 =	vld [tilespmem:s22+$0xFFFFFFF0]  }
0x2e: {  	s19 =	sshra.s32 s31, $0x2;
	v0 =	vld [tilespmem:s22+$0x0]  }
0x2f: {  	s19 =	sadd.s32 s19, s17;
	v2 =	vld [tilespmem:s22+$0xFFFFFFE0]  }
0x30: {  	s20 =	sadd.s32 $0x0, s19  }
0x31: {  	p1 =	por p2, p2;
	s21 =	simm.s32 $0x4;
	s22 =	sadd.s32 $0x40, s22;
	[tilespmem:s20+$0x1830 ss:$0x81] =	vst.msk $0xffff, v3  }
.LBB1_4:
0x32: {  	v3 =	vld [tilespmem:s22+$0x10];
	p2 =	sne.s32 s21, $0x1FC;
	[tilespmem:s20+$0x810 ss:$0x81] =	vst.msk $0xffff, v1;
	s23 =	smov.u32 s21;
	s21 =	sadd.s32 $0x4, s21  }
.Ltmp3:
0x33: {  	v1 =	vld [tilespmem:s22+$0xFFFFFFF0];
	[tilespmem:s20+$0x1020 ss:$0x81] =	vst.msk $0xffff, v0;
	(pc) =	sbr.rel @p2 .LBB1_4-.Ltmp3, $4  }
0x34: {  	v0 =	vld [tilespmem:s22+$0x0];
	[tilespmem:s20+$0x0 ss:$0x81] =	vst.msk $0xffff, v2  }
0x35: {  	s20 =	sshra.s32 s23, $0x2;
	v2 =	vld [tilespmem:s22+$0xFFFFFFE0]  }
0x36: {  	s20 =	sadd.s32 s20, s19  }
0x37: {  	s22 =	sadd.s32 $0x40, s22;
	[tilespmem:s20+$0x1830 ss:$0x81] =	vst.msk $0xffff, v3  }
.Ltmp4:
0x38: {  	(pc) =	sbr.rel @p1 .LBB1_3-.Ltmp4, $4  }
0x39: {  	_ = 	snop  }
0x3a: {  	[tilespmem:s20+$0x810 ss:$0x81] =	vst.msk $0xffff, v1  }
0x3b: {  	[tilespmem:s20+$0x1020 ss:$0x81] =	vst.msk $0xffff, v0  }
0x3c: {  	s19 =	simm.s32 $0x1;
	p2 =	por $0x0, $0x0;
	[tilespmem:s20+$0x0 ss:$0x81] =	vst.msk $0xffff, v2  }
.Ltmp5:
0x3d: {  	(pc) =	sbr.rel .LBB1_7-.Ltmp5, $4  }
0x3e: {  	_ = 	snop  }
0x3f: {  	s15 =	sshll.u32 s15, $0xD;
	s14 =	sadd.s32 s2, s14  }
0x40: {  	s14 =	sadd.s32 s15, s14  }
0x41: {  	[hbm4b:s14+s10] =	stream.strided.scatter [tilespmem:s16], [sflag:$0x2], $0x4000, s11, s10, $0x20;
	[tilespmem:$0x10100] =	vst v63  }
.LBB1_8:
0x42: {  	_ =	sfence.sel $0x180000  }
0x43: {  	s2 =	simm.s32 $0x1;
	[bflag:$0x0] =	sbarrier.arrive $0xFFFF  }
0x44: {  	s31 =	simm.s32 $0x2;
	[sflag:s2] =	ssyncpa.u1 $0x1  }
0x45: {  	[sflag:s31] =	ssyncpa.u1 $0x1  }
0x46: {  	p0 =	sne.s32 s0, $0x0;
	_ =	strace $0x9000004A  }
0x47: {  	s0 =	sadd.s32 @!p0 $0x100000, s1;
	[bflag:$0x2] =	sbarrier.arrive $0xFFFF  }
0x48: {  	[sflag:s0] =	ssyncadd.tile.s32 @!p0 $0x1;
	_ =	shalt  }
.Lfunc_end1:
_tile_overlayer_lowered:
.L_overlay_start_2:
0x49: {  	(tag) =	ssettag $0x2  }
0x4a: {  	s0 =	rddreg [dreg:$0x0];
	s2 =	stileid.u32  }
0x4b: {  	s1 =	rddreg [dreg:$0x1];
	p0 =	sne.s32 s2, $0x0  }
0x4c: {  	s3 =	rddreg [dreg:$0x2];
	[bflag:$0x3] =	sbarrier.arrive $0xFFFF;
	s2 =	simm.s32 @!p0 $0x1C01  }
0x4d: {  	[timem:s3], [sflag:s2] =	dma.local @!p0 [hbm:s0], s1  }
0x4e: {  	s0 =	simm.s32 @!p0 $0x1  }
0x4f: {  	_ =	swait.ge @!p0 [sflag:s0], s1  }
0x50: {  	s1 =	ssub.s32 @!p0 $0x0, s1;
	[sflag:s0] =	ssyncset.done @!p0 $0x0  }
0x51: {  	[sflag:s0] =	ssyncadd.s32 @!p0 s1  }
0x52: {  	[bflag:$0x3] =	sbarrier.arrive $0xFFFF  }
0x53: {  	_ =	shalt  }

</sc_bundles>
